<compile_context>
chip_gen: v7x
topology: tpu7x:2x2x1
jax: 0.10.2.dev20260603
libtpu: 0.0.44.dev20260713+nightly
codegen_flags: <defaults>
</compile_context>

<pallas_src>
import functools

import jax
import jax.numpy as jnp
from jax import lax
from jax.experimental import pallas as pl
from jax.experimental.pallas import tpu as pltpu
from jax.experimental.pallas import tpu_sc as plsc

N = 10000
E = 320000
D = 128

NC = 2
NS = 16
L = 16
NW = NC * NS

B = 32
NBLK = 320
EPAD = NW * NBLK * B
RPT = 624

CH = 8
NT = N + 16

RB = 1000



def _k1_body(x_ref, w_ref, a_ref, xl_out, a_out):
    xl = jnp.dot(x_ref[...], w_ref[...], preferred_element_type=jnp.float32)
    xl_out[...] = xl
    a_out[...] = jnp.dot(xl, a_ref[...], preferred_element_type=jnp.float32)


def _tc_pre(x, W, A):
    return pl.pallas_call(
        _k1_body,
        grid=(N // RB,),
        in_specs=[
            pl.BlockSpec((RB, D), lambda i: (i, 0)),
            pl.BlockSpec((D, D), lambda i: (0, 0)),
            pl.BlockSpec((D, 8), lambda i: (0, 0)),
        ],
        out_specs=[
            pl.BlockSpec((RB, D), lambda i: (i, 0)),
            pl.BlockSpec((RB, 8), lambda i: (i, 0)),
        ],
        out_shape=[
            jax.ShapeDtypeStruct((N, D), jnp.float32),
            jax.ShapeDtypeStruct((N, 8), jnp.float32),
        ],
    )(x, W, A)


def _merge(acc0, acc1, s_all, xl, a, bias):
    acc = acc0 + acc1
    sv = jnp.sum(s_all[0], axis=0)[:, None]
    e = a[:, 0:1] + a[:, 1:2]
    es = jnp.exp(jnp.where(e > 0, e, 0.2 * e))
    h = (acc + es * xl) / (sv + es + 1e-16) + bias
    return jnp.maximum(h, 0.0)


def _k2_body(a0_ref, a1_ref, s_ref, xl_ref, a_ref, b_ref,
             w_ref, a2_ref, xl_out, a_out):
    h = _merge(a0_ref[...], a1_ref[...], s_ref[...],
               xl_ref[...], a_ref[...], b_ref[...])
    xl2 = jnp.dot(h, w_ref[...], preferred_element_type=jnp.float32)
    xl_out[...] = xl2
    a_out[...] = jnp.dot(xl2, a2_ref[...], preferred_element_type=jnp.float32)


def _tc_mid(acc0, acc1, s_all, xl, a, bias, W2, A2):
    return pl.pallas_call(
        _k2_body,
        grid=(N // RB,),
        in_specs=[
            pl.BlockSpec((RB, D), lambda i: (i, 0)),
            pl.BlockSpec((RB, D), lambda i: (i, 0)),
            pl.BlockSpec((1, NW, RB), lambda i: (i, 0, 0)),
            pl.BlockSpec((RB, D), lambda i: (i, 0)),
            pl.BlockSpec((RB, 8), lambda i: (i, 0)),
            pl.BlockSpec((1, D), lambda i: (0, 0)),
            pl.BlockSpec((D, D), lambda i: (0, 0)),
            pl.BlockSpec((D, 8), lambda i: (0, 0)),
        ],
        out_specs=[
            pl.BlockSpec((RB, D), lambda i: (i, 0)),
            pl.BlockSpec((RB, 8), lambda i: (i, 0)),
        ],
        out_shape=[
            jax.ShapeDtypeStruct((N, D), jnp.float32),
            jax.ShapeDtypeStruct((N, 8), jnp.float32),
        ],
    )(acc0, acc1, s_all, xl, a, bias, W2, A2)


def _k3_body(a0_ref, a1_ref, s_ref, xl_ref, a_ref, b_ref,
             fc1w_ref, fc1b_ref, fc2w_ref, fc2b_ref, z_out):
    h = _merge(a0_ref[...], a1_ref[...], s_ref[...],
               xl_ref[...], a_ref[...], b_ref[...])
    z = jnp.dot(h, fc1w_ref[...], preferred_element_type=jnp.float32)
    z = jnp.maximum(z + fc1b_ref[...], 0.0)
    z = jnp.dot(z, fc2w_ref[...], preferred_element_type=jnp.float32)
    z_out[...] = jnp.maximum(z + fc2b_ref[...], 0.0)


def _tc_post(acc0, acc1, s_all, xl, a, bias, fc1_w, fc1_b, fc2_w, fc2_b):
    return pl.pallas_call(
        _k3_body,
        grid=(N // RB,),
        in_specs=[
            pl.BlockSpec((RB, D), lambda i: (i, 0)),
            pl.BlockSpec((RB, D), lambda i: (i, 0)),
            pl.BlockSpec((1, NW, RB), lambda i: (i, 0, 0)),
            pl.BlockSpec((RB, D), lambda i: (i, 0)),
            pl.BlockSpec((RB, 8), lambda i: (i, 0)),
            pl.BlockSpec((1, D), lambda i: (0, 0)),
            pl.BlockSpec((D, D), lambda i: (0, 0)),
            pl.BlockSpec((1, D), lambda i: (0, 0)),
            pl.BlockSpec((D, D), lambda i: (0, 0)),
            pl.BlockSpec((1, D), lambda i: (0, 0)),
        ],
        out_specs=pl.BlockSpec((RB, D), lambda i: (i, 0)),
        out_shape=jax.ShapeDtypeStruct((N, D), jnp.float32),
    )(acc0, acc1, s_all, xl, a, bias, fc1_w, fc1_b, fc2_w, fc2_b)



WPT = 640


def _edge_body(srcb, dstb, asrc_h, adst_h, xl_h,
               accf_h, sf_h,
               asrc_v, adst_v, src_v, dst_v,
               ee0_v, ee1_v, rows0_v, rows1_v, s_loc,
               acc_sh,
               gsem0, gsem1, ssem0, ssem1):
    c = lax.axis_index("c")
    s = lax.axis_index("s")
    w = c * NS + s

    zeros = jnp.zeros((L,), jnp.float32)

    pltpu.sync_copy(asrc_h, asrc_v)
    pltpu.sync_copy(adst_h, adst_v)

    def _zrow(r, _):
        for k in range(D // L):
            rows0_v[r, pl.ds(k * L, L)] = zeros
        return 0
    lax.fori_loop(0, B, _zrow, 0)

    def _zs(i, _):
        s_loc[pl.ds(i * L, L)] = zeros
        return 0
    lax.fori_loop(0, NT // L, _zs, 0)

    def _zchunk(i, _):
        zbase = s * RPT + i * B
        pltpu.sync_copy(rows0_v, acc_sh.at[pl.ds(zbase, B)])
        return 0
    lax.fori_loop(0, WPT // B, _zchunk, 0)

    plsc.subcore_barrier()

    def _ee(g, ee_v):
        def _ee_grp(j, _):
            sv = src_v[g, pl.ds(j * L, L)]
            dv = dst_v[g, pl.ds(j * L, L)]
            ev = (plsc.load_gather(asrc_v, [sv])
                  + plsc.load_gather(adst_v, [dv]))
            ev = jnp.where(ev > 0, ev, 0.2 * ev)
            ee = jnp.exp(ev)
            ee_v[pl.ds(j * L, L)] = ee
            plsc.addupdate_scatter(s_loc, [dv], ee)
            return 0
        lax.fori_loop(0, B // L, _ee_grp, 0)

    def _scale(rows_v, ee_v):
        def _srow(r, _):
            ri = jnp.full((L,), r, jnp.int32)
            eev = plsc.load_gather(ee_v, [ri])
            for k in range(D // L):
                rows_v[r, pl.ds(k * L, L)] = rows_v[r, pl.ds(k * L, L)] * eev
            return 0
        lax.fori_loop(0, B, _srow, 0)

    def _drain():
        pltpu.make_async_copy(rows0_v, acc_sh.at[dst_v.at[0]], ssem0).wait()
        pltpu.make_async_copy(rows1_v, acc_sh.at[dst_v.at[0]], ssem1).wait()

    def _pair(g0, g1, drain_first):
        if drain_first:
            _drain()
        d0 = pltpu.async_copy(xl_h.at[src_v.at[g0]], rows0_v, gsem0)
        d1 = pltpu.async_copy(xl_h.at[src_v.at[g1]], rows1_v, gsem1)
        _ee(g0, ee0_v)
        d0.wait()
        _scale(rows0_v, ee0_v)
        pltpu.async_copy(rows0_v, acc_sh.at[dst_v.at[g0]], ssem0, add=True)
        _ee(g1, ee1_v)
        d1.wait()
        _scale(rows1_v, ee1_v)
        pltpu.async_copy(rows1_v, acc_sh.at[dst_v.at[g1]], ssem1, add=True)

    def _chunk(ch, _):
        row0 = w * NBLK + ch * CH
        pltpu.sync_copy(srcb.at[pl.ds(row0, CH)], src_v)
        pltpu.sync_copy(dstb.at[pl.ds(row0, CH)], dst_v)

        _pair(0, 1, False)

        def _body(g2, _):
            _pair(2 * g2, 2 * g2 + 1, True)
            return 0
        lax.fori_loop(1, CH // 2, _body, 0)
        _drain()
        return 0
    lax.fori_loop(0, NBLK // CH, _chunk, 0)

    plsc.subcore_barrier()

    base = s * RPT
    pltpu.sync_copy(acc_sh.at[pl.ds(base, WPT)],
                    accf_h.at[pl.ds(c * N + base, WPT)])
    pltpu.sync_copy(s_loc, sf_h.at[pl.ds(w * NT, NT)])


@functools.partial(
    pl.kernel,
    out_type=[
        jax.ShapeDtypeStruct((NC * N, D), jnp.float32),
        jax.ShapeDtypeStruct((NW * NT,), jnp.float32),
    ],
    mesh=plsc.VectorSubcoreMesh(core_axis_name="c", subcore_axis_name="s"),
    compiler_params=pltpu.CompilerParams(needs_layout_passes=False),
    scratch_types=[
        pltpu.VMEM((NT,), jnp.float32),
        pltpu.VMEM((NT,), jnp.float32),
        pltpu.VMEM((CH, B), jnp.int32),
        pltpu.VMEM((CH, B), jnp.int32),
        pltpu.VMEM((B,), jnp.float32),
        pltpu.VMEM((B,), jnp.float32),
        pltpu.VMEM((B, D), jnp.float32),
        pltpu.VMEM((B, D), jnp.float32),
        pltpu.VMEM((NT,), jnp.float32),
        pltpu.VMEM_SHARED((NT, D), jnp.float32),
        pltpu.SemaphoreType.DMA,
        pltpu.SemaphoreType.DMA,
        pltpu.SemaphoreType.DMA,
        pltpu.SemaphoreType.DMA,
    ],
)
def _edge_pass(srcb, dstb, asrc, adst, xl, accf, sf, *scratch):
    _edge_body(srcb, dstb, asrc, adst, xl, accf, sf, *scratch)



def kernel(x, edge_index, W1, att_src1, att_dst1, bias1,
           W2, att_src2, att_dst2, bias2, fc1_w, fc1_b, fc2_w, fc2_b):
    pad = EPAD - E
    src = jnp.concatenate([edge_index[0], jnp.zeros((pad,), jnp.int32)])
    dst = jnp.concatenate([edge_index[1],
                           jnp.full((pad,), N, jnp.int32)])
    srcb = src.reshape(NW * NBLK, B)
    dstb = dst.reshape(NW * NBLK, B)

    def att_mat(a_src, a_dst):
        A = jnp.zeros((D, 8), jnp.float32)
        return A.at[:, 0].set(a_src).at[:, 1].set(a_dst)

    A1 = att_mat(att_src1, att_dst1)
    A2 = att_mat(att_src2, att_dst2)

    def padt(v):
        return jnp.concatenate([v, jnp.zeros((NT - N,), jnp.float32)])

    xl1, a1 = _tc_pre(x, W1, A1)
    accf1, sf1 = _edge_pass(srcb, dstb, padt(a1[:, 0]), padt(a1[:, 1]), xl1)
    s1_all = sf1.reshape(NW, NT)[:, :N].reshape(NW, N // RB, RB).swapaxes(0, 1)
    xl2, a2 = _tc_mid(accf1[:N], accf1[N:], s1_all,
                      xl1, a1, bias1.reshape(1, D), W2, A2)
    accf2, sf2 = _edge_pass(srcb, dstb, padt(a2[:, 0]), padt(a2[:, 1]), xl2)
    s2_all = sf2.reshape(NW, NT)[:, :N].reshape(NW, N // RB, RB).swapaxes(0, 1)
    z = _tc_post(accf2[:N], accf2[N:], s2_all,
                 xl2, a2, bias2.reshape(1, D),
                 fc1_w, fc1_b.reshape(1, D), fc2_w, fc2_b.reshape(1, D))
    return z

# --- scband reference (transcript-rebuilt; emitter-appended) ---
"""Pipeline reference for scband-csgcl-1992864825777 (READ-ONLY COPY).

The authoritative reference and input builder live on the scoring server;
editing this copy changes nothing except your own understanding.
"""

import jax, jax.numpy as jnp
import numpy as np

N = 10000
E = 320000
D = 128


def setup_inputs(seed: int = 0) -> dict:
    key = jax.random.key(seed)
    ks = jax.random.split(key, 16)
    inp = {}
    inp["x"] = jax.random.normal(ks[0], (N, D), dtype=jnp.float32)
    inp["edge_index"] = jax.random.randint(ks[1], (2, E), 0, N, dtype=jnp.int32)
    def p(k, shape):
        return jax.random.normal(k, shape, dtype=jnp.float32) * 0.05
    inp["W1"] = p(ks[2], (D, D))
    inp["att_src1"] = p(ks[3], (D,))
    inp["att_dst1"] = p(ks[4], (D,))
    inp["bias1"] = p(ks[5], (D,))
    inp["W2"] = p(ks[6], (D, D))
    inp["att_src2"] = p(ks[7], (D,))
    inp["att_dst2"] = p(ks[8], (D,))
    inp["bias2"] = p(ks[9], (D,))
    inp["fc1_w"] = p(ks[10], (D, D))
    inp["fc1_b"] = p(ks[11], (D,))
    inp["fc2_w"] = p(ks[12], (D, D))
    inp["fc2_b"] = p(ks[13], (D,))
    return inp


def _gat_conv(x, src, dst, W, att_src, att_dst, bias):
    # PyG GATConv with heads=1, concat=True, negative_slope=0.2, self-loops already appended
    n = x.shape[0]
    xl = x @ W
    a_src = xl @ att_src
    a_dst = xl @ att_dst
    e = a_src[src] + a_dst[dst]
    e = jnp.where(e > 0, e, 0.2 * e)
    m = jax.lax.stop_gradient(jax.ops.segment_max(e, dst, num_segments=n))
    ee = jnp.exp(e - m[dst])
    s = jax.ops.segment_sum(ee, dst, num_segments=n)
    alpha = ee / (s[dst] + 1e-16)
    out = jax.ops.segment_sum(alpha[:, None] * xl[src], dst, num_segments=n)
    return out + bias


def reference(x, edge_index, W1, att_src1, att_dst1, bias1, W2, att_src2, att_dst2, bias2, fc1_w, fc1_b, fc2_w, fc2_b):
    n = x.shape[0]
    loops = jnp.arange(n, dtype=edge_index.dtype)
    src = jnp.concatenate([edge_index[0], loops])
    dst = jnp.concatenate([edge_index[1], loops])
    # encoder: gat with k=2, no skip, ReLU activation after each conv
    h = jax.nn.relu(_gat_conv(x, src, dst, W1, att_src1, att_dst1, bias1))
    h = jax.nn.relu(_gat_conv(h, src, dst, W2, att_src2, att_dst2, bias2))
    z = h.reshape(-1, h.shape[-1])
    # projection head: relu(fc1) -> relu(fc2)
    z = jax.nn.relu(z @ fc1_w + fc1_b)
    z = jax.nn.relu(z @ fc2_w + fc2_b)
    return z

if __name__ == "__main__":
    import jax
    _d = setup_inputs()
    print(jax.jit(kernel)(*tuple(_d.values())))

</pallas_src>

<mosaic_0001>
#map = affine_map<(d0, d1) -> (0, 0)>
#map1 = affine_map<(d0, d1) -> (0)>
module attributes {stable_mosaic.version = 14 : i64} {
  func.func @_edge_pass(%arg0: i32, %arg1: i32, %arg2: memref<10240x32xi32, #tpu.memory_space<hbm>>, %arg3: memref<10240x32xi32, #tpu.memory_space<hbm>>, %arg4: memref<10016xf32, #tpu.memory_space<hbm>>, %arg5: memref<10016xf32, #tpu.memory_space<hbm>>, %arg6: memref<10000x128xf32, #tpu.memory_space<hbm>>, %arg7: memref<20000x128xf32, #tpu.memory_space<hbm>>, %arg8: memref<320512xf32, #tpu.memory_space<hbm>>, %arg9: memref<10016xf32, #tpu.memory_space<vmem>>, %arg10: memref<10016xf32, #tpu.memory_space<vmem>>, %arg11: memref<8x32xi32, #tpu.memory_space<vmem>>, %arg12: memref<8x32xi32, #tpu.memory_space<vmem>>, %arg13: memref<32xf32, #tpu.memory_space<vmem>>, %arg14: memref<32xf32, #tpu.memory_space<vmem>>, %arg15: memref<32x128xf32, #tpu.memory_space<vmem>>, %arg16: memref<32x128xf32, #tpu.memory_space<vmem>>, %arg17: memref<10016xf32, #tpu.memory_space<vmem>>, %arg18: memref<10016x128xf32, #tpu.memory_space<vmem_shared>>, %arg19: memref<!tpu.dma_semaphore, #tpu.memory_space<semaphore_mem>>, %arg20: memref<!tpu.dma_semaphore, #tpu.memory_space<semaphore_mem>>, %arg21: memref<!tpu.dma_semaphore, #tpu.memory_space<semaphore_mem>>, %arg22: memref<!tpu.dma_semaphore, #tpu.memory_space<semaphore_mem>>) attributes {dimension_semantics = [#tpu.dimension_semantics<core_parallel>, #tpu.dimension_semantics<subcore_parallel>], iteration_bounds = array<i64: 2, 16>, scalar_prefetch = 0 : i64, scratch_operands = 14 : i64, tpu.core_type = #tpu.core_type<sc_vector_subcore>, window_params = [{transform_indices = #map}, {transform_indices = #map}, {transform_indices = #map1}, {transform_indices = #map1}, {transform_indices = #map}, {transform_indices = #map}, {transform_indices = #map1}]} {
    %mul3A = arith.constant 16 : i32
    %mul3A_0 = arith.muli %arg0, %mul3A : i32
    %add3A = arith.addi %mul3A_0, %arg1 : i32
    %broadcast_in_dim3A = arith.constant 0.000000e+00 : f32
    %broadcast_in_dim3A_1 = vector.broadcast %broadcast_in_dim3A : f32 to vector<16xf32>
    "tpu.region"() ({
      %run_scoped3A = tpu.sem_alloc : memref<!tpu.dma_semaphore, #tpu.memory_space<semaphore_mem>>
      tpu.enqueue_dma source(%arg4 : memref<10016xf32, #tpu.memory_space<hbm>>) target(%arg9 : memref<10016xf32, #tpu.memory_space<vmem>>) target_semaphore(%run_scoped3A : memref<!tpu.dma_semaphore, #tpu.memory_space<semaphore_mem>>)
      tpu.wait_dma2 semaphore(%run_scoped3A : memref<!tpu.dma_semaphore, #tpu.memory_space<semaphore_mem>>) src(%arg4 : memref<10016xf32, #tpu.memory_space<hbm>>) dst(%arg9 : memref<10016xf32, #tpu.memory_space<vmem>>)
      tpu.yield
    }) : () -> ()
    "tpu.region"() ({
      %run_scoped3A = tpu.sem_alloc : memref<!tpu.dma_semaphore, #tpu.memory_space<semaphore_mem>>
      tpu.enqueue_dma source(%arg5 : memref<10016xf32, #tpu.memory_space<hbm>>) target(%arg10 : memref<10016xf32, #tpu.memory_space<vmem>>) target_semaphore(%run_scoped3A : memref<!tpu.dma_semaphore, #tpu.memory_space<semaphore_mem>>)
      tpu.wait_dma2 semaphore(%run_scoped3A : memref<!tpu.dma_semaphore, #tpu.memory_space<semaphore_mem>>) src(%arg5 : memref<10016xf32, #tpu.memory_space<hbm>>) dst(%arg10 : memref<10016xf32, #tpu.memory_space<vmem>>)
      tpu.yield
    }) : () -> ()
    %scan3A = arith.constant 0 : i32
    %scan3A_2 = arith.constant 0 : i32
    %scan3A_3 = arith.constant 32 : i32
    %scan3A_4 = arith.addi %scan3A_2, %scan3A_3 : i32
    %scan3A_5 = arith.constant 1 : i32
    %scan3A_6 = scf.for %scan3A_37 = %scan3A_2 to %scan3A_4 step %scan3A_5 iter_args(%scan3A_38 = %scan3A) -> (i32)  : i32 {
      %swap3A = arith.index_cast %scan3A_37 : i32 to index
      %swap3A_39 = arith.constant 0 : index
      %swap3A_40 = tpu.vector_load %arg15[%swap3A, %swap3A_39] {strides = array<i32>} : memref<32x128xf32, #tpu.memory_space<vmem>>, vector<16xf32>,
      tpu.vector_store %arg15[%swap3A, %swap3A_39], %broadcast_in_dim3A_1 {strides = array<i32>} : memref<32x128xf32, #tpu.memory_space<vmem>>, vector<16xf32>,
      %swap3A_41 = arith.index_cast %scan3A_37 : i32 to index
      %swap3A_42 = arith.constant 16 : index
      %swap3A_43 = tpu.vector_load %arg15[%swap3A_41, %swap3A_42] {strides = array<i32>} : memref<32x128xf32, #tpu.memory_space<vmem>>, vector<16xf32>,
      tpu.vector_store %arg15[%swap3A_41, %swap3A_42], %broadcast_in_dim3A_1 {strides = array<i32>} : memref<32x128xf32, #tpu.memory_space<vmem>>, vector<16xf32>,
      %swap3A_44 = arith.index_cast %scan3A_37 : i32 to index
      %swap3A_45 = arith.constant 32 : index
      %swap3A_46 = tpu.vector_load %arg15[%swap3A_44, %swap3A_45] {strides = array<i32>} : memref<32x128xf32, #tpu.memory_space<vmem>>, vector<16xf32>,
      tpu.vector_store %arg15[%swap3A_44, %swap3A_45], %broadcast_in_dim3A_1 {strides = array<i32>} : memref<32x128xf32, #tpu.memory_space<vmem>>, vector<16xf32>,
      %swap3A_47 = arith.index_cast %scan3A_37 : i32 to index
      %swap3A_48 = arith.constant 48 : index
      %swap3A_49 = tpu.vector_load %arg15[%swap3A_47, %swap3A_48] {strides = array<i32>} : memref<32x128xf32, #tpu.memory_space<vmem>>, vector<16xf32>,
      tpu.vector_store %arg15[%swap3A_47, %swap3A_48], %broadcast_in_dim3A_1 {strides = array<i32>} : memref<32x128xf32, #tpu.memory_space<vmem>>, vector<16xf32>,
      %swap3A_50 = arith.index_cast %scan3A_37 : i32 to index
      %swap3A_51 = arith.constant 64 : index
      %swap3A_52 = tpu.vector_load %arg15[%swap3A_50, %swap3A_51] {strides = array<i32>} : memref<32x128xf32, #tpu.memory_space<vmem>>, vector<16xf32>,
      tpu.vector_store %arg15[%swap3A_50, %swap3A_51], %broadcast_in_dim3A_1 {strides = array<i32>} : memref<32x128xf32, #tpu.memory_space<vmem>>, vector<16xf32>,
      %swap3A_53 = arith.index_cast %scan3A_37 : i32 to index
      %swap3A_54 = arith.constant 80 : index
      %swap3A_55 = tpu.vector_load %arg15[%swap3A_53, %swap3A_54] {strides = array<i32>} : memref<32x128xf32, #tpu.memory_space<vmem>>, vector<16xf32>,
      tpu.vector_store %arg15[%swap3A_53, %swap3A_54], %broadcast_in_dim3A_1 {strides = array<i32>} : memref<32x128xf32, #tpu.memory_space<vmem>>, vector<16xf32>,
      %swap3A_56 = arith.index_cast %scan3A_37 : i32 to index
      %swap3A_57 = arith.constant 96 : index
      %swap3A_58 = tpu.vector_load %arg15[%swap3A_56, %swap3A_57] {strides = array<i32>} : memref<32x128xf32, #tpu.memory_space<vmem>>, vector<16xf32>,
      tpu.vector_store %arg15[%swap3A_56, %swap3A_57], %broadcast_in_dim3A_1 {strides = array<i32>} : memref<32x128xf32, #tpu.memory_space<vmem>>, vector<16xf32>,
      %swap3A_59 = arith.index_cast %scan3A_37 : i32 to index
      %swap3A_60 = arith.constant 112 : index
      %swap3A_61 = tpu.vector_load %arg15[%swap3A_59, %swap3A_60] {strides = array<i32>} : memref<32x128xf32, #tpu.memory_space<vmem>>, vector<16xf32>,
      tpu.vector_store %arg15[%swap3A_59, %swap3A_60], %broadcast_in_dim3A_1 {strides = array<i32>} : memref<32x128xf32, #tpu.memory_space<vmem>>, vector<16xf32>,
      %scan3A_62 = arith.constant 0 : i32
      scf.yield %scan3A_62 : i32
    }
    %scan3A_7 = arith.constant 32 : i32
    %scan3A_8 = arith.constant 0 : i32
    %scan3A_9 = arith.constant 0 : i32
    %scan3A_10 = arith.constant 626 : i32
    %scan3A_11 = arith.addi %scan3A_9, %scan3A_10 : i32
    %scan3A_12 = arith.constant 1 : i32
    %scan3A_13 = scf.for %scan3A_37 = %scan3A_9 to %scan3A_11 step %scan3A_12 iter_args(%scan3A_38 = %scan3A_8) -> (i32)  : i32 {
      %mul3A_39 = arith.constant 16 : i32
      %mul3A_40 = arith.muli %scan3A_37, %mul3A_39 : i32
      %swap3A = arith.index_cast %mul3A_40 : i32 to index
      %swap3A_41 = tpu.vector_load %arg17[%swap3A] {strides = array<i32>} : memref<10016xf32, #tpu.memory_space<vmem>>, vector<16xf32>,
      tpu.vector_store %arg17[%swap3A], %broadcast_in_dim3A_1 {strides = array<i32>} : memref<10016xf32, #tpu.memory_space<vmem>>, vector<16xf32>,
      %scan3A_42 = arith.constant 0 : i32
      scf.yield %scan3A_42 : i32
    }
    %scan3A_14 = arith.constant 626 : i32
    %scan3A_15 = arith.constant 0 : i32
    %scan3A_16 = arith.constant 0 : i32
    %scan3A_17 = arith.constant 20 : i32
    %scan3A_18 = arith.addi %scan3A_16, %scan3A_17 : i32
    %scan3A_19 = arith.constant 1 : i32
    %scan3A_20 = scf.for %scan3A_37 = %scan3A_16 to %scan3A_18 step %scan3A_19 iter_args(%scan3A_38 = %scan3A_15) -> (i32)  : i32 {
      %mul3A_39 = arith.constant 624 : i32
      %mul3A_40 = arith.muli %arg1, %mul3A_39 : i32
      %mul3A_41 = arith.constant 32 : i32
      %mul3A_42 = arith.muli %scan3A_37, %mul3A_41 : i32
      %add3A_43 = arith.addi %mul3A_40, %mul3A_42 : i32
      "tpu.region"() ({
        %run_scoped3A = tpu.sem_alloc : memref<!tpu.dma_semaphore, #tpu.memory_space<semaphore_mem>>
        %dma_start3A = arith.constant 0 : i32
        %dma_start3A_45 = tpu.memref_slice %arg18[%add3A_43, %dma_start3A] : memref<10016x128xf32, #tpu.memory_space<vmem_shared>> -> memref<32x128xf32, #tpu.memory_space<vmem_shared>>
        %dma_start3A_46 = arith.constant 0 : i32
        %dma_start3A_47 = tpu.memref_slice %arg18[%add3A_43, %dma_start3A_46] : memref<10016x128xf32, #tpu.memory_space<vmem_shared>> -> memref<32x128xf32, #tpu.memory_space<vmem_shared>>
        tpu.enqueue_dma source(%arg15 : memref<32x128xf32, #tpu.memory_space<vmem>>) target(%dma_start3A_47 : memref<32x128xf32, #tpu.memory_space<vmem_shared>>) target_semaphore(%run_scoped3A : memref<!tpu.dma_semaphore, #tpu.memory_space<semaphore_mem>>)
        %dma_wait3A = arith.constant 0 : i32
        %dma_wait3A_48 = tpu.memref_slice %arg18[%add3A_43, %dma_wait3A] : memref<10016x128xf32, #tpu.memory_space<vmem_shared>> -> memref<32x128xf32, #tpu.memory_space<vmem_shared>>
        %dma_wait3A_49 = arith.constant 0 : i32
        %dma_wait3A_50 = tpu.memref_slice %arg18[%add3A_43, %dma_wait3A_49] : memref<10016x128xf32, #tpu.memory_space<vmem_shared>> -> memref<32x128xf32, #tpu.memory_space<vmem_shared>>
        tpu.wait_dma2 semaphore(%run_scoped3A : memref<!tpu.dma_semaphore, #tpu.memory_space<semaphore_mem>>) src(%arg15 : memref<32x128xf32, #tpu.memory_space<vmem>>) dst(%dma_wait3A_50 : memref<32x128xf32, #tpu.memory_space<vmem_shared>>)
        tpu.yield
      }) : () -> ()
      %scan3A_44 = arith.constant 0 : i32
      scf.yield %scan3A_44 : i32
    }
    %scan3A_21 = arith.constant 20 : i32
    %barrier3A = arith.constant 0 : index
    tpu.barrier barrier_id(%barrier3A)
    %scan3A_22 = arith.constant 0 : i32
    %scan3A_23 = arith.constant 0 : i32
    %scan3A_24 = arith.constant 40 : i32
    %scan3A_25 = arith.addi %scan3A_23, %scan3A_24 : i32
    %scan3A_26 = arith.constant 1 : i32
    %scan3A_27 = scf.for %scan3A_37 = %scan3A_23 to %scan3A_25 step %scan3A_26 iter_args(%scan3A_38 = %scan3A_22) -> (i32)  : i32 {
      %mul3A_39 = arith.constant 320 : i32
      %mul3A_40 = arith.muli %add3A, %mul3A_39 : i32
      %mul3A_41 = arith.constant 8 : i32
      %mul3A_42 = arith.muli %scan3A_37, %mul3A_41 : i32
      %add3A_43 = arith.addi %mul3A_40, %mul3A_42 : i32
      "tpu.region"() ({
        %run_scoped3A = tpu.sem_alloc : memref<!tpu.dma_semaphore, #tpu.memory_space<semaphore_mem>>
        %dma_start3A_134 = arith.constant 0 : i32
        %dma_start3A_135 = tpu.memref_slice %arg2[%add3A_43, %dma_start3A_134] : memref<10240x32xi32, #tpu.memory_space<hbm>> -> memref<8x32xi32, #tpu.memory_space<hbm>>
        %dma_start3A_136 = arith.constant 0 : i32
        %dma_start3A_137 = tpu.memref_slice %arg2[%add3A_43, %dma_start3A_136] : memref<10240x32xi32, #tpu.memory_space<hbm>> -> memref<8x32xi32, #tpu.memory_space<hbm>>
        tpu.enqueue_dma source(%dma_start3A_137 : memref<8x32xi32, #tpu.memory_space<hbm>>) target(%arg11 : memref<8x32xi32, #tpu.memory_space<vmem>>) target_semaphore(%run_scoped3A : memref<!tpu.dma_semaphore, #tpu.memory_space<semaphore_mem>>)
        %dma_wait3A_138 = arith.constant 0 : i32
        %dma_wait3A_139 = tpu.memref_slice %arg2[%add3A_43, %dma_wait3A_138] : memref<10240x32xi32, #tpu.memory_space<hbm>> -> memref<8x32xi32, #tpu.memory_space<hbm>>
        %dma_wait3A_140 = arith.constant 0 : i32
        %dma_wait3A_141 = tpu.memref_slice %arg2[%add3A_43, %dma_wait3A_140] : memref<10240x32xi32, #tpu.memory_space<hbm>> -> memref<8x32xi32, #tpu.memory_space<hbm>>
        tpu.wait_dma2 semaphore(%run_scoped3A : memref<!tpu.dma_semaphore, #tpu.memory_space<semaphore_mem>>) src(%dma_wait3A_141 : memref<8x32xi32, #tpu.memory_space<hbm>>) dst(%arg11 : memref<8x32xi32, #tpu.memory_space<vmem>>)
        tpu.yield
      }) : () -> ()
      "tpu.region"() ({
        %run_scoped3A = tpu.sem_alloc : memref<!tpu.dma_semaphore, #tpu.memory_space<semaphore_mem>>
        %dma_start3A_134 = arith.constant 0 : i32
        %dma_start3A_135 = tpu.memref_slice %arg3[%add3A_43, %dma_start3A_134] : memref<10240x32xi32, #tpu.memory_space<hbm>> -> memref<8x32xi32, #tpu.memory_space<hbm>>
        %dma_start3A_136 = arith.constant 0 : i32
        %dma_start3A_137 = tpu.memref_slice %arg3[%add3A_43, %dma_start3A_136] : memref<10240x32xi32, #tpu.memory_space<hbm>> -> memref<8x32xi32, #tpu.memory_space<hbm>>
        tpu.enqueue_dma source(%dma_start3A_137 : memref<8x32xi32, #tpu.memory_space<hbm>>) target(%arg12 : memref<8x32xi32, #tpu.memory_space<vmem>>) target_semaphore(%run_scoped3A : memref<!tpu.dma_semaphore, #tpu.memory_space<semaphore_mem>>)
        %dma_wait3A_138 = arith.constant 0 : i32
        %dma_wait3A_139 = tpu.memref_slice %arg3[%add3A_43, %dma_wait3A_138] : memref<10240x32xi32, #tpu.memory_space<hbm>> -> memref<8x32xi32, #tpu.memory_space<hbm>>
        %dma_wait3A_140 = arith.constant 0 : i32
        %dma_wait3A_141 = tpu.memref_slice %arg3[%add3A_43, %dma_wait3A_140] : memref<10240x32xi32, #tpu.memory_space<hbm>> -> memref<8x32xi32, #tpu.memory_space<hbm>>
        tpu.wait_dma2 semaphore(%run_scoped3A : memref<!tpu.dma_semaphore, #tpu.memory_space<semaphore_mem>>) src(%dma_wait3A_141 : memref<8x32xi32, #tpu.memory_space<hbm>>) dst(%arg12 : memref<8x32xi32, #tpu.memory_space<vmem>>)
        tpu.yield
      }) : () -> ()
      %dma_start3A = arith.constant 0 : i32
      %dma_start3A_44 = arith.constant 0 : i32
      %dma_start3A_45 = tpu.memref_slice %arg11[%dma_start3A, %dma_start3A_44] : memref<8x32xi32, #tpu.memory_space<vmem>> -> memref<1x32xi32, #tpu.memory_space<vmem>>
      %dma_start3A_46 = tpu.memref_squeeze %dma_start3A_45 : memref<1x32xi32, #tpu.memory_space<vmem>> -> memref<32xi32, #tpu.memory_space<vmem>>
      %dma_start3A_47 = arith.constant 0 : i32
      %dma_start3A_48 = arith.constant 0 : i32
      %dma_start3A_49 = tpu.memref_slice %arg6[%dma_start3A_47, %dma_start3A_48] : memref<10000x128xf32, #tpu.memory_space<hbm>> -> memref<10000x128xf32, #tpu.memory_space<hbm>>
      tpu.enqueue_indirect_dma source(%dma_start3A_49 : memref<10000x128xf32, #tpu.memory_space<hbm>>) target(%arg15 : memref<32x128xf32, #tpu.memory_space<vmem>>) offsets(%dma_start3A_46 : memref<32xi32, #tpu.memory_space<vmem>>) semaphore(%arg19 : memref<!tpu.dma_semaphore, #tpu.memory_space<semaphore_mem>>)
      %dma_start3A_50 = arith.constant 1 : i32
      %dma_start3A_51 = arith.constant 0 : i32
      %dma_start3A_52 = tpu.memref_slice %arg11[%dma_start3A_50, %dma_start3A_51] : memref<8x32xi32, #tpu.memory_space<vmem>> -> memref<1x32xi32, #tpu.memory_space<vmem>>
      %dma_start3A_53 = tpu.memref_squeeze %dma_start3A_52 : memref<1x32xi32, #tpu.memory_space<vmem>> -> memref<32xi32, #tpu.memory_space<vmem>>
      %dma_start3A_54 = arith.constant 0 : i32
      %dma_start3A_55 = arith.constant 0 : i32
      %dma_start3A_56 = tpu.memref_slice %arg6[%dma_start3A_54, %dma_start3A_55] : memref<10000x128xf32, #tpu.memory_space<hbm>> -> memref<10000x128xf32, #tpu.memory_space<hbm>>
      tpu.enqueue_indirect_dma source(%dma_start3A_56 : memref<10000x128xf32, #tpu.memory_space<hbm>>) target(%arg16 : memref<32x128xf32, #tpu.memory_space<vmem>>) offsets(%dma_start3A_53 : memref<32xi32, #tpu.memory_space<vmem>>) semaphore(%arg20 : memref<!tpu.dma_semaphore, #tpu.memory_space<semaphore_mem>>)
      %scan3A_57 = arith.constant 0 : i32
      %scan3A_58 = arith.constant 0 : i32
      %scan3A_59 = arith.constant 2 : i32
      %scan3A_60 = arith.addi %scan3A_58, %scan3A_59 : i32
      %scan3A_61 = arith.constant 1 : i32
      %scan3A_62 = scf.for %scan3A_134 = %scan3A_58 to %scan3A_60 step %scan3A_61 iter_args(%scan3A_135 = %scan3A_57) -> (i32)  : i32 {
        %mul3A_136 = arith.constant 16 : i32
        %mul3A_137 = arith.muli %scan3A_134, %mul3A_136 : i32
        %get3A = arith.constant 0 : i32
        %get3A_138 = arith.index_cast %get3A : i32 to index
        %get3A_139 = arith.index_cast %mul3A_137 : i32 to index
        %get3A_140 = tpu.vector_load %arg11[%get3A_138, %get3A_139] {strides = array<i32>} : memref<8x32xi32, #tpu.memory_space<vmem>>, vector<16xi32>,
        %mul3A_141 = arith.constant 16 : i32
        %mul3A_142 = arith.muli %scan3A_134, %mul3A_141 : i32
        %get3A_143 = arith.constant 0 : i32
        %get3A_144 = arith.index_cast %get3A_143 : i32 to index
        %get3A_145 = arith.index_cast %mul3A_142 : i32 to index
        %get3A_146 = tpu.vector_load %arg12[%get3A_144, %get3A_145] {strides = array<i32>} : memref<8x32xi32, #tpu.memory_space<vmem>>, vector<16xi32>,
        %gather3A = tpu.vector_load_idx %arg9[%get3A_140] : memref<10016xf32, #tpu.memory_space<vmem>>[vector<16xi32>], vector<16xf32>,
        %gather3A_147 = tpu.vector_load_idx %arg10[%get3A_146] : memref<10016xf32, #tpu.memory_space<vmem>>[vector<16xi32>], vector<16xf32>,
        %add3A_148 = arith.addf %gather3A, %gather3A_147 : vector<16xf32>
        %gt3A = arith.constant 0.000000e+00 : f32
        %gt3A_149 = vector.broadcast %gt3A : f32 to vector<16xf32>
        %gt3A_150 = arith.cmpf ogt, %add3A_148, %gt3A_149 : vector<16xf32>
        %mul3A_151 = arith.constant 2.000000e-01 : f32
        %mul3A_152 = vector.broadcast %mul3A_151 : f32 to vector<16xf32>
        %mul3A_153 = arith.mulf %mul3A_152, %add3A_148 : vector<16xf32>
        %select_n3A = arith.select %gt3A_150, %add3A_148, %mul3A_153 : vector<16xi1>, vector<16xf32>
        %exp3A = math.exp %select_n3A : vector<16xf32>
        %mul3A_154 = arith.constant 16 : i32
        %mul3A_155 = arith.muli %scan3A_134, %mul3A_154 : i32
        %swap3A = arith.index_cast %mul3A_155 : i32 to index
        %swap3A_156 = tpu.vector_load %arg13[%swap3A] {strides = array<i32>} : memref<32xf32, #tpu.memory_space<vmem>>, vector<16xf32>,
        tpu.vector_store %arg13[%swap3A], %exp3A {strides = array<i32>} : memref<32xf32, #tpu.memory_space<vmem>>, vector<16xf32>,
        tpu.vector_store_idx %arg17[%get3A_146], %exp3A {add = true} : memref<10016xf32, #tpu.memory_space<vmem>>[vector<16xi32>], vector<16xf32>,
        %scan3A_157 = arith.constant 0 : i32
        scf.yield %scan3A_157 : i32
      }
      %scan3A_63 = arith.constant 2 : i32
      %dma_wait3A = arith.constant 0 : i32
      %dma_wait3A_64 = arith.constant 0 : i32
      %dma_wait3A_65 = tpu.memref_slice %arg11[%dma_wait3A, %dma_wait3A_64] : memref<8x32xi32, #tpu.memory_space<vmem>> -> memref<1x32xi32, #tpu.memory_space<vmem>>
      %dma_wait3A_66 = tpu.memref_squeeze %dma_wait3A_65 : memref<1x32xi32, #tpu.memory_space<vmem>> -> memref<32xi32, #tpu.memory_space<vmem>>
      %dma_wait3A_67 = arith.constant 0 : i32
      %dma_wait3A_68 = arith.constant 0 : i32
      %dma_wait3A_69 = tpu.memref_slice %arg6[%dma_wait3A_67, %dma_wait3A_68] : memref<10000x128xf32, #tpu.memory_space<hbm>> -> memref<10000x128xf32, #tpu.memory_space<hbm>>
      tpu.wait_indirect_dma semaphore(%arg19 : memref<!tpu.dma_semaphore, #tpu.memory_space<semaphore_mem>>) src(%dma_wait3A_69 : memref<10000x128xf32, #tpu.memory_space<hbm>>) dst(%arg15 : memref<32x128xf32, #tpu.memory_space<vmem>>)
      %scan3A_70 = arith.constant 0 : i32
      %scan3A_71 = arith.constant 0 : i32
      %scan3A_72 = arith.constant 32 : i32
      %scan3A_73 = arith.addi %scan3A_71, %scan3A_72 : i32
      %scan3A_74 = arith.constant 1 : i32
      %scan3A_75 = scf.for %scan3A_134 = %scan3A_71 to %scan3A_73 step %scan3A_74 iter_args(%scan3A_135 = %scan3A_70) -> (i32)  : i32 {
        %broadcast_in_dim3A_136 = vector.broadcast %scan3A_134 : i32 to vector<16xi32>
        %gather3A = tpu.vector_load_idx %arg13[%broadcast_in_dim3A_136] : memref<32xf32, #tpu.memory_space<vmem>>[vector<16xi32>], vector<16xf32>,
        %get3A = arith.index_cast %scan3A_134 : i32 to index
        %get3A_137 = arith.constant 0 : index
        %get3A_138 = tpu.vector_load %arg15[%get3A, %get3A_137] {strides = array<i32>} : memref<32x128xf32, #tpu.memory_space<vmem>>, vector<16xf32>,
        %mul3A_139 = arith.mulf %get3A_138, %gather3A : vector<16xf32>
        %swap3A = arith.index_cast %scan3A_134 : i32 to index
        %swap3A_140 = arith.constant 0 : index
        %swap3A_141 = tpu.vector_load %arg15[%swap3A, %swap3A_140] {strides = array<i32>} : memref<32x128xf32, #tpu.memory_space<vmem>>, vector<16xf32>,
        tpu.vector_store %arg15[%swap3A, %swap3A_140], %mul3A_139 {strides = array<i32>} : memref<32x128xf32, #tpu.memory_space<vmem>>, vector<16xf32>,
        %get3A_142 = arith.index_cast %scan3A_134 : i32 to index
        %get3A_143 = arith.constant 16 : index
        %get3A_144 = tpu.vector_load %arg15[%get3A_142, %get3A_143] {strides = array<i32>} : memref<32x128xf32, #tpu.memory_space<vmem>>, vector<16xf32>,
        %mul3A_145 = arith.mulf %get3A_144, %gather3A : vector<16xf32>
        %swap3A_146 = arith.index_cast %scan3A_134 : i32 to index
        %swap3A_147 = arith.constant 16 : index
        %swap3A_148 = tpu.vector_load %arg15[%swap3A_146, %swap3A_147] {strides = array<i32>} : memref<32x128xf32, #tpu.memory_space<vmem>>, vector<16xf32>,
        tpu.vector_store %arg15[%swap3A_146, %swap3A_147], %mul3A_145 {strides = array<i32>} : memref<32x128xf32, #tpu.memory_space<vmem>>, vector<16xf32>,
        %get3A_149 = arith.index_cast %scan3A_134 : i32 to index
        %get3A_150 = arith.constant 32 : index
        %get3A_151 = tpu.vector_load %arg15[%get3A_149, %get3A_150] {strides = array<i32>} : memref<32x128xf32, #tpu.memory_space<vmem>>, vector<16xf32>,
        %mul3A_152 = arith.mulf %get3A_151, %gather3A : vector<16xf32>
        %swap3A_153 = arith.index_cast %scan3A_134 : i32 to index
        %swap3A_154 = arith.constant 32 : index
        %swap3A_155 = tpu.vector_load %arg15[%swap3A_153, %swap3A_154] {strides = array<i32>} : memref<32x128xf32, #tpu.memory_space<vmem>>, vector<16xf32>,
        tpu.vector_store %arg15[%swap3A_153, %swap3A_154], %mul3A_152 {strides = array<i32>} : memref<32x128xf32, #tpu.memory_space<vmem>>, vector<16xf32>,
        %get3A_156 = arith.index_cast %scan3A_134 : i32 to index
        %get3A_157 = arith.constant 48 : index
        %get3A_158 = tpu.vector_load %arg15[%get3A_156, %get3A_157] {strides = array<i32>} : memref<32x128xf32, #tpu.memory_space<vmem>>, vector<16xf32>,
        %mul3A_159 = arith.mulf %get3A_158, %gather3A : vector<16xf32>
        %swap3A_160 = arith.index_cast %scan3A_134 : i32 to index
        %swap3A_161 = arith.constant 48 : index
        %swap3A_162 = tpu.vector_load %arg15[%swap3A_160, %swap3A_161] {strides = array<i32>} : memref<32x128xf32, #tpu.memory_space<vmem>>, vector<16xf32>,
        tpu.vector_store %arg15[%swap3A_160, %swap3A_161], %mul3A_159 {strides = array<i32>} : memref<32x128xf32, #tpu.memory_space<vmem>>, vector<16xf32>,
        %get3A_163 = arith.index_cast %scan3A_134 : i32 to index
        %get3A_164 = arith.constant 64 : index
        %get3A_165 = tpu.vector_load %arg15[%get3A_163, %get3A_164] {strides = array<i32>} : memref<32x128xf32, #tpu.memory_space<vmem>>, vector<16xf32>,
        %mul3A_166 = arith.mulf %get3A_165, %gather3A : vector<16xf32>
        %swap3A_167 = arith.index_cast %scan3A_134 : i32 to index
        %swap3A_168 = arith.constant 64 : index
        %swap3A_169 = tpu.vector_load %arg15[%swap3A_167, %swap3A_168] {strides = array<i32>} : memref<32x128xf32, #tpu.memory_space<vmem>>, vector<16xf32>,
        tpu.vector_store %arg15[%swap3A_167, %swap3A_168], %mul3A_166 {strides = array<i32>} : memref<32x128xf32, #tpu.memory_space<vmem>>, vector<16xf32>,
        %get3A_170 = arith.index_cast %scan3A_134 : i32 to index
        %get3A_171 = arith.constant 80 : index
        %get3A_172 = tpu.vector_load %arg15[%get3A_170, %get3A_171] {strides = array<i32>} : memref<32x128xf32, #tpu.memory_space<vmem>>, vector<16xf32>,
        %mul3A_173 = arith.mulf %get3A_172, %gather3A : vector<16xf32>
        %swap3A_174 = arith.index_cast %scan3A_134 : i32 to index
        %swap3A_175 = arith.constant 80 : index
        %swap3A_176 = tpu.vector_load %arg15[%swap3A_174, %swap3A_175] {strides = array<i32>} : memref<32x128xf32, #tpu.memory_space<vmem>>, vector<16xf32>,
        tpu.vector_store %arg15[%swap3A_174, %swap3A_175], %mul3A_173 {strides = array<i32>} : memref<32x128xf32, #tpu.memory_space<vmem>>, vector<16xf32>,
        %get3A_177 = arith.index_cast %scan3A_134 : i32 to index
        %get3A_178 = arith.constant 96 : index
        %get3A_179 = tpu.vector_load %arg15[%get3A_177, %get3A_178] {strides = array<i32>} : memref<32x128xf32, #tpu.memory_space<vmem>>, vector<16xf32>,
        %mul3A_180 = arith.mulf %get3A_179, %gather3A : vector<16xf32>
        %swap3A_181 = arith.index_cast %scan3A_134 : i32 to index
        %swap3A_182 = arith.constant 96 : index
        %swap3A_183 = tpu.vector_load %arg15[%swap3A_181, %swap3A_182] {strides = array<i32>} : memref<32x128xf32, #tpu.memory_space<vmem>>, vector<16xf32>,
        tpu.vector_store %arg15[%swap3A_181, %swap3A_182], %mul3A_180 {strides = array<i32>} : memref<32x128xf32, #tpu.memory_space<vmem>>, vector<16xf32>,
        %get3A_184 = arith.index_cast %scan3A_134 : i32 to index
        %get3A_185 = arith.constant 112 : index
        %get3A_186 = tpu.vector_load %arg15[%get3A_184, %get3A_185] {strides = array<i32>} : memref<32x128xf32, #tpu.memory_space<vmem>>, vector<16xf32>,
        %mul3A_187 = arith.mulf %get3A_186, %gather3A : vector<16xf32>
        %swap3A_188 = arith.index_cast %scan3A_134 : i32 to index
        %swap3A_189 = arith.constant 112 : index
        %swap3A_190 = tpu.vector_load %arg15[%swap3A_188, %swap3A_189] {strides = array<i32>} : memref<32x128xf32, #tpu.memory_space<vmem>>, vector<16xf32>,
        tpu.vector_store %arg15[%swap3A_188, %swap3A_189], %mul3A_187 {strides = array<i32>} : memref<32x128xf32, #tpu.memory_space<vmem>>, vector<16xf32>,
        %scan3A_191 = arith.constant 0 : i32
        scf.yield %scan3A_191 : i32
      }
      %scan3A_76 = arith.constant 32 : i32
      %dma_start3A_77 = arith.constant 0 : i32
      %dma_start3A_78 = arith.constant 0 : i32
      %dma_start3A_79 = tpu.memref_slice %arg12[%dma_start3A_77, %dma_start3A_78] : memref<8x32xi32, #tpu.memory_space<vmem>> -> memref<1x32xi32, #tpu.memory_space<vmem>>
      %dma_start3A_80 = tpu.memref_squeeze %dma_start3A_79 : memref<1x32xi32, #tpu.memory_space<vmem>> -> memref<32xi32, #tpu.memory_space<vmem>>
      %dma_start3A_81 = arith.constant 0 : i32
      %dma_start3A_82 = arith.constant 0 : i32
      %dma_start3A_83 = tpu.memref_slice %arg18[%dma_start3A_81, %dma_start3A_82] : memref<10016x128xf32, #tpu.memory_space<vmem_shared>> -> memref<10016x128xf32, #tpu.memory_space<vmem_shared>>
      tpu.enqueue_indirect_dma source(%arg15 : memref<32x128xf32, #tpu.memory_space<vmem>>) target(%dma_start3A_83 : memref<10016x128xf32, #tpu.memory_space<vmem_shared>>) offsets(%dma_start3A_80 : memref<32xi32, #tpu.memory_space<vmem>>) semaphore(%arg21 : memref<!tpu.dma_semaphore, #tpu.memory_space<semaphore_mem>>) {add = true}
      %scan3A_84 = arith.constant 0 : i32
      %scan3A_85 = arith.constant 0 : i32
      %scan3A_86 = arith.constant 2 : i32
      %scan3A_87 = arith.addi %scan3A_85, %scan3A_86 : i32
      %scan3A_88 = arith.constant 1 : i32
      %scan3A_89 = scf.for %scan3A_134 = %scan3A_85 to %scan3A_87 step %scan3A_88 iter_args(%scan3A_135 = %scan3A_84) -> (i32)  : i32 {
        %mul3A_136 = arith.constant 16 : i32
        %mul3A_137 = arith.muli %scan3A_134, %mul3A_136 : i32
        %get3A = arith.constant 1 : i32
        %get3A_138 = arith.index_cast %get3A : i32 to index
        %get3A_139 = arith.index_cast %mul3A_137 : i32 to index
        %get3A_140 = tpu.vector_load %arg11[%get3A_138, %get3A_139] {strides = array<i32>} : memref<8x32xi32, #tpu.memory_space<vmem>>, vector<16xi32>,
        %mul3A_141 = arith.constant 16 : i32
        %mul3A_142 = arith.muli %scan3A_134, %mul3A_141 : i32
        %get3A_143 = arith.constant 1 : i32
        %get3A_144 = arith.index_cast %get3A_143 : i32 to index
        %get3A_145 = arith.index_cast %mul3A_142 : i32 to index
        %get3A_146 = tpu.vector_load %arg12[%get3A_144, %get3A_145] {strides = array<i32>} : memref<8x32xi32, #tpu.memory_space<vmem>>, vector<16xi32>,
        %gather3A = tpu.vector_load_idx %arg9[%get3A_140] : memref<10016xf32, #tpu.memory_space<vmem>>[vector<16xi32>], vector<16xf32>,
        %gather3A_147 = tpu.vector_load_idx %arg10[%get3A_146] : memref<10016xf32, #tpu.memory_space<vmem>>[vector<16xi32>], vector<16xf32>,
        %add3A_148 = arith.addf %gather3A, %gather3A_147 : vector<16xf32>
        %gt3A = arith.constant 0.000000e+00 : f32
        %gt3A_149 = vector.broadcast %gt3A : f32 to vector<16xf32>
        %gt3A_150 = arith.cmpf ogt, %add3A_148, %gt3A_149 : vector<16xf32>
        %mul3A_151 = arith.constant 2.000000e-01 : f32
        %mul3A_152 = vector.broadcast %mul3A_151 : f32 to vector<16xf32>
        %mul3A_153 = arith.mulf %mul3A_152, %add3A_148 : vector<16xf32>
        %select_n3A = arith.select %gt3A_150, %add3A_148, %mul3A_153 : vector<16xi1>, vector<16xf32>
        %exp3A = math.exp %select_n3A : vector<16xf32>
        %mul3A_154 = arith.constant 16 : i32
        %mul3A_155 = arith.muli %scan3A_134, %mul3A_154 : i32
        %swap3A = arith.index_cast %mul3A_155 : i32 to index
        %swap3A_156 = tpu.vector_load %arg14[%swap3A] {strides = array<i32>} : memref<32xf32, #tpu.memory_space<vmem>>, vector<16xf32>,
        tpu.vector_store %arg14[%swap3A], %exp3A {strides = array<i32>} : memref<32xf32, #tpu.memory_space<vmem>>, vector<16xf32>,
        tpu.vector_store_idx %arg17[%get3A_146], %exp3A {add = true} : memref<10016xf32, #tpu.memory_space<vmem>>[vector<16xi32>], vector<16xf32>,
        %scan3A_157 = arith.constant 0 : i32
        scf.yield %scan3A_157 : i32
      }
      %scan3A_90 = arith.constant 2 : i32
      %dma_wait3A_91 = arith.constant 1 : i32
      %dma_wait3A_92 = arith.constant 0 : i32
      %dma_wait3A_93 = tpu.memref_slice %arg11[%dma_wait3A_91, %dma_wait3A_92] : memref<8x32xi32, #tpu.memory_space<vmem>> -> memref<1x32xi32, #tpu.memory_space<vmem>>
      %dma_wait3A_94 = tpu.memref_squeeze %dma_wait3A_93 : memref<1x32xi32, #tpu.memory_space<vmem>> -> memref<32xi32, #tpu.memory_space<vmem>>
      %dma_wait3A_95 = arith.constant 0 : i32
      %dma_wait3A_96 = arith.constant 0 : i32
      %dma_wait3A_97 = tpu.memref_slice %arg6[%dma_wait3A_95, %dma_wait3A_96] : memref<10000x128xf32, #tpu.memory_space<hbm>> -> memref<10000x128xf32, #tpu.memory_space<hbm>>
      tpu.wait_indirect_dma semaphore(%arg20 : memref<!tpu.dma_semaphore, #tpu.memory_space<semaphore_mem>>) src(%dma_wait3A_97 : memref<10000x128xf32, #tpu.memory_space<hbm>>) dst(%arg16 : memref<32x128xf32, #tpu.memory_space<vmem>>)
      %scan3A_98 = arith.constant 0 : i32
      %scan3A_99 = arith.constant 0 : i32
      %scan3A_100 = arith.constant 32 : i32
      %scan3A_101 = arith.addi %scan3A_99, %scan3A_100 : i32
      %scan3A_102 = arith.constant 1 : i32
      %scan3A_103 = scf.for %scan3A_134 = %scan3A_99 to %scan3A_101 step %scan3A_102 iter_args(%scan3A_135 = %scan3A_98) -> (i32)  : i32 {
        %broadcast_in_dim3A_136 = vector.broadcast %scan3A_134 : i32 to vector<16xi32>
        %gather3A = tpu.vector_load_idx %arg14[%broadcast_in_dim3A_136] : memref<32xf32, #tpu.memory_space<vmem>>[vector<16xi32>], vector<16xf32>,
        %get3A = arith.index_cast %scan3A_134 : i32 to index
        %get3A_137 = arith.constant 0 : index
        %get3A_138 = tpu.vector_load %arg16[%get3A, %get3A_137] {strides = array<i32>} : memref<32x128xf32, #tpu.memory_space<vmem>>, vector<16xf32>,
        %mul3A_139 = arith.mulf %get3A_138, %gather3A : vector<16xf32>
        %swap3A = arith.index_cast %scan3A_134 : i32 to index
        %swap3A_140 = arith.constant 0 : index
        %swap3A_141 = tpu.vector_load %arg16[%swap3A, %swap3A_140] {strides = array<i32>} : memref<32x128xf32, #tpu.memory_space<vmem>>, vector<16xf32>,
        tpu.vector_store %arg16[%swap3A, %swap3A_140], %mul3A_139 {strides = array<i32>} : memref<32x128xf32, #tpu.memory_space<vmem>>, vector<16xf32>,
        %get3A_142 = arith.index_cast %scan3A_134 : i32 to index
        %get3A_143 = arith.constant 16 : index
        %get3A_144 = tpu.vector_load %arg16[%get3A_142, %get3A_143] {strides = array<i32>} : memref<32x128xf32, #tpu.memory_space<vmem>>, vector<16xf32>,
        %mul3A_145 = arith.mulf %get3A_144, %gather3A : vector<16xf32>
        %swap3A_146 = arith.index_cast %scan3A_134 : i32 to index
        %swap3A_147 = arith.constant 16 : index
        %swap3A_148 = tpu.vector_load %arg16[%swap3A_146, %swap3A_147] {strides = array<i32>} : memref<32x128xf32, #tpu.memory_space<vmem>>, vector<16xf32>,
        tpu.vector_store %arg16[%swap3A_146, %swap3A_147], %mul3A_145 {strides = array<i32>} : memref<32x128xf32, #tpu.memory_space<vmem>>, vector<16xf32>,
        %get3A_149 = arith.index_cast %scan3A_134 : i32 to index
        %get3A_150 = arith.constant 32 : index
        %get3A_151 = tpu.vector_load %arg16[%get3A_149, %get3A_150] {strides = array<i32>} : memref<32x128xf32, #tpu.memory_space<vmem>>, vector<16xf32>,
        %mul3A_152 = arith.mulf %get3A_151, %gather3A : vector<16xf32>
        %swap3A_153 = arith.index_cast %scan3A_134 : i32 to index
        %swap3A_154 = arith.constant 32 : index
        %swap3A_155 = tpu.vector_load %arg16[%swap3A_153, %swap3A_154] {strides = array<i32>} : memref<32x128xf32, #tpu.memory_space<vmem>>, vector<16xf32>,
        tpu.vector_store %arg16[%swap3A_153, %swap3A_154], %mul3A_152 {strides = array<i32>} : memref<32x128xf32, #tpu.memory_space<vmem>>, vector<16xf32>,
        %get3A_156 = arith.index_cast %scan3A_134 : i32 to index
        %get3A_157 = arith.constant 48 : index
        %get3A_158 = tpu.vector_load %arg16[%get3A_156, %get3A_157] {strides = array<i32>} : memref<32x128xf32, #tpu.memory_space<vmem>>, vector<16xf32>,
        %mul3A_159 = arith.mulf %get3A_158, %gather3A : vector<16xf32>
        %swap3A_160 = arith.index_cast %scan3A_134 : i32 to index
        %swap3A_161 = arith.constant 48 : index
        %swap3A_162 = tpu.vector_load %arg16[%swap3A_160, %swap3A_161] {strides = array<i32>} : memref<32x128xf32, #tpu.memory_space<vmem>>, vector<16xf32>,
        tpu.vector_store %arg16[%swap3A_160, %swap3A_161], %mul3A_159 {strides = array<i32>} : memref<32x128xf32, #tpu.memory_space<vmem>>, vector<16xf32>,
        %get3A_163 = arith.index_cast %scan3A_134 : i32 to index
        %get3A_164 = arith.constant 64 : index
        %get3A_165 = tpu.vector_load %arg16[%get3A_163, %get3A_164] {strides = array<i32>} : memref<32x128xf32, #tpu.memory_space<vmem>>, vector<16xf32>,
        %mul3A_166 = arith.mulf %get3A_165, %gather3A : vector<16xf32>
        %swap3A_167 = arith.index_cast %scan3A_134 : i32 to index
        %swap3A_168 = arith.constant 64 : index
        %swap3A_169 = tpu.vector_load %arg16[%swap3A_167, %swap3A_168] {strides = array<i32>} : memref<32x128xf32, #tpu.memory_space<vmem>>, vector<16xf32>,
        tpu.vector_store %arg16[%swap3A_167, %swap3A_168], %mul3A_166 {strides = array<i32>} : memref<32x128xf32, #tpu.memory_space<vmem>>, vector<16xf32>,
        %get3A_170 = arith.index_cast %scan3A_134 : i32 to index
        %get3A_171 = arith.constant 80 : index
        %get3A_172 = tpu.vector_load %arg16[%get3A_170, %get3A_171] {strides = array<i32>} : memref<32x128xf32, #tpu.memory_space<vmem>>, vector<16xf32>,
        %mul3A_173 = arith.mulf %get3A_172, %gather3A : vector<16xf32>
        %swap3A_174 = arith.index_cast %scan3A_134 : i32 to index
        %swap3A_175 = arith.constant 80 : index
        %swap3A_176 = tpu.vector_load %arg16[%swap3A_174, %swap3A_175] {strides = array<i32>} : memref<32x128xf32, #tpu.memory_space<vmem>>, vector<16xf32>,
        tpu.vector_store %arg16[%swap3A_174, %swap3A_175], %mul3A_173 {strides = array<i32>} : memref<32x128xf32, #tpu.memory_space<vmem>>, vector<16xf32>,
        %get3A_177 = arith.index_cast %scan3A_134 : i32 to index
        %get3A_178 = arith.constant 96 : index
        %get3A_179 = tpu.vector_load %arg16[%get3A_177, %get3A_178] {strides = array<i32>} : memref<32x128xf32, #tpu.memory_space<vmem>>, vector<16xf32>,
        %mul3A_180 = arith.mulf %get3A_179, %gather3A : vector<16xf32>
        %swap3A_181 = arith.index_cast %scan3A_134 : i32 to index
        %swap3A_182 = arith.constant 96 : index
        %swap3A_183 = tpu.vector_load %arg16[%swap3A_181, %swap3A_182] {strides = array<i32>} : memref<32x128xf32, #tpu.memory_space<vmem>>, vector<16xf32>,
        tpu.vector_store %arg16[%swap3A_181, %swap3A_182], %mul3A_180 {strides = array<i32>} : memref<32x128xf32, #tpu.memory_space<vmem>>, vector<16xf32>,
        %get3A_184 = arith.index_cast %scan3A_134 : i32 to index
        %get3A_185 = arith.constant 112 : index
        %get3A_186 = tpu.vector_load %arg16[%get3A_184, %get3A_185] {strides = array<i32>} : memref<32x128xf32, #tpu.memory_space<vmem>>, vector<16xf32>,
        %mul3A_187 = arith.mulf %get3A_186, %gather3A : vector<16xf32>
        %swap3A_188 = arith.index_cast %scan3A_134 : i32 to index
        %swap3A_189 = arith.constant 112 : index
        %swap3A_190 = tpu.vector_load %arg16[%swap3A_188, %swap3A_189] {strides = array<i32>} : memref<32x128xf32, #tpu.memory_space<vmem>>, vector<16xf32>,
        tpu.vector_store %arg16[%swap3A_188, %swap3A_189], %mul3A_187 {strides = array<i32>} : memref<32x128xf32, #tpu.memory_space<vmem>>, vector<16xf32>,
        %scan3A_191 = arith.constant 0 : i32
        scf.yield %scan3A_191 : i32
      }
      %scan3A_104 = arith.constant 32 : i32
      %dma_start3A_105 = arith.constant 1 : i32
      %dma_start3A_106 = arith.constant 0 : i32
      %dma_start3A_107 = tpu.memref_slice %arg12[%dma_start3A_105, %dma_start3A_106] : memref<8x32xi32, #tpu.memory_space<vmem>> -> memref<1x32xi32, #tpu.memory_space<vmem>>
      %dma_start3A_108 = tpu.memref_squeeze %dma_start3A_107 : memref<1x32xi32, #tpu.memory_space<vmem>> -> memref<32xi32, #tpu.memory_space<vmem>>
      %dma_start3A_109 = arith.constant 0 : i32
      %dma_start3A_110 = arith.constant 0 : i32
      %dma_start3A_111 = tpu.memref_slice %arg18[%dma_start3A_109, %dma_start3A_110] : memref<10016x128xf32, #tpu.memory_space<vmem_shared>> -> memref<10016x128xf32, #tpu.memory_space<vmem_shared>>
      tpu.enqueue_indirect_dma source(%arg16 : memref<32x128xf32, #tpu.memory_space<vmem>>) target(%dma_start3A_111 : memref<10016x128xf32, #tpu.memory_space<vmem_shared>>) offsets(%dma_start3A_108 : memref<32xi32, #tpu.memory_space<vmem>>) semaphore(%arg22 : memref<!tpu.dma_semaphore, #tpu.memory_space<semaphore_mem>>) {add = true}
      %scan3A_112 = arith.constant 0 : i32
      %scan3A_113 = arith.constant 1 : i32
      %scan3A_114 = arith.constant 3 : i32
      %scan3A_115 = arith.addi %scan3A_113, %scan3A_114 : i32
      %scan3A_116 = arith.constant 1 : i32
      %scan3A_117 = scf.for %scan3A_134 = %scan3A_113 to %scan3A_115 step %scan3A_116 iter_args(%scan3A_135 = %scan3A_112) -> (i32)  : i32 {
        %mul3A_136 = arith.constant 2 : i32
        %mul3A_137 = arith.muli %mul3A_136, %scan3A_134 : i32
        %mul3A_138 = arith.constant 2 : i32
        %mul3A_139 = arith.muli %mul3A_138, %scan3A_134 : i32
        %add3A_140 = arith.constant 1 : i32
        %add3A_141 = arith.addi %mul3A_139, %add3A_140 : i32
        %dma_wait3A_142 = arith.constant 0 : i32
        %dma_wait3A_143 = arith.constant 0 : i32
        %dma_wait3A_144 = tpu.memref_slice %arg12[%dma_wait3A_142, %dma_wait3A_143] : memref<8x32xi32, #tpu.memory_space<vmem>> -> memref<1x32xi32, #tpu.memory_space<vmem>>
        %dma_wait3A_145 = tpu.memref_squeeze %dma_wait3A_144 : memref<1x32xi32, #tpu.memory_space<vmem>> -> memref<32xi32, #tpu.memory_space<vmem>>
        %dma_wait3A_146 = arith.constant 0 : i32
        %dma_wait3A_147 = arith.constant 0 : i32
        %dma_wait3A_148 = tpu.memref_slice %arg18[%dma_wait3A_146, %dma_wait3A_147] : memref<10016x128xf32, #tpu.memory_space<vmem_shared>> -> memref<10016x128xf32, #tpu.memory_space<vmem_shared>>
        tpu.wait_indirect_dma semaphore(%arg21 : memref<!tpu.dma_semaphore, #tpu.memory_space<semaphore_mem>>) src(%arg15 : memref<32x128xf32, #tpu.memory_space<vmem>>) dst(%dma_wait3A_148 : memref<10016x128xf32, #tpu.memory_space<vmem_shared>>)
        %dma_wait3A_149 = arith.constant 0 : i32
        %dma_wait3A_150 = arith.constant 0 : i32
        %dma_wait3A_151 = tpu.memref_slice %arg12[%dma_wait3A_149, %dma_wait3A_150] : memref<8x32xi32, #tpu.memory_space<vmem>> -> memref<1x32xi32, #tpu.memory_space<vmem>>
        %dma_wait3A_152 = tpu.memref_squeeze %dma_wait3A_151 : memref<1x32xi32, #tpu.memory_space<vmem>> -> memref<32xi32, #tpu.memory_space<vmem>>
        %dma_wait3A_153 = arith.constant 0 : i32
        %dma_wait3A_154 = arith.constant 0 : i32
        %dma_wait3A_155 = tpu.memref_slice %arg18[%dma_wait3A_153, %dma_wait3A_154] : memref<10016x128xf32, #tpu.memory_space<vmem_shared>> -> memref<10016x128xf32, #tpu.memory_space<vmem_shared>>
        tpu.wait_indirect_dma semaphore(%arg22 : memref<!tpu.dma_semaphore, #tpu.memory_space<semaphore_mem>>) src(%arg16 : memref<32x128xf32, #tpu.memory_space<vmem>>) dst(%dma_wait3A_155 : memref<10016x128xf32, #tpu.memory_space<vmem_shared>>)
        %dma_start3A_156 = arith.constant 0 : i32
        %dma_start3A_157 = tpu.memref_slice %arg11[%mul3A_137, %dma_start3A_156] : memref<8x32xi32, #tpu.memory_space<vmem>> -> memref<1x32xi32, #tpu.memory_space<vmem>>
        %dma_start3A_158 = tpu.memref_squeeze %dma_start3A_157 : memref<1x32xi32, #tpu.memory_space<vmem>> -> memref<32xi32, #tpu.memory_space<vmem>>
        %dma_start3A_159 = arith.constant 0 : i32
        %dma_start3A_160 = arith.constant 0 : i32
        %dma_start3A_161 = tpu.memref_slice %arg6[%dma_start3A_159, %dma_start3A_160] : memref<10000x128xf32, #tpu.memory_space<hbm>> -> memref<10000x128xf32, #tpu.memory_space<hbm>>
        tpu.enqueue_indirect_dma source(%dma_start3A_161 : memref<10000x128xf32, #tpu.memory_space<hbm>>) target(%arg15 : memref<32x128xf32, #tpu.memory_space<vmem>>) offsets(%dma_start3A_158 : memref<32xi32, #tpu.memory_space<vmem>>) semaphore(%arg19 : memref<!tpu.dma_semaphore, #tpu.memory_space<semaphore_mem>>)
        %dma_start3A_162 = arith.constant 0 : i32
        %dma_start3A_163 = tpu.memref_slice %arg11[%add3A_141, %dma_start3A_162] : memref<8x32xi32, #tpu.memory_space<vmem>> -> memref<1x32xi32, #tpu.memory_space<vmem>>
        %dma_start3A_164 = tpu.memref_squeeze %dma_start3A_163 : memref<1x32xi32, #tpu.memory_space<vmem>> -> memref<32xi32, #tpu.memory_space<vmem>>
        %dma_start3A_165 = arith.constant 0 : i32
        %dma_start3A_166 = arith.constant 0 : i32
        %dma_start3A_167 = tpu.memref_slice %arg6[%dma_start3A_165, %dma_start3A_166] : memref<10000x128xf32, #tpu.memory_space<hbm>> -> memref<10000x128xf32, #tpu.memory_space<hbm>>
        tpu.enqueue_indirect_dma source(%dma_start3A_167 : memref<10000x128xf32, #tpu.memory_space<hbm>>) target(%arg16 : memref<32x128xf32, #tpu.memory_space<vmem>>) offsets(%dma_start3A_164 : memref<32xi32, #tpu.memory_space<vmem>>) semaphore(%arg20 : memref<!tpu.dma_semaphore, #tpu.memory_space<semaphore_mem>>)
        %scan3A_168 = arith.constant 0 : i32
        %scan3A_169 = arith.constant 0 : i32
        %scan3A_170 = arith.constant 2 : i32
        %scan3A_171 = arith.addi %scan3A_169, %scan3A_170 : i32
        %scan3A_172 = arith.constant 1 : i32
        %scan3A_173 = scf.for %scan3A_221 = %scan3A_169 to %scan3A_171 step %scan3A_172 iter_args(%scan3A_222 = %scan3A_168) -> (i32)  : i32 {
          %mul3A_223 = arith.constant 16 : i32
          %mul3A_224 = arith.muli %scan3A_221, %mul3A_223 : i32
          %get3A = arith.index_cast %mul3A_137 : i32 to index
          %get3A_225 = arith.index_cast %mul3A_224 : i32 to index
          %get3A_226 = tpu.vector_load %arg11[%get3A, %get3A_225] {strides = array<i32>} : memref<8x32xi32, #tpu.memory_space<vmem>>, vector<16xi32>,
          %mul3A_227 = arith.constant 16 : i32
          %mul3A_228 = arith.muli %scan3A_221, %mul3A_227 : i32
          %get3A_229 = arith.index_cast %mul3A_137 : i32 to index
          %get3A_230 = arith.index_cast %mul3A_228 : i32 to index
          %get3A_231 = tpu.vector_load %arg12[%get3A_229, %get3A_230] {strides = array<i32>} : memref<8x32xi32, #tpu.memory_space<vmem>>, vector<16xi32>,
          %gather3A = tpu.vector_load_idx %arg9[%get3A_226] : memref<10016xf32, #tpu.memory_space<vmem>>[vector<16xi32>], vector<16xf32>,
          %gather3A_232 = tpu.vector_load_idx %arg10[%get3A_231] : memref<10016xf32, #tpu.memory_space<vmem>>[vector<16xi32>], vector<16xf32>,
          %add3A_233 = arith.addf %gather3A, %gather3A_232 : vector<16xf32>
          %gt3A = arith.constant 0.000000e+00 : f32
          %gt3A_234 = vector.broadcast %gt3A : f32 to vector<16xf32>
          %gt3A_235 = arith.cmpf ogt, %add3A_233, %gt3A_234 : vector<16xf32>
          %mul3A_236 = arith.constant 2.000000e-01 : f32
          %mul3A_237 = vector.broadcast %mul3A_236 : f32 to vector<16xf32>
          %mul3A_238 = arith.mulf %mul3A_237, %add3A_233 : vector<16xf32>
          %select_n3A = arith.select %gt3A_235, %add3A_233, %mul3A_238 : vector<16xi1>, vector<16xf32>
          %exp3A = math.exp %select_n3A : vector<16xf32>
          %mul3A_239 = arith.constant 16 : i32
          %mul3A_240 = arith.muli %scan3A_221, %mul3A_239 : i32
          %swap3A = arith.index_cast %mul3A_240 : i32 to index
          %swap3A_241 = tpu.vector_load %arg13[%swap3A] {strides = array<i32>} : memref<32xf32, #tpu.memory_space<vmem>>, vector<16xf32>,
          tpu.vector_store %arg13[%swap3A], %exp3A {strides = array<i32>} : memref<32xf32, #tpu.memory_space<vmem>>, vector<16xf32>,
          tpu.vector_store_idx %arg17[%get3A_231], %exp3A {add = true} : memref<10016xf32, #tpu.memory_space<vmem>>[vector<16xi32>], vector<16xf32>,
          %scan3A_242 = arith.constant 0 : i32
          scf.yield %scan3A_242 : i32
        }
        %scan3A_174 = arith.constant 2 : i32
        %dma_wait3A_175 = arith.constant 0 : i32
        %dma_wait3A_176 = tpu.memref_slice %arg11[%mul3A_137, %dma_wait3A_175] : memref<8x32xi32, #tpu.memory_space<vmem>> -> memref<1x32xi32, #tpu.memory_space<vmem>>
        %dma_wait3A_177 = tpu.memref_squeeze %dma_wait3A_176 : memref<1x32xi32, #tpu.memory_space<vmem>> -> memref<32xi32, #tpu.memory_space<vmem>>
        %dma_wait3A_178 = arith.constant 0 : i32
        %dma_wait3A_179 = arith.constant 0 : i32
        %dma_wait3A_180 = tpu.memref_slice %arg6[%dma_wait3A_178, %dma_wait3A_179] : memref<10000x128xf32, #tpu.memory_space<hbm>> -> memref<10000x128xf32, #tpu.memory_space<hbm>>
        tpu.wait_indirect_dma semaphore(%arg19 : memref<!tpu.dma_semaphore, #tpu.memory_space<semaphore_mem>>) src(%dma_wait3A_180 : memref<10000x128xf32, #tpu.memory_space<hbm>>) dst(%arg15 : memref<32x128xf32, #tpu.memory_space<vmem>>)
        %scan3A_181 = arith.constant 0 : i32
        %scan3A_182 = arith.constant 0 : i32
        %scan3A_183 = arith.constant 32 : i32
        %scan3A_184 = arith.addi %scan3A_182, %scan3A_183 : i32
        %scan3A_185 = arith.constant 1 : i32
        %scan3A_186 = scf.for %scan3A_221 = %scan3A_182 to %scan3A_184 step %scan3A_185 iter_args(%scan3A_222 = %scan3A_181) -> (i32)  : i32 {
          %broadcast_in_dim3A_223 = vector.broadcast %scan3A_221 : i32 to vector<16xi32>
          %gather3A = tpu.vector_load_idx %arg13[%broadcast_in_dim3A_223] : memref<32xf32, #tpu.memory_space<vmem>>[vector<16xi32>], vector<16xf32>,
          %get3A = arith.index_cast %scan3A_221 : i32 to index
          %get3A_224 = arith.constant 0 : index
          %get3A_225 = tpu.vector_load %arg15[%get3A, %get3A_224] {strides = array<i32>} : memref<32x128xf32, #tpu.memory_space<vmem>>, vector<16xf32>,
          %mul3A_226 = arith.mulf %get3A_225, %gather3A : vector<16xf32>
          %swap3A = arith.index_cast %scan3A_221 : i32 to index
          %swap3A_227 = arith.constant 0 : index
          %swap3A_228 = tpu.vector_load %arg15[%swap3A, %swap3A_227] {strides = array<i32>} : memref<32x128xf32, #tpu.memory_space<vmem>>, vector<16xf32>,
          tpu.vector_store %arg15[%swap3A, %swap3A_227], %mul3A_226 {strides = array<i32>} : memref<32x128xf32, #tpu.memory_space<vmem>>, vector<16xf32>,
          %get3A_229 = arith.index_cast %scan3A_221 : i32 to index
          %get3A_230 = arith.constant 16 : index
          %get3A_231 = tpu.vector_load %arg15[%get3A_229, %get3A_230] {strides = array<i32>} : memref<32x128xf32, #tpu.memory_space<vmem>>, vector<16xf32>,
          %mul3A_232 = arith.mulf %get3A_231, %gather3A : vector<16xf32>
          %swap3A_233 = arith.index_cast %scan3A_221 : i32 to index
          %swap3A_234 = arith.constant 16 : index
          %swap3A_235 = tpu.vector_load %arg15[%swap3A_233, %swap3A_234] {strides = array<i32>} : memref<32x128xf32, #tpu.memory_space<vmem>>, vector<16xf32>,
          tpu.vector_store %arg15[%swap3A_233, %swap3A_234], %mul3A_232 {strides = array<i32>} : memref<32x128xf32, #tpu.memory_space<vmem>>, vector<16xf32>,
          %get3A_236 = arith.index_cast %scan3A_221 : i32 to index
          %get3A_237 = arith.constant 32 : index
          %get3A_238 = tpu.vector_load %arg15[%get3A_236, %get3A_237] {strides = array<i32>} : memref<32x128xf32, #tpu.memory_space<vmem>>, vector<16xf32>,
          %mul3A_239 = arith.mulf %get3A_238, %gather3A : vector<16xf32>
          %swap3A_240 = arith.index_cast %scan3A_221 : i32 to index
          %swap3A_241 = arith.constant 32 : index
          %swap3A_242 = tpu.vector_load %arg15[%swap3A_240, %swap3A_241] {strides = array<i32>} : memref<32x128xf32, #tpu.memory_space<vmem>>, vector<16xf32>,
          tpu.vector_store %arg15[%swap3A_240, %swap3A_241], %mul3A_239 {strides = array<i32>} : memref<32x128xf32, #tpu.memory_space<vmem>>, vector<16xf32>,
          %get3A_243 = arith.index_cast %scan3A_221 : i32 to index
          %get3A_244 = arith.constant 48 : index
          %get3A_245 = tpu.vector_load %arg15[%get3A_243, %get3A_244] {strides = array<i32>} : memref<32x128xf32, #tpu.memory_space<vmem>>, vector<16xf32>,
          %mul3A_246 = arith.mulf %get3A_245, %gather3A : vector<16xf32>
          %swap3A_247 = arith.index_cast %scan3A_221 : i32 to index
          %swap3A_248 = arith.constant 48 : index
          %swap3A_249 = tpu.vector_load %arg15[%swap3A_247, %swap3A_248] {strides = array<i32>} : memref<32x128xf32, #tpu.memory_space<vmem>>, vector<16xf32>,
          tpu.vector_store %arg15[%swap3A_247, %swap3A_248], %mul3A_246 {strides = array<i32>} : memref<32x128xf32, #tpu.memory_space<vmem>>, vector<16xf32>,
          %get3A_250 = arith.index_cast %scan3A_221 : i32 to index
          %get3A_251 = arith.constant 64 : index
          %get3A_252 = tpu.vector_load %arg15[%get3A_250, %get3A_251] {strides = array<i32>} : memref<32x128xf32, #tpu.memory_space<vmem>>, vector<16xf32>,
          %mul3A_253 = arith.mulf %get3A_252, %gather3A : vector<16xf32>
          %swap3A_254 = arith.index_cast %scan3A_221 : i32 to index
          %swap3A_255 = arith.constant 64 : index
          %swap3A_256 = tpu.vector_load %arg15[%swap3A_254, %swap3A_255] {strides = array<i32>} : memref<32x128xf32, #tpu.memory_space<vmem>>, vector<16xf32>,
          tpu.vector_store %arg15[%swap3A_254, %swap3A_255], %mul3A_253 {strides = array<i32>} : memref<32x128xf32, #tpu.memory_space<vmem>>, vector<16xf32>,
          %get3A_257 = arith.index_cast %scan3A_221 : i32 to index
          %get3A_258 = arith.constant 80 : index
          %get3A_259 = tpu.vector_load %arg15[%get3A_257, %get3A_258] {strides = array<i32>} : memref<32x128xf32, #tpu.memory_space<vmem>>, vector<16xf32>,
          %mul3A_260 = arith.mulf %get3A_259, %gather3A : vector<16xf32>
          %swap3A_261 = arith.index_cast %scan3A_221 : i32 to index
          %swap3A_262 = arith.constant 80 : index
          %swap3A_263 = tpu.vector_load %arg15[%swap3A_261, %swap3A_262] {strides = array<i32>} : memref<32x128xf32, #tpu.memory_space<vmem>>, vector<16xf32>,
          tpu.vector_store %arg15[%swap3A_261, %swap3A_262], %mul3A_260 {strides = array<i32>} : memref<32x128xf32, #tpu.memory_space<vmem>>, vector<16xf32>,
          %get3A_264 = arith.index_cast %scan3A_221 : i32 to index
          %get3A_265 = arith.constant 96 : index
          %get3A_266 = tpu.vector_load %arg15[%get3A_264, %get3A_265] {strides = array<i32>} : memref<32x128xf32, #tpu.memory_space<vmem>>, vector<16xf32>,
          %mul3A_267 = arith.mulf %get3A_266, %gather3A : vector<16xf32>
          %swap3A_268 = arith.index_cast %scan3A_221 : i32 to index
          %swap3A_269 = arith.constant 96 : index
          %swap3A_270 = tpu.vector_load %arg15[%swap3A_268, %swap3A_269] {strides = array<i32>} : memref<32x128xf32, #tpu.memory_space<vmem>>, vector<16xf32>,
          tpu.vector_store %arg15[%swap3A_268, %swap3A_269], %mul3A_267 {strides = array<i32>} : memref<32x128xf32, #tpu.memory_space<vmem>>, vector<16xf32>,
          %get3A_271 = arith.index_cast %scan3A_221 : i32 to index
          %get3A_272 = arith.constant 112 : index
          %get3A_273 = tpu.vector_load %arg15[%get3A_271, %get3A_272] {strides = array<i32>} : memref<32x128xf32, #tpu.memory_space<vmem>>, vector<16xf32>,
          %mul3A_274 = arith.mulf %get3A_273, %gather3A : vector<16xf32>
          %swap3A_275 = arith.index_cast %scan3A_221 : i32 to index
          %swap3A_276 = arith.constant 112 : index
          %swap3A_277 = tpu.vector_load %arg15[%swap3A_275, %swap3A_276] {strides = array<i32>} : memref<32x128xf32, #tpu.memory_space<vmem>>, vector<16xf32>,
          tpu.vector_store %arg15[%swap3A_275, %swap3A_276], %mul3A_274 {strides = array<i32>} : memref<32x128xf32, #tpu.memory_space<vmem>>, vector<16xf32>,
          %scan3A_278 = arith.constant 0 : i32
          scf.yield %scan3A_278 : i32
        }
        %scan3A_187 = arith.constant 32 : i32
        %dma_start3A_188 = arith.constant 0 : i32
        %dma_start3A_189 = tpu.memref_slice %arg12[%mul3A_137, %dma_start3A_188] : memref<8x32xi32, #tpu.memory_space<vmem>> -> memref<1x32xi32, #tpu.memory_space<vmem>>
        %dma_start3A_190 = tpu.memref_squeeze %dma_start3A_189 : memref<1x32xi32, #tpu.memory_space<vmem>> -> memref<32xi32, #tpu.memory_space<vmem>>
        %dma_start3A_191 = arith.constant 0 : i32
        %dma_start3A_192 = arith.constant 0 : i32
        %dma_start3A_193 = tpu.memref_slice %arg18[%dma_start3A_191, %dma_start3A_192] : memref<10016x128xf32, #tpu.memory_space<vmem_shared>> -> memref<10016x128xf32, #tpu.memory_space<vmem_shared>>
        tpu.enqueue_indirect_dma source(%arg15 : memref<32x128xf32, #tpu.memory_space<vmem>>) target(%dma_start3A_193 : memref<10016x128xf32, #tpu.memory_space<vmem_shared>>) offsets(%dma_start3A_190 : memref<32xi32, #tpu.memory_space<vmem>>) semaphore(%arg21 : memref<!tpu.dma_semaphore, #tpu.memory_space<semaphore_mem>>) {add = true}
        %scan3A_194 = arith.constant 0 : i32
        %scan3A_195 = arith.constant 0 : i32
        %scan3A_196 = arith.constant 2 : i32
        %scan3A_197 = arith.addi %scan3A_195, %scan3A_196 : i32
        %scan3A_198 = arith.constant 1 : i32
        %scan3A_199 = scf.for %scan3A_221 = %scan3A_195 to %scan3A_197 step %scan3A_198 iter_args(%scan3A_222 = %scan3A_194) -> (i32)  : i32 {
          %mul3A_223 = arith.constant 16 : i32
          %mul3A_224 = arith.muli %scan3A_221, %mul3A_223 : i32
          %get3A = arith.index_cast %add3A_141 : i32 to index
          %get3A_225 = arith.index_cast %mul3A_224 : i32 to index
          %get3A_226 = tpu.vector_load %arg11[%get3A, %get3A_225] {strides = array<i32>} : memref<8x32xi32, #tpu.memory_space<vmem>>, vector<16xi32>,
          %mul3A_227 = arith.constant 16 : i32
          %mul3A_228 = arith.muli %scan3A_221, %mul3A_227 : i32
          %get3A_229 = arith.index_cast %add3A_141 : i32 to index
          %get3A_230 = arith.index_cast %mul3A_228 : i32 to index
          %get3A_231 = tpu.vector_load %arg12[%get3A_229, %get3A_230] {strides = array<i32>} : memref<8x32xi32, #tpu.memory_space<vmem>>, vector<16xi32>,
          %gather3A = tpu.vector_load_idx %arg9[%get3A_226] : memref<10016xf32, #tpu.memory_space<vmem>>[vector<16xi32>], vector<16xf32>,
          %gather3A_232 = tpu.vector_load_idx %arg10[%get3A_231] : memref<10016xf32, #tpu.memory_space<vmem>>[vector<16xi32>], vector<16xf32>,
          %add3A_233 = arith.addf %gather3A, %gather3A_232 : vector<16xf32>
          %gt3A = arith.constant 0.000000e+00 : f32
          %gt3A_234 = vector.broadcast %gt3A : f32 to vector<16xf32>
          %gt3A_235 = arith.cmpf ogt, %add3A_233, %gt3A_234 : vector<16xf32>
          %mul3A_236 = arith.constant 2.000000e-01 : f32
          %mul3A_237 = vector.broadcast %mul3A_236 : f32 to vector<16xf32>
          %mul3A_238 = arith.mulf %mul3A_237, %add3A_233 : vector<16xf32>
          %select_n3A = arith.select %gt3A_235, %add3A_233, %mul3A_238 : vector<16xi1>, vector<16xf32>
          %exp3A = math.exp %select_n3A : vector<16xf32>
          %mul3A_239 = arith.constant 16 : i32
          %mul3A_240 = arith.muli %scan3A_221, %mul3A_239 : i32
          %swap3A = arith.index_cast %mul3A_240 : i32 to index
          %swap3A_241 = tpu.vector_load %arg14[%swap3A] {strides = array<i32>} : memref<32xf32, #tpu.memory_space<vmem>>, vector<16xf32>,
          tpu.vector_store %arg14[%swap3A], %exp3A {strides = array<i32>} : memref<32xf32, #tpu.memory_space<vmem>>, vector<16xf32>,
          tpu.vector_store_idx %arg17[%get3A_231], %exp3A {add = true} : memref<10016xf32, #tpu.memory_space<vmem>>[vector<16xi32>], vector<16xf32>,
          %scan3A_242 = arith.constant 0 : i32
          scf.yield %scan3A_242 : i32
        }
        %scan3A_200 = arith.constant 2 : i32
        %dma_wait3A_201 = arith.constant 0 : i32
        %dma_wait3A_202 = tpu.memref_slice %arg11[%add3A_141, %dma_wait3A_201] : memref<8x32xi32, #tpu.memory_space<vmem>> -> memref<1x32xi32, #tpu.memory_space<vmem>>
        %dma_wait3A_203 = tpu.memref_squeeze %dma_wait3A_202 : memref<1x32xi32, #tpu.memory_space<vmem>> -> memref<32xi32, #tpu.memory_space<vmem>>
        %dma_wait3A_204 = arith.constant 0 : i32
        %dma_wait3A_205 = arith.constant 0 : i32
        %dma_wait3A_206 = tpu.memref_slice %arg6[%dma_wait3A_204, %dma_wait3A_205] : memref<10000x128xf32, #tpu.memory_space<hbm>> -> memref<10000x128xf32, #tpu.memory_space<hbm>>
        tpu.wait_indirect_dma semaphore(%arg20 : memref<!tpu.dma_semaphore, #tpu.memory_space<semaphore_mem>>) src(%dma_wait3A_206 : memref<10000x128xf32, #tpu.memory_space<hbm>>) dst(%arg16 : memref<32x128xf32, #tpu.memory_space<vmem>>)
        %scan3A_207 = arith.constant 0 : i32
        %scan3A_208 = arith.constant 0 : i32
        %scan3A_209 = arith.constant 32 : i32
        %scan3A_210 = arith.addi %scan3A_208, %scan3A_209 : i32
        %scan3A_211 = arith.constant 1 : i32
        %scan3A_212 = scf.for %scan3A_221 = %scan3A_208 to %scan3A_210 step %scan3A_211 iter_args(%scan3A_222 = %scan3A_207) -> (i32)  : i32 {
          %broadcast_in_dim3A_223 = vector.broadcast %scan3A_221 : i32 to vector<16xi32>
          %gather3A = tpu.vector_load_idx %arg14[%broadcast_in_dim3A_223] : memref<32xf32, #tpu.memory_space<vmem>>[vector<16xi32>], vector<16xf32>,
          %get3A = arith.index_cast %scan3A_221 : i32 to index
          %get3A_224 = arith.constant 0 : index
          %get3A_225 = tpu.vector_load %arg16[%get3A, %get3A_224] {strides = array<i32>} : memref<32x128xf32, #tpu.memory_space<vmem>>, vector<16xf32>,
          %mul3A_226 = arith.mulf %get3A_225, %gather3A : vector<16xf32>
          %swap3A = arith.index_cast %scan3A_221 : i32 to index
          %swap3A_227 = arith.constant 0 : index
          %swap3A_228 = tpu.vector_load %arg16[%swap3A, %swap3A_227] {strides = array<i32>} : memref<32x128xf32, #tpu.memory_space<vmem>>, vector<16xf32>,
          tpu.vector_store %arg16[%swap3A, %swap3A_227], %mul3A_226 {strides = array<i32>} : memref<32x128xf32, #tpu.memory_space<vmem>>, vector<16xf32>,
          %get3A_229 = arith.index_cast %scan3A_221 : i32 to index
          %get3A_230 = arith.constant 16 : index
          %get3A_231 = tpu.vector_load %arg16[%get3A_229, %get3A_230] {strides = array<i32>} : memref<32x128xf32, #tpu.memory_space<vmem>>, vector<16xf32>,
          %mul3A_232 = arith.mulf %get3A_231, %gather3A : vector<16xf32>
          %swap3A_233 = arith.index_cast %scan3A_221 : i32 to index
          %swap3A_234 = arith.constant 16 : index
          %swap3A_235 = tpu.vector_load %arg16[%swap3A_233, %swap3A_234] {strides = array<i32>} : memref<32x128xf32, #tpu.memory_space<vmem>>, vector<16xf32>,
          tpu.vector_store %arg16[%swap3A_233, %swap3A_234], %mul3A_232 {strides = array<i32>} : memref<32x128xf32, #tpu.memory_space<vmem>>, vector<16xf32>,
          %get3A_236 = arith.index_cast %scan3A_221 : i32 to index
          %get3A_237 = arith.constant 32 : index
          %get3A_238 = tpu.vector_load %arg16[%get3A_236, %get3A_237] {strides = array<i32>} : memref<32x128xf32, #tpu.memory_space<vmem>>, vector<16xf32>,
          %mul3A_239 = arith.mulf %get3A_238, %gather3A : vector<16xf32>
          %swap3A_240 = arith.index_cast %scan3A_221 : i32 to index
          %swap3A_241 = arith.constant 32 : index
          %swap3A_242 = tpu.vector_load %arg16[%swap3A_240, %swap3A_241] {strides = array<i32>} : memref<32x128xf32, #tpu.memory_space<vmem>>, vector<16xf32>,
          tpu.vector_store %arg16[%swap3A_240, %swap3A_241], %mul3A_239 {strides = array<i32>} : memref<32x128xf32, #tpu.memory_space<vmem>>, vector<16xf32>,
          %get3A_243 = arith.index_cast %scan3A_221 : i32 to index
          %get3A_244 = arith.constant 48 : index
          %get3A_245 = tpu.vector_load %arg16[%get3A_243, %get3A_244] {strides = array<i32>} : memref<32x128xf32, #tpu.memory_space<vmem>>, vector<16xf32>,
          %mul3A_246 = arith.mulf %get3A_245, %gather3A : vector<16xf32>
          %swap3A_247 = arith.index_cast %scan3A_221 : i32 to index
          %swap3A_248 = arith.constant 48 : index
          %swap3A_249 = tpu.vector_load %arg16[%swap3A_247, %swap3A_248] {strides = array<i32>} : memref<32x128xf32, #tpu.memory_space<vmem>>, vector<16xf32>,
          tpu.vector_store %arg16[%swap3A_247, %swap3A_248], %mul3A_246 {strides = array<i32>} : memref<32x128xf32, #tpu.memory_space<vmem>>, vector<16xf32>,
          %get3A_250 = arith.index_cast %scan3A_221 : i32 to index
          %get3A_251 = arith.constant 64 : index
          %get3A_252 = tpu.vector_load %arg16[%get3A_250, %get3A_251] {strides = array<i32>} : memref<32x128xf32, #tpu.memory_space<vmem>>, vector<16xf32>,
          %mul3A_253 = arith.mulf %get3A_252, %gather3A : vector<16xf32>
          %swap3A_254 = arith.index_cast %scan3A_221 : i32 to index
          %swap3A_255 = arith.constant 64 : index
          %swap3A_256 = tpu.vector_load %arg16[%swap3A_254, %swap3A_255] {strides = array<i32>} : memref<32x128xf32, #tpu.memory_space<vmem>>, vector<16xf32>,
          tpu.vector_store %arg16[%swap3A_254, %swap3A_255], %mul3A_253 {strides = array<i32>} : memref<32x128xf32, #tpu.memory_space<vmem>>, vector<16xf32>,
          %get3A_257 = arith.index_cast %scan3A_221 : i32 to index
          %get3A_258 = arith.constant 80 : index
          %get3A_259 = tpu.vector_load %arg16[%get3A_257, %get3A_258] {strides = array<i32>} : memref<32x128xf32, #tpu.memory_space<vmem>>, vector<16xf32>,
          %mul3A_260 = arith.mulf %get3A_259, %gather3A : vector<16xf32>
          %swap3A_261 = arith.index_cast %scan3A_221 : i32 to index
          %swap3A_262 = arith.constant 80 : index
          %swap3A_263 = tpu.vector_load %arg16[%swap3A_261, %swap3A_262] {strides = array<i32>} : memref<32x128xf32, #tpu.memory_space<vmem>>, vector<16xf32>,
          tpu.vector_store %arg16[%swap3A_261, %swap3A_262], %mul3A_260 {strides = array<i32>} : memref<32x128xf32, #tpu.memory_space<vmem>>, vector<16xf32>,
          %get3A_264 = arith.index_cast %scan3A_221 : i32 to index
          %get3A_265 = arith.constant 96 : index
          %get3A_266 = tpu.vector_load %arg16[%get3A_264, %get3A_265] {strides = array<i32>} : memref<32x128xf32, #tpu.memory_space<vmem>>, vector<16xf32>,
          %mul3A_267 = arith.mulf %get3A_266, %gather3A : vector<16xf32>
          %swap3A_268 = arith.index_cast %scan3A_221 : i32 to index
          %swap3A_269 = arith.constant 96 : index
          %swap3A_270 = tpu.vector_load %arg16[%swap3A_268, %swap3A_269] {strides = array<i32>} : memref<32x128xf32, #tpu.memory_space<vmem>>, vector<16xf32>,
          tpu.vector_store %arg16[%swap3A_268, %swap3A_269], %mul3A_267 {strides = array<i32>} : memref<32x128xf32, #tpu.memory_space<vmem>>, vector<16xf32>,
          %get3A_271 = arith.index_cast %scan3A_221 : i32 to index
          %get3A_272 = arith.constant 112 : index
          %get3A_273 = tpu.vector_load %arg16[%get3A_271, %get3A_272] {strides = array<i32>} : memref<32x128xf32, #tpu.memory_space<vmem>>, vector<16xf32>,
          %mul3A_274 = arith.mulf %get3A_273, %gather3A : vector<16xf32>
          %swap3A_275 = arith.index_cast %scan3A_221 : i32 to index
          %swap3A_276 = arith.constant 112 : index
          %swap3A_277 = tpu.vector_load %arg16[%swap3A_275, %swap3A_276] {strides = array<i32>} : memref<32x128xf32, #tpu.memory_space<vmem>>, vector<16xf32>,
          tpu.vector_store %arg16[%swap3A_275, %swap3A_276], %mul3A_274 {strides = array<i32>} : memref<32x128xf32, #tpu.memory_space<vmem>>, vector<16xf32>,
          %scan3A_278 = arith.constant 0 : i32
          scf.yield %scan3A_278 : i32
        }
        %scan3A_213 = arith.constant 32 : i32
        %dma_start3A_214 = arith.constant 0 : i32
        %dma_start3A_215 = tpu.memref_slice %arg12[%add3A_141, %dma_start3A_214] : memref<8x32xi32, #tpu.memory_space<vmem>> -> memref<1x32xi32, #tpu.memory_space<vmem>>
        %dma_start3A_216 = tpu.memref_squeeze %dma_start3A_215 : memref<1x32xi32, #tpu.memory_space<vmem>> -> memref<32xi32, #tpu.memory_space<vmem>>
        %dma_start3A_217 = arith.constant 0 : i32
        %dma_start3A_218 = arith.constant 0 : i32
        %dma_start3A_219 = tpu.memref_slice %arg18[%dma_start3A_217, %dma_start3A_218] : memref<10016x128xf32, #tpu.memory_space<vmem_shared>> -> memref<10016x128xf32, #tpu.memory_space<vmem_shared>>
        tpu.enqueue_indirect_dma source(%arg16 : memref<32x128xf32, #tpu.memory_space<vmem>>) target(%dma_start3A_219 : memref<10016x128xf32, #tpu.memory_space<vmem_shared>>) offsets(%dma_start3A_216 : memref<32xi32, #tpu.memory_space<vmem>>) semaphore(%arg22 : memref<!tpu.dma_semaphore, #tpu.memory_space<semaphore_mem>>) {add = true}
        %scan3A_220 = arith.constant 0 : i32
        scf.yield %scan3A_220 : i32
      }
      %scan3A_118 = arith.constant 3 : i32
      %dma_wait3A_119 = arith.constant 0 : i32
      %dma_wait3A_120 = arith.constant 0 : i32
      %dma_wait3A_121 = tpu.memref_slice %arg12[%dma_wait3A_119, %dma_wait3A_120] : memref<8x32xi32, #tpu.memory_space<vmem>> -> memref<1x32xi32, #tpu.memory_space<vmem>>
      %dma_wait3A_122 = tpu.memref_squeeze %dma_wait3A_121 : memref<1x32xi32, #tpu.memory_space<vmem>> -> memref<32xi32, #tpu.memory_space<vmem>>
      %dma_wait3A_123 = arith.constant 0 : i32
      %dma_wait3A_124 = arith.constant 0 : i32
      %dma_wait3A_125 = tpu.memref_slice %arg18[%dma_wait3A_123, %dma_wait3A_124] : memref<10016x128xf32, #tpu.memory_space<vmem_shared>> -> memref<10016x128xf32, #tpu.memory_space<vmem_shared>>
      tpu.wait_indirect_dma semaphore(%arg21 : memref<!tpu.dma_semaphore, #tpu.memory_space<semaphore_mem>>) src(%arg15 : memref<32x128xf32, #tpu.memory_space<vmem>>) dst(%dma_wait3A_125 : memref<10016x128xf32, #tpu.memory_space<vmem_shared>>)
      %dma_wait3A_126 = arith.constant 0 : i32
      %dma_wait3A_127 = arith.constant 0 : i32
      %dma_wait3A_128 = tpu.memref_slice %arg12[%dma_wait3A_126, %dma_wait3A_127] : memref<8x32xi32, #tpu.memory_space<vmem>> -> memref<1x32xi32, #tpu.memory_space<vmem>>
      %dma_wait3A_129 = tpu.memref_squeeze %dma_wait3A_128 : memref<1x32xi32, #tpu.memory_space<vmem>> -> memref<32xi32, #tpu.memory_space<vmem>>
      %dma_wait3A_130 = arith.constant 0 : i32
      %dma_wait3A_131 = arith.constant 0 : i32
      %dma_wait3A_132 = tpu.memref_slice %arg18[%dma_wait3A_130, %dma_wait3A_131] : memref<10016x128xf32, #tpu.memory_space<vmem_shared>> -> memref<10016x128xf32, #tpu.memory_space<vmem_shared>>
      tpu.wait_indirect_dma semaphore(%arg22 : memref<!tpu.dma_semaphore, #tpu.memory_space<semaphore_mem>>) src(%arg16 : memref<32x128xf32, #tpu.memory_space<vmem>>) dst(%dma_wait3A_132 : memref<10016x128xf32, #tpu.memory_space<vmem_shared>>)
      %scan3A_133 = arith.constant 0 : i32
      scf.yield %scan3A_133 : i32
    }
    %scan3A_28 = arith.constant 40 : i32
    %barrier3A_29 = arith.constant 0 : index
    tpu.barrier barrier_id(%barrier3A_29)
    %mul3A_30 = arith.constant 624 : i32
    %mul3A_31 = arith.muli %arg1, %mul3A_30 : i32
    %mul3A_32 = arith.constant 10000 : i32
    %mul3A_33 = arith.muli %arg0, %mul3A_32 : i32
    %add3A_34 = arith.addi %mul3A_33, %mul3A_31 : i32
    "tpu.region"() ({
      %run_scoped3A = tpu.sem_alloc : memref<!tpu.dma_semaphore, #tpu.memory_space<semaphore_mem>>
      %dma_start3A = arith.constant 0 : i32
      %dma_start3A_37 = tpu.memref_slice %arg7[%add3A_34, %dma_start3A] : memref<20000x128xf32, #tpu.memory_space<hbm>> -> memref<640x128xf32, #tpu.memory_space<hbm>>
      %dma_start3A_38 = arith.constant 0 : i32
      %dma_start3A_39 = tpu.memref_slice %arg18[%mul3A_31, %dma_start3A_38] : memref<10016x128xf32, #tpu.memory_space<vmem_shared>> -> memref<640x128xf32, #tpu.memory_space<vmem_shared>>
      tpu.enqueue_dma source(%dma_start3A_39 : memref<640x128xf32, #tpu.memory_space<vmem_shared>>) target(%dma_start3A_37 : memref<640x128xf32, #tpu.memory_space<hbm>>) target_semaphore(%run_scoped3A : memref<!tpu.dma_semaphore, #tpu.memory_space<semaphore_mem>>)
      %dma_wait3A = arith.constant 0 : i32
      %dma_wait3A_40 = tpu.memref_slice %arg7[%add3A_34, %dma_wait3A] : memref<20000x128xf32, #tpu.memory_space<hbm>> -> memref<640x128xf32, #tpu.memory_space<hbm>>
      %dma_wait3A_41 = arith.constant 0 : i32
      %dma_wait3A_42 = tpu.memref_slice %arg18[%mul3A_31, %dma_wait3A_41] : memref<10016x128xf32, #tpu.memory_space<vmem_shared>> -> memref<640x128xf32, #tpu.memory_space<vmem_shared>>
      tpu.wait_dma2 semaphore(%run_scoped3A : memref<!tpu.dma_semaphore, #tpu.memory_space<semaphore_mem>>) src(%dma_wait3A_42 : memref<640x128xf32, #tpu.memory_space<vmem_shared>>) dst(%dma_wait3A_40 : memref<640x128xf32, #tpu.memory_space<hbm>>)
      tpu.yield
    }) : () -> ()
    %mul3A_35 = arith.constant 10016 : i32
    %mul3A_36 = arith.muli %add3A, %mul3A_35 : i32
    "tpu.region"() ({
      %run_scoped3A = tpu.sem_alloc : memref<!tpu.dma_semaphore, #tpu.memory_space<semaphore_mem>>
      %dma_start3A = tpu.memref_slice %arg8[%mul3A_36] : memref<320512xf32, #tpu.memory_space<hbm>> -> memref<10016xf32, #tpu.memory_space<hbm>>
      %dma_start3A_37 = tpu.memref_slice %arg8[%mul3A_36] : memref<320512xf32, #tpu.memory_space<hbm>> -> memref<10016xf32, #tpu.memory_space<hbm>>
      tpu.enqueue_dma source(%arg17 : memref<10016xf32, #tpu.memory_space<vmem>>) target(%dma_start3A_37 : memref<10016xf32, #tpu.memory_space<hbm>>) target_semaphore(%run_scoped3A : memref<!tpu.dma_semaphore, #tpu.memory_space<semaphore_mem>>)
      %dma_wait3A = tpu.memref_slice %arg8[%mul3A_36] : memref<320512xf32, #tpu.memory_space<hbm>> -> memref<10016xf32, #tpu.memory_space<hbm>>
      %dma_wait3A_38 = tpu.memref_slice %arg8[%mul3A_36] : memref<320512xf32, #tpu.memory_space<hbm>> -> memref<10016xf32, #tpu.memory_space<hbm>>
      tpu.wait_dma2 semaphore(%run_scoped3A : memref<!tpu.dma_semaphore, #tpu.memory_space<semaphore_mem>>) src(%arg17 : memref<10016xf32, #tpu.memory_space<vmem>>) dst(%dma_wait3A_38 : memref<10016xf32, #tpu.memory_space<hbm>>)
      tpu.yield
    }) : () -> ()
    return
  }
}

#map = affine_map<(d0, d1) -> (0, 0)>
#map1 = affine_map<(d0, d1) -> (0)>
module attributes {stable_mosaic.version = 14 : i64} {
  func.func @_edge_pass(%arg0: i32, %arg1: i32, %arg2: memref<10240x32xi32, #tpu.memory_space<hbm>>, %arg3: memref<10240x32xi32, #tpu.memory_space<hbm>>, %arg4: memref<10016xf32, #tpu.memory_space<hbm>>, %arg5: memref<10016xf32, #tpu.memory_space<hbm>>, %arg6: memref<10000x128xf32, #tpu.memory_space<hbm>>, %arg7: memref<20000x128xf32, #tpu.memory_space<hbm>>, %arg8: memref<320512xf32, #tpu.memory_space<hbm>>, %arg9: memref<10016xf32, #tpu.memory_space<vmem>>, %arg10: memref<10016xf32, #tpu.memory_space<vmem>>, %arg11: memref<8x32xi32, #tpu.memory_space<vmem>>, %arg12: memref<8x32xi32, #tpu.memory_space<vmem>>, %arg13: memref<32xf32, #tpu.memory_space<vmem>>, %arg14: memref<32xf32, #tpu.memory_space<vmem>>, %arg15: memref<32x128xf32, #tpu.memory_space<vmem>>, %arg16: memref<32x128xf32, #tpu.memory_space<vmem>>, %arg17: memref<10016xf32, #tpu.memory_space<vmem>>, %arg18: memref<10016x128xf32, #tpu.memory_space<vmem_shared>>, %arg19: memref<!tpu.dma_semaphore, #tpu.memory_space<semaphore_mem>>, %arg20: memref<!tpu.dma_semaphore, #tpu.memory_space<semaphore_mem>>, %arg21: memref<!tpu.dma_semaphore, #tpu.memory_space<semaphore_mem>>, %arg22: memref<!tpu.dma_semaphore, #tpu.memory_space<semaphore_mem>>) attributes {dimension_semantics = [#tpu.dimension_semantics<core_parallel>, #tpu.dimension_semantics<subcore_parallel>], iteration_bounds = array<i64: 2, 16>, scalar_prefetch = 0 : i64, scratch_operands = 14 : i64, tpu.core_type = #tpu.core_type<sc_vector_subcore>, window_params = [{transform_indices = #map}, {transform_indices = #map}, {transform_indices = #map1}, {transform_indices = #map1}, {transform_indices = #map}, {transform_indices = #map}, {transform_indices = #map1}]} {
    %mul3A = arith.constant 16 : i32
    %mul3A_0 = arith.muli %arg0, %mul3A : i32
    %add3A = arith.addi %mul3A_0, %arg1 : i32
    %broadcast_in_dim3A = arith.constant 0.000000e+00 : f32
    %broadcast_in_dim3A_1 = vector.broadcast %broadcast_in_dim3A : f32 to vector<16xf32>
    "tpu.region"() ({
      %run_scoped3A = tpu.sem_alloc : memref<!tpu.dma_semaphore, #tpu.memory_space<semaphore_mem>>
      tpu.enqueue_dma source(%arg4 : memref<10016xf32, #tpu.memory_space<hbm>>) target(%arg9 : memref<10016xf32, #tpu.memory_space<vmem>>) target_semaphore(%run_scoped3A : memref<!tpu.dma_semaphore, #tpu.memory_space<semaphore_mem>>)
      tpu.wait_dma2 semaphore(%run_scoped3A : memref<!tpu.dma_semaphore, #tpu.memory_space<semaphore_mem>>) src(%arg4 : memref<10016xf32, #tpu.memory_space<hbm>>) dst(%arg9 : memref<10016xf32, #tpu.memory_space<vmem>>)
      tpu.yield
    }) : () -> ()
    "tpu.region"() ({
      %run_scoped3A = tpu.sem_alloc : memref<!tpu.dma_semaphore, #tpu.memory_space<semaphore_mem>>
      tpu.enqueue_dma source(%arg5 : memref<10016xf32, #tpu.memory_space<hbm>>) target(%arg10 : memref<10016xf32, #tpu.memory_space<vmem>>) target_semaphore(%run_scoped3A : memref<!tpu.dma_semaphore, #tpu.memory_space<semaphore_mem>>)
      tpu.wait_dma2 semaphore(%run_scoped3A : memref<!tpu.dma_semaphore, #tpu.memory_space<semaphore_mem>>) src(%arg5 : memref<10016xf32, #tpu.memory_space<hbm>>) dst(%arg10 : memref<10016xf32, #tpu.memory_space<vmem>>)
      tpu.yield
    }) : () -> ()
    %scan3A = arith.constant 0 : i32
    %scan3A_2 = arith.constant 0 : i32
    %scan3A_3 = arith.constant 32 : i32
    %scan3A_4 = arith.addi %scan3A_2, %scan3A_3 : i32
    %scan3A_5 = arith.constant 1 : i32
    %scan3A_6 = scf.for %scan3A_37 = %scan3A_2 to %scan3A_4 step %scan3A_5 iter_args(%scan3A_38 = %scan3A) -> (i32)  : i32 {
      %swap3A = arith.index_cast %scan3A_37 : i32 to index
      %swap3A_39 = arith.constant 0 : index
      %swap3A_40 = tpu.vector_load %arg15[%swap3A, %swap3A_39] {strides = array<i32>} : memref<32x128xf32, #tpu.memory_space<vmem>>, vector<16xf32>,
      tpu.vector_store %arg15[%swap3A, %swap3A_39], %broadcast_in_dim3A_1 {strides = array<i32>} : memref<32x128xf32, #tpu.memory_space<vmem>>, vector<16xf32>,
      %swap3A_41 = arith.index_cast %scan3A_37 : i32 to index
      %swap3A_42 = arith.constant 16 : index
      %swap3A_43 = tpu.vector_load %arg15[%swap3A_41, %swap3A_42] {strides = array<i32>} : memref<32x128xf32, #tpu.memory_space<vmem>>, vector<16xf32>,
      tpu.vector_store %arg15[%swap3A_41, %swap3A_42], %broadcast_in_dim3A_1 {strides = array<i32>} : memref<32x128xf32, #tpu.memory_space<vmem>>, vector<16xf32>,
      %swap3A_44 = arith.index_cast %scan3A_37 : i32 to index
      %swap3A_45 = arith.constant 32 : index
      %swap3A_46 = tpu.vector_load %arg15[%swap3A_44, %swap3A_45] {strides = array<i32>} : memref<32x128xf32, #tpu.memory_space<vmem>>, vector<16xf32>,
      tpu.vector_store %arg15[%swap3A_44, %swap3A_45], %broadcast_in_dim3A_1 {strides = array<i32>} : memref<32x128xf32, #tpu.memory_space<vmem>>, vector<16xf32>,
      %swap3A_47 = arith.index_cast %scan3A_37 : i32 to index
      %swap3A_48 = arith.constant 48 : index
      %swap3A_49 = tpu.vector_load %arg15[%swap3A_47, %swap3A_48] {strides = array<i32>} : memref<32x128xf32, #tpu.memory_space<vmem>>, vector<16xf32>,
      tpu.vector_store %arg15[%swap3A_47, %swap3A_48], %broadcast_in_dim3A_1 {strides = array<i32>} : memref<32x128xf32, #tpu.memory_space<vmem>>, vector<16xf32>,
      %swap3A_50 = arith.index_cast %scan3A_37 : i32 to index
      %swap3A_51 = arith.constant 64 : index
      %swap3A_52 = tpu.vector_load %arg15[%swap3A_50, %swap3A_51] {strides = array<i32>} : memref<32x128xf32, #tpu.memory_space<vmem>>, vector<16xf32>,
      tpu.vector_store %arg15[%swap3A_50, %swap3A_51], %broadcast_in_dim3A_1 {strides = array<i32>} : memref<32x128xf32, #tpu.memory_space<vmem>>, vector<16xf32>,
      %swap3A_53 = arith.index_cast %scan3A_37 : i32 to index
      %swap3A_54 = arith.constant 80 : index
      %swap3A_55 = tpu.vector_load %arg15[%swap3A_53, %swap3A_54] {strides = array<i32>} : memref<32x128xf32, #tpu.memory_space<vmem>>, vector<16xf32>,
      tpu.vector_store %arg15[%swap3A_53, %swap3A_54], %broadcast_in_dim3A_1 {strides = array<i32>} : memref<32x128xf32, #tpu.memory_space<vmem>>, vector<16xf32>,
      %swap3A_56 = arith.index_cast %scan3A_37 : i32 to index
      %swap3A_57 = arith.constant 96 : index
      %swap3A_58 = tpu.vector_load %arg15[%swap3A_56, %swap3A_57] {strides = array<i32>} : memref<32x128xf32, #tpu.memory_space<vmem>>, vector<16xf32>,
      tpu.vector_store %arg15[%swap3A_56, %swap3A_57], %broadcast_in_dim3A_1 {strides = array<i32>} : memref<32x128xf32, #tpu.memory_space<vmem>>, vector<16xf32>,
      %swap3A_59 = arith.index_cast %scan3A_37 : i32 to index
      %swap3A_60 = arith.constant 112 : index
      %swap3A_61 = tpu.vector_load %arg15[%swap3A_59, %swap3A_60] {strides = array<i32>} : memref<32x128xf32, #tpu.memory_space<vmem>>, vector<16xf32>,
      tpu.vector_store %arg15[%swap3A_59, %swap3A_60], %broadcast_in_dim3A_1 {strides = array<i32>} : memref<32x128xf32, #tpu.memory_space<vmem>>, vector<16xf32>,
      %scan3A_62 = arith.constant 0 : i32
      scf.yield %scan3A_62 : i32
    }
    %scan3A_7 = arith.constant 32 : i32
    %scan3A_8 = arith.constant 0 : i32
    %scan3A_9 = arith.constant 0 : i32
    %scan3A_10 = arith.constant 626 : i32
    %scan3A_11 = arith.addi %scan3A_9, %scan3A_10 : i32
    %scan3A_12 = arith.constant 1 : i32
    %scan3A_13 = scf.for %scan3A_37 = %scan3A_9 to %scan3A_11 step %scan3A_12 iter_args(%scan3A_38 = %scan3A_8) -> (i32)  : i32 {
      %mul3A_39 = arith.constant 16 : i32
      %mul3A_40 = arith.muli %scan3A_37, %mul3A_39 : i32
      %swap3A = arith.index_cast %mul3A_40 : i32 to index
      %swap3A_41 = tpu.vector_load %arg17[%swap3A] {strides = array<i32>} : memref<10016xf32, #tpu.memory_space<vmem>>, vector<16xf32>,
      tpu.vector_store %arg17[%swap3A], %broadcast_in_dim3A_1 {strides = array<i32>} : memref<10016xf32, #tpu.memory_space<vmem>>, vector<16xf32>,
      %scan3A_42 = arith.constant 0 : i32
      scf.yield %scan3A_42 : i32
    }
    %scan3A_14 = arith.constant 626 : i32
    %scan3A_15 = arith.constant 0 : i32
    %scan3A_16 = arith.constant 0 : i32
    %scan3A_17 = arith.constant 20 : i32
    %scan3A_18 = arith.addi %scan3A_16, %scan3A_17 : i32
    %scan3A_19 = arith.constant 1 : i32
    %scan3A_20 = scf.for %scan3A_37 = %scan3A_16 to %scan3A_18 step %scan3A_19 iter_args(%scan3A_38 = %scan3A_15) -> (i32)  : i32 {
      %mul3A_39 = arith.constant 624 : i32
      %mul3A_40 = arith.muli %arg1, %mul3A_39 : i32
      %mul3A_41 = arith.constant 32 : i32
      %mul3A_42 = arith.muli %scan3A_37, %mul3A_41 : i32
      %add3A_43 = arith.addi %mul3A_40, %mul3A_42 : i32
      "tpu.region"() ({
        %run_scoped3A = tpu.sem_alloc : memref<!tpu.dma_semaphore, #tpu.memory_space<semaphore_mem>>
        %dma_start3A = arith.constant 0 : i32
        %dma_start3A_45 = tpu.memref_slice %arg18[%add3A_43, %dma_start3A] : memref<10016x128xf32, #tpu.memory_space<vmem_shared>> -> memref<32x128xf32, #tpu.memory_space<vmem_shared>>
        %dma_start3A_46 = arith.constant 0 : i32
        %dma_start3A_47 = tpu.memref_slice %arg18[%add3A_43, %dma_start3A_46] : memref<10016x128xf32, #tpu.memory_space<vmem_shared>> -> memref<32x128xf32, #tpu.memory_space<vmem_shared>>
        tpu.enqueue_dma source(%arg15 : memref<32x128xf32, #tpu.memory_space<vmem>>) target(%dma_start3A_47 : memref<32x128xf32, #tpu.memory_space<vmem_shared>>) target_semaphore(%run_scoped3A : memref<!tpu.dma_semaphore, #tpu.memory_space<semaphore_mem>>)
        %dma_wait3A = arith.constant 0 : i32
        %dma_wait3A_48 = tpu.memref_slice %arg18[%add3A_43, %dma_wait3A] : memref<10016x128xf32, #tpu.memory_space<vmem_shared>> -> memref<32x128xf32, #tpu.memory_space<vmem_shared>>
        %dma_wait3A_49 = arith.constant 0 : i32
        %dma_wait3A_50 = tpu.memref_slice %arg18[%add3A_43, %dma_wait3A_49] : memref<10016x128xf32, #tpu.memory_space<vmem_shared>> -> memref<32x128xf32, #tpu.memory_space<vmem_shared>>
        tpu.wait_dma2 semaphore(%run_scoped3A : memref<!tpu.dma_semaphore, #tpu.memory_space<semaphore_mem>>) src(%arg15 : memref<32x128xf32, #tpu.memory_space<vmem>>) dst(%dma_wait3A_50 : memref<32x128xf32, #tpu.memory_space<vmem_shared>>)
        tpu.yield
      }) : () -> ()
      %scan3A_44 = arith.constant 0 : i32
      scf.yield %scan3A_44 : i32
    }
    %scan3A_21 = arith.constant 20 : i32
    %barrier3A = arith.constant 0 : index
    tpu.barrier barrier_id(%barrier3A)
    %scan3A_22 = arith.constant 0 : i32
    %scan3A_23 = arith.constant 0 : i32
    %scan3A_24 = arith.constant 40 : i32
    %scan3A_25 = arith.addi %scan3A_23, %scan3A_24 : i32
    %scan3A_26 = arith.constant 1 : i32
    %scan3A_27 = scf.for %scan3A_37 = %scan3A_23 to %scan3A_25 step %scan3A_26 iter_args(%scan3A_38 = %scan3A_22) -> (i32)  : i32 {
      %mul3A_39 = arith.constant 320 : i32
      %mul3A_40 = arith.muli %add3A, %mul3A_39 : i32
      %mul3A_41 = arith.constant 8 : i32
      %mul3A_42 = arith.muli %scan3A_37, %mul3A_41 : i32
      %add3A_43 = arith.addi %mul3A_40, %mul3A_42 : i32
      "tpu.region"() ({
        %run_scoped3A = tpu.sem_alloc : memref<!tpu.dma_semaphore, #tpu.memory_space<semaphore_mem>>
        %dma_start3A_134 = arith.constant 0 : i32
        %dma_start3A_135 = tpu.memref_slice %arg2[%add3A_43, %dma_start3A_134] : memref<10240x32xi32, #tpu.memory_space<hbm>> -> memref<8x32xi32, #tpu.memory_space<hbm>>
        %dma_start3A_136 = arith.constant 0 : i32
        %dma_start3A_137 = tpu.memref_slice %arg2[%add3A_43, %dma_start3A_136] : memref<10240x32xi32, #tpu.memory_space<hbm>> -> memref<8x32xi32, #tpu.memory_space<hbm>>
        tpu.enqueue_dma source(%dma_start3A_137 : memref<8x32xi32, #tpu.memory_space<hbm>>) target(%arg11 : memref<8x32xi32, #tpu.memory_space<vmem>>) target_semaphore(%run_scoped3A : memref<!tpu.dma_semaphore, #tpu.memory_space<semaphore_mem>>)
        %dma_wait3A_138 = arith.constant 0 : i32
        %dma_wait3A_139 = tpu.memref_slice %arg2[%add3A_43, %dma_wait3A_138] : memref<10240x32xi32, #tpu.memory_space<hbm>> -> memref<8x32xi32, #tpu.memory_space<hbm>>
        %dma_wait3A_140 = arith.constant 0 : i32
        %dma_wait3A_141 = tpu.memref_slice %arg2[%add3A_43, %dma_wait3A_140] : memref<10240x32xi32, #tpu.memory_space<hbm>> -> memref<8x32xi32, #tpu.memory_space<hbm>>
        tpu.wait_dma2 semaphore(%run_scoped3A : memref<!tpu.dma_semaphore, #tpu.memory_space<semaphore_mem>>) src(%dma_wait3A_141 : memref<8x32xi32, #tpu.memory_space<hbm>>) dst(%arg11 : memref<8x32xi32, #tpu.memory_space<vmem>>)
        tpu.yield
      }) : () -> ()
      "tpu.region"() ({
        %run_scoped3A = tpu.sem_alloc : memref<!tpu.dma_semaphore, #tpu.memory_space<semaphore_mem>>
        %dma_start3A_134 = arith.constant 0 : i32
        %dma_start3A_135 = tpu.memref_slice %arg3[%add3A_43, %dma_start3A_134] : memref<10240x32xi32, #tpu.memory_space<hbm>> -> memref<8x32xi32, #tpu.memory_space<hbm>>
        %dma_start3A_136 = arith.constant 0 : i32
        %dma_start3A_137 = tpu.memref_slice %arg3[%add3A_43, %dma_start3A_136] : memref<10240x32xi32, #tpu.memory_space<hbm>> -> memref<8x32xi32, #tpu.memory_space<hbm>>
        tpu.enqueue_dma source(%dma_start3A_137 : memref<8x32xi32, #tpu.memory_space<hbm>>) target(%arg12 : memref<8x32xi32, #tpu.memory_space<vmem>>) target_semaphore(%run_scoped3A : memref<!tpu.dma_semaphore, #tpu.memory_space<semaphore_mem>>)
        %dma_wait3A_138 = arith.constant 0 : i32
        %dma_wait3A_139 = tpu.memref_slice %arg3[%add3A_43, %dma_wait3A_138] : memref<10240x32xi32, #tpu.memory_space<hbm>> -> memref<8x32xi32, #tpu.memory_space<hbm>>
        %dma_wait3A_140 = arith.constant 0 : i32
        %dma_wait3A_141 = tpu.memref_slice %arg3[%add3A_43, %dma_wait3A_140] : memref<10240x32xi32, #tpu.memory_space<hbm>> -> memref<8x32xi32, #tpu.memory_space<hbm>>
        tpu.wait_dma2 semaphore(%run_scoped3A : memref<!tpu.dma_semaphore, #tpu.memory_space<semaphore_mem>>) src(%dma_wait3A_141 : memref<8x32xi32, #tpu.memory_space<hbm>>) dst(%arg12 : memref<8x32xi32, #tpu.memory_space<vmem>>)
        tpu.yield
      }) : () -> ()
      %dma_start3A = arith.constant 0 : i32
      %dma_start3A_44 = arith.constant 0 : i32
      %dma_start3A_45 = tpu.memref_slice %arg11[%dma_start3A, %dma_start3A_44] : memref<8x32xi32, #tpu.memory_space<vmem>> -> memref<1x32xi32, #tpu.memory_space<vmem>>
      %dma_start3A_46 = tpu.memref_squeeze %dma_start3A_45 : memref<1x32xi32, #tpu.memory_space<vmem>> -> memref<32xi32, #tpu.memory_space<vmem>>
      %dma_start3A_47 = arith.constant 0 : i32
      %dma_start3A_48 = arith.constant 0 : i32
      %dma_start3A_49 = tpu.memref_slice %arg6[%dma_start3A_47, %dma_start3A_48] : memref<10000x128xf32, #tpu.memory_space<hbm>> -> memref<10000x128xf32, #tpu.memory_space<hbm>>
      tpu.enqueue_indirect_dma source(%dma_start3A_49 : memref<10000x128xf32, #tpu.memory_space<hbm>>) target(%arg15 : memref<32x128xf32, #tpu.memory_space<vmem>>) offsets(%dma_start3A_46 : memref<32xi32, #tpu.memory_space<vmem>>) semaphore(%arg19 : memref<!tpu.dma_semaphore, #tpu.memory_space<semaphore_mem>>)
      %dma_start3A_50 = arith.constant 1 : i32
      %dma_start3A_51 = arith.constant 0 : i32
      %dma_start3A_52 = tpu.memref_slice %arg11[%dma_start3A_50, %dma_start3A_51] : memref<8x32xi32, #tpu.memory_space<vmem>> -> memref<1x32xi32, #tpu.memory_space<vmem>>
      %dma_start3A_53 = tpu.memref_squeeze %dma_start3A_52 : memref<1x32xi32, #tpu.memory_space<vmem>> -> memref<32xi32, #tpu.memory_space<vmem>>
      %dma_start3A_54 = arith.constant 0 : i32
      %dma_start3A_55 = arith.constant 0 : i32
      %dma_start3A_56 = tpu.memref_slice %arg6[%dma_start3A_54, %dma_start3A_55] : memref<10000x128xf32, #tpu.memory_space<hbm>> -> memref<10000x128xf32, #tpu.memory_space<hbm>>
      tpu.enqueue_indirect_dma source(%dma_start3A_56 : memref<10000x128xf32, #tpu.memory_space<hbm>>) target(%arg16 : memref<32x128xf32, #tpu.memory_space<vmem>>) offsets(%dma_start3A_53 : memref<32xi32, #tpu.memory_space<vmem>>) semaphore(%arg20 : memref<!tpu.dma_semaphore, #tpu.memory_space<semaphore_mem>>)
      %scan3A_57 = arith.constant 0 : i32
      %scan3A_58 = arith.constant 0 : i32
      %scan3A_59 = arith.constant 2 : i32
      %scan3A_60 = arith.addi %scan3A_58, %scan3A_59 : i32
      %scan3A_61 = arith.constant 1 : i32
      %scan3A_62 = scf.for %scan3A_134 = %scan3A_58 to %scan3A_60 step %scan3A_61 iter_args(%scan3A_135 = %scan3A_57) -> (i32)  : i32 {
        %mul3A_136 = arith.constant 16 : i32
        %mul3A_137 = arith.muli %scan3A_134, %mul3A_136 : i32
        %get3A = arith.constant 0 : i32
        %get3A_138 = arith.index_cast %get3A : i32 to index
        %get3A_139 = arith.index_cast %mul3A_137 : i32 to index
        %get3A_140 = tpu.vector_load %arg11[%get3A_138, %get3A_139] {strides = array<i32>} : memref<8x32xi32, #tpu.memory_space<vmem>>, vector<16xi32>,
        %mul3A_141 = arith.constant 16 : i32
        %mul3A_142 = arith.muli %scan3A_134, %mul3A_141 : i32
        %get3A_143 = arith.constant 0 : i32
        %get3A_144 = arith.index_cast %get3A_143 : i32 to index
        %get3A_145 = arith.index_cast %mul3A_142 : i32 to index
        %get3A_146 = tpu.vector_load %arg12[%get3A_144, %get3A_145] {strides = array<i32>} : memref<8x32xi32, #tpu.memory_space<vmem>>, vector<16xi32>,
        %gather3A = tpu.vector_load_idx %arg9[%get3A_140] : memref<10016xf32, #tpu.memory_space<vmem>>[vector<16xi32>], vector<16xf32>,
        %gather3A_147 = tpu.vector_load_idx %arg10[%get3A_146] : memref<10016xf32, #tpu.memory_space<vmem>>[vector<16xi32>], vector<16xf32>,
        %add3A_148 = arith.addf %gather3A, %gather3A_147 : vector<16xf32>
        %gt3A = arith.constant 0.000000e+00 : f32
        %gt3A_149 = vector.broadcast %gt3A : f32 to vector<16xf32>
        %gt3A_150 = arith.cmpf ogt, %add3A_148, %gt3A_149 : vector<16xf32>
        %mul3A_151 = arith.constant 2.000000e-01 : f32
        %mul3A_152 = vector.broadcast %mul3A_151 : f32 to vector<16xf32>
        %mul3A_153 = arith.mulf %mul3A_152, %add3A_148 : vector<16xf32>
        %select_n3A = arith.select %gt3A_150, %add3A_148, %mul3A_153 : vector<16xi1>, vector<16xf32>
        %exp3A = math.exp %select_n3A : vector<16xf32>
        %mul3A_154 = arith.constant 16 : i32
        %mul3A_155 = arith.muli %scan3A_134, %mul3A_154 : i32
        %swap3A = arith.index_cast %mul3A_155 : i32 to index
        %swap3A_156 = tpu.vector_load %arg13[%swap3A] {strides = array<i32>} : memref<32xf32, #tpu.memory_space<vmem>>, vector<16xf32>,
        tpu.vector_store %arg13[%swap3A], %exp3A {strides = array<i32>} : memref<32xf32, #tpu.memory_space<vmem>>, vector<16xf32>,
        tpu.vector_store_idx %arg17[%get3A_146], %exp3A {add = true} : memref<10016xf32, #tpu.memory_space<vmem>>[vector<16xi32>], vector<16xf32>,
        %scan3A_157 = arith.constant 0 : i32
        scf.yield %scan3A_157 : i32
      }
      %scan3A_63 = arith.constant 2 : i32
      %dma_wait3A = arith.constant 0 : i32
      %dma_wait3A_64 = arith.constant 0 : i32
      %dma_wait3A_65 = tpu.memref_slice %arg11[%dma_wait3A, %dma_wait3A_64] : memref<8x32xi32, #tpu.memory_space<vmem>> -> memref<1x32xi32, #tpu.memory_space<vmem>>
      %dma_wait3A_66 = tpu.memref_squeeze %dma_wait3A_65 : memref<1x32xi32, #tpu.memory_space<vmem>> -> memref<32xi32, #tpu.memory_space<vmem>>
      %dma_wait3A_67 = arith.constant 0 : i32
      %dma_wait3A_68 = arith.constant 0 : i32
      %dma_wait3A_69 = tpu.memref_slice %arg6[%dma_wait3A_67, %dma_wait3A_68] : memref<10000x128xf32, #tpu.memory_space<hbm>> -> memref<10000x128xf32, #tpu.memory_space<hbm>>
      tpu.wait_indirect_dma semaphore(%arg19 : memref<!tpu.dma_semaphore, #tpu.memory_space<semaphore_mem>>) src(%dma_wait3A_69 : memref<10000x128xf32, #tpu.memory_space<hbm>>) dst(%arg15 : memref<32x128xf32, #tpu.memory_space<vmem>>)
      %scan3A_70 = arith.constant 0 : i32
      %scan3A_71 = arith.constant 0 : i32
      %scan3A_72 = arith.constant 32 : i32
      %scan3A_73 = arith.addi %scan3A_71, %scan3A_72 : i32
      %scan3A_74 = arith.constant 1 : i32
      %scan3A_75 = scf.for %scan3A_134 = %scan3A_71 to %scan3A_73 step %scan3A_74 iter_args(%scan3A_135 = %scan3A_70) -> (i32)  : i32 {
        %broadcast_in_dim3A_136 = vector.broadcast %scan3A_134 : i32 to vector<16xi32>
        %gather3A = tpu.vector_load_idx %arg13[%broadcast_in_dim3A_136] : memref<32xf32, #tpu.memory_space<vmem>>[vector<16xi32>], vector<16xf32>,
        %get3A = arith.index_cast %scan3A_134 : i32 to index
        %get3A_137 = arith.constant 0 : index
        %get3A_138 = tpu.vector_load %arg15[%get3A, %get3A_137] {strides = array<i32>} : memref<32x128xf32, #tpu.memory_space<vmem>>, vector<16xf32>,
        %mul3A_139 = arith.mulf %get3A_138, %gather3A : vector<16xf32>
        %swap3A = arith.index_cast %scan3A_134 : i32 to index
        %swap3A_140 = arith.constant 0 : index
        %swap3A_141 = tpu.vector_load %arg15[%swap3A, %swap3A_140] {strides = array<i32>} : memref<32x128xf32, #tpu.memory_space<vmem>>, vector<16xf32>,
        tpu.vector_store %arg15[%swap3A, %swap3A_140], %mul3A_139 {strides = array<i32>} : memref<32x128xf32, #tpu.memory_space<vmem>>, vector<16xf32>,
        %get3A_142 = arith.index_cast %scan3A_134 : i32 to index
        %get3A_143 = arith.constant 16 : index
        %get3A_144 = tpu.vector_load %arg15[%get3A_142, %get3A_143] {strides = array<i32>} : memref<32x128xf32, #tpu.memory_space<vmem>>, vector<16xf32>,
        %mul3A_145 = arith.mulf %get3A_144, %gather3A : vector<16xf32>
        %swap3A_146 = arith.index_cast %scan3A_134 : i32 to index
        %swap3A_147 = arith.constant 16 : index
        %swap3A_148 = tpu.vector_load %arg15[%swap3A_146, %swap3A_147] {strides = array<i32>} : memref<32x128xf32, #tpu.memory_space<vmem>>, vector<16xf32>,
        tpu.vector_store %arg15[%swap3A_146, %swap3A_147], %mul3A_145 {strides = array<i32>} : memref<32x128xf32, #tpu.memory_space<vmem>>, vector<16xf32>,
        %get3A_149 = arith.index_cast %scan3A_134 : i32 to index
        %get3A_150 = arith.constant 32 : index
        %get3A_151 = tpu.vector_load %arg15[%get3A_149, %get3A_150] {strides = array<i32>} : memref<32x128xf32, #tpu.memory_space<vmem>>, vector<16xf32>,
        %mul3A_152 = arith.mulf %get3A_151, %gather3A : vector<16xf32>
        %swap3A_153 = arith.index_cast %scan3A_134 : i32 to index
        %swap3A_154 = arith.constant 32 : index
        %swap3A_155 = tpu.vector_load %arg15[%swap3A_153, %swap3A_154] {strides = array<i32>} : memref<32x128xf32, #tpu.memory_space<vmem>>, vector<16xf32>,
        tpu.vector_store %arg15[%swap3A_153, %swap3A_154], %mul3A_152 {strides = array<i32>} : memref<32x128xf32, #tpu.memory_space<vmem>>, vector<16xf32>,
        %get3A_156 = arith.index_cast %scan3A_134 : i32 to index
        %get3A_157 = arith.constant 48 : index
        %get3A_158 = tpu.vector_load %arg15[%get3A_156, %get3A_157] {strides = array<i32>} : memref<32x128xf32, #tpu.memory_space<vmem>>, vector<16xf32>,
        %mul3A_159 = arith.mulf %get3A_158, %gather3A : vector<16xf32>
        %swap3A_160 = arith.index_cast %scan3A_134 : i32 to index
        %swap3A_161 = arith.constant 48 : index
        %swap3A_162 = tpu.vector_load %arg15[%swap3A_160, %swap3A_161] {strides = array<i32>} : memref<32x128xf32, #tpu.memory_space<vmem>>, vector<16xf32>,
        tpu.vector_store %arg15[%swap3A_160, %swap3A_161], %mul3A_159 {strides = array<i32>} : memref<32x128xf32, #tpu.memory_space<vmem>>, vector<16xf32>,
        %get3A_163 = arith.index_cast %scan3A_134 : i32 to index
        %get3A_164 = arith.constant 64 : index
        %get3A_165 = tpu.vector_load %arg15[%get3A_163, %get3A_164] {strides = array<i32>} : memref<32x128xf32, #tpu.memory_space<vmem>>, vector<16xf32>,
        %mul3A_166 = arith.mulf %get3A_165, %gather3A : vector<16xf32>
        %swap3A_167 = arith.index_cast %scan3A_134 : i32 to index
        %swap3A_168 = arith.constant 64 : index
        %swap3A_169 = tpu.vector_load %arg15[%swap3A_167, %swap3A_168] {strides = array<i32>} : memref<32x128xf32, #tpu.memory_space<vmem>>, vector<16xf32>,
        tpu.vector_store %arg15[%swap3A_167, %swap3A_168], %mul3A_166 {strides = array<i32>} : memref<32x128xf32, #tpu.memory_space<vmem>>, vector<16xf32>,
        %get3A_170 = arith.index_cast %scan3A_134 : i32 to index
        %get3A_171 = arith.constant 80 : index
        %get3A_172 = tpu.vector_load %arg15[%get3A_170, %get3A_171] {strides = array<i32>} : memref<32x128xf32, #tpu.memory_space<vmem>>, vector<16xf32>,
        %mul3A_173 = arith.mulf %get3A_172, %gather3A : vector<16xf32>
        %swap3A_174 = arith.index_cast %scan3A_134 : i32 to index
        %swap3A_175 = arith.constant 80 : index
        %swap3A_176 = tpu.vector_load %arg15[%swap3A_174, %swap3A_175] {strides = array<i32>} : memref<32x128xf32, #tpu.memory_space<vmem>>, vector<16xf32>,
        tpu.vector_store %arg15[%swap3A_174, %swap3A_175], %mul3A_173 {strides = array<i32>} : memref<32x128xf32, #tpu.memory_space<vmem>>, vector<16xf32>,
        %get3A_177 = arith.index_cast %scan3A_134 : i32 to index
        %get3A_178 = arith.constant 96 : index
        %get3A_179 = tpu.vector_load %arg15[%get3A_177, %get3A_178] {strides = array<i32>} : memref<32x128xf32, #tpu.memory_space<vmem>>, vector<16xf32>,
        %mul3A_180 = arith.mulf %get3A_179, %gather3A : vector<16xf32>
        %swap3A_181 = arith.index_cast %scan3A_134 : i32 to index
        %swap3A_182 = arith.constant 96 : index
        %swap3A_183 = tpu.vector_load %arg15[%swap3A_181, %swap3A_182] {strides = array<i32>} : memref<32x128xf32, #tpu.memory_space<vmem>>, vector<16xf32>,
        tpu.vector_store %arg15[%swap3A_181, %swap3A_182], %mul3A_180 {strides = array<i32>} : memref<32x128xf32, #tpu.memory_space<vmem>>, vector<16xf32>,
        %get3A_184 = arith.index_cast %scan3A_134 : i32 to index
        %get3A_185 = arith.constant 112 : index
        %get3A_186 = tpu.vector_load %arg15[%get3A_184, %get3A_185] {strides = array<i32>} : memref<32x128xf32, #tpu.memory_space<vmem>>, vector<16xf32>,
        %mul3A_187 = arith.mulf %get3A_186, %gather3A : vector<16xf32>
        %swap3A_188 = arith.index_cast %scan3A_134 : i32 to index
        %swap3A_189 = arith.constant 112 : index
        %swap3A_190 = tpu.vector_load %arg15[%swap3A_188, %swap3A_189] {strides = array<i32>} : memref<32x128xf32, #tpu.memory_space<vmem>>, vector<16xf32>,
        tpu.vector_store %arg15[%swap3A_188, %swap3A_189], %mul3A_187 {strides = array<i32>} : memref<32x128xf32, #tpu.memory_space<vmem>>, vector<16xf32>,
        %scan3A_191 = arith.constant 0 : i32
        scf.yield %scan3A_191 : i32
      }
      %scan3A_76 = arith.constant 32 : i32
      %dma_start3A_77 = arith.constant 0 : i32
      %dma_start3A_78 = arith.constant 0 : i32
      %dma_start3A_79 = tpu.memref_slice %arg12[%dma_start3A_77, %dma_start3A_78] : memref<8x32xi32, #tpu.memory_space<vmem>> -> memref<1x32xi32, #tpu.memory_space<vmem>>
      %dma_start3A_80 = tpu.memref_squeeze %dma_start3A_79 : memref<1x32xi32, #tpu.memory_space<vmem>> -> memref<32xi32, #tpu.memory_space<vmem>>
      %dma_start3A_81 = arith.constant 0 : i32
      %dma_start3A_82 = arith.constant 0 : i32
      %dma_start3A_83 = tpu.memref_slice %arg18[%dma_start3A_81, %dma_start3A_82] : memref<10016x128xf32, #tpu.memory_space<vmem_shared>> -> memref<10016x128xf32, #tpu.memory_space<vmem_shared>>
      tpu.enqueue_indirect_dma source(%arg15 : memref<32x128xf32, #tpu.memory_space<vmem>>) target(%dma_start3A_83 : memref<10016x128xf32, #tpu.memory_space<vmem_shared>>) offsets(%dma_start3A_80 : memref<32xi32, #tpu.memory_space<vmem>>) semaphore(%arg21 : memref<!tpu.dma_semaphore, #tpu.memory_space<semaphore_mem>>) {add = true}
      %scan3A_84 = arith.constant 0 : i32
      %scan3A_85 = arith.constant 0 : i32
      %scan3A_86 = arith.constant 2 : i32
      %scan3A_87 = arith.addi %scan3A_85, %scan3A_86 : i32
      %scan3A_88 = arith.constant 1 : i32
      %scan3A_89 = scf.for %scan3A_134 = %scan3A_85 to %scan3A_87 step %scan3A_88 iter_args(%scan3A_135 = %scan3A_84) -> (i32)  : i32 {
        %mul3A_136 = arith.constant 16 : i32
        %mul3A_137 = arith.muli %scan3A_134, %mul3A_136 : i32
        %get3A = arith.constant 1 : i32
        %get3A_138 = arith.index_cast %get3A : i32 to index
        %get3A_139 = arith.index_cast %mul3A_137 : i32 to index
        %get3A_140 = tpu.vector_load %arg11[%get3A_138, %get3A_139] {strides = array<i32>} : memref<8x32xi32, #tpu.memory_space<vmem>>, vector<16xi32>,
        %mul3A_141 = arith.constant 16 : i32
        %mul3A_142 = arith.muli %scan3A_134, %mul3A_141 : i32
        %get3A_143 = arith.constant 1 : i32
        %get3A_144 = arith.index_cast %get3A_143 : i32 to index
        %get3A_145 = arith.index_cast %mul3A_142 : i32 to index
        %get3A_146 = tpu.vector_load %arg12[%get3A_144, %get3A_145] {strides = array<i32>} : memref<8x32xi32, #tpu.memory_space<vmem>>, vector<16xi32>,
        %gather3A = tpu.vector_load_idx %arg9[%get3A_140] : memref<10016xf32, #tpu.memory_space<vmem>>[vector<16xi32>], vector<16xf32>,
        %gather3A_147 = tpu.vector_load_idx %arg10[%get3A_146] : memref<10016xf32, #tpu.memory_space<vmem>>[vector<16xi32>], vector<16xf32>,
        %add3A_148 = arith.addf %gather3A, %gather3A_147 : vector<16xf32>
        %gt3A = arith.constant 0.000000e+00 : f32
        %gt3A_149 = vector.broadcast %gt3A : f32 to vector<16xf32>
        %gt3A_150 = arith.cmpf ogt, %add3A_148, %gt3A_149 : vector<16xf32>
        %mul3A_151 = arith.constant 2.000000e-01 : f32
        %mul3A_152 = vector.broadcast %mul3A_151 : f32 to vector<16xf32>
        %mul3A_153 = arith.mulf %mul3A_152, %add3A_148 : vector<16xf32>
        %select_n3A = arith.select %gt3A_150, %add3A_148, %mul3A_153 : vector<16xi1>, vector<16xf32>
        %exp3A = math.exp %select_n3A : vector<16xf32>
        %mul3A_154 = arith.constant 16 : i32
        %mul3A_155 = arith.muli %scan3A_134, %mul3A_154 : i32
        %swap3A = arith.index_cast %mul3A_155 : i32 to index
        %swap3A_156 = tpu.vector_load %arg14[%swap3A] {strides = array<i32>} : memref<32xf32, #tpu.memory_space<vmem>>, vector<16xf32>,
        tpu.vector_store %arg14[%swap3A], %exp3A {strides = array<i32>} : memref<32xf32, #tpu.memory_space<vmem>>, vector<16xf32>,
        tpu.vector_store_idx %arg17[%get3A_146], %exp3A {add = true} : memref<10016xf32, #tpu.memory_space<vmem>>[vector<16xi32>], vector<16xf32>,
        %scan3A_157 = arith.constant 0 : i32
        scf.yield %scan3A_157 : i32
      }
      %scan3A_90 = arith.constant 2 : i32
      %dma_wait3A_91 = arith.constant 1 : i32
      %dma_wait3A_92 = arith.constant 0 : i32
      %dma_wait3A_93 = tpu.memref_slice %arg11[%dma_wait3A_91, %dma_wait3A_92] : memref<8x32xi32, #tpu.memory_space<vmem>> -> memref<1x32xi32, #tpu.memory_space<vmem>>
      %dma_wait3A_94 = tpu.memref_squeeze %dma_wait3A_93 : memref<1x32xi32, #tpu.memory_space<vmem>> -> memref<32xi32, #tpu.memory_space<vmem>>
      %dma_wait3A_95 = arith.constant 0 : i32
      %dma_wait3A_96 = arith.constant 0 : i32
      %dma_wait3A_97 = tpu.memref_slice %arg6[%dma_wait3A_95, %dma_wait3A_96] : memref<10000x128xf32, #tpu.memory_space<hbm>> -> memref<10000x128xf32, #tpu.memory_space<hbm>>
      tpu.wait_indirect_dma semaphore(%arg20 : memref<!tpu.dma_semaphore, #tpu.memory_space<semaphore_mem>>) src(%dma_wait3A_97 : memref<10000x128xf32, #tpu.memory_space<hbm>>) dst(%arg16 : memref<32x128xf32, #tpu.memory_space<vmem>>)
      %scan3A_98 = arith.constant 0 : i32
      %scan3A_99 = arith.constant 0 : i32
      %scan3A_100 = arith.constant 32 : i32
      %scan3A_101 = arith.addi %scan3A_99, %scan3A_100 : i32
      %scan3A_102 = arith.constant 1 : i32
      %scan3A_103 = scf.for %scan3A_134 = %scan3A_99 to %scan3A_101 step %scan3A_102 iter_args(%scan3A_135 = %scan3A_98) -> (i32)  : i32 {
        %broadcast_in_dim3A_136 = vector.broadcast %scan3A_134 : i32 to vector<16xi32>
        %gather3A = tpu.vector_load_idx %arg14[%broadcast_in_dim3A_136] : memref<32xf32, #tpu.memory_space<vmem>>[vector<16xi32>], vector<16xf32>,
        %get3A = arith.index_cast %scan3A_134 : i32 to index
        %get3A_137 = arith.constant 0 : index
        %get3A_138 = tpu.vector_load %arg16[%get3A, %get3A_137] {strides = array<i32>} : memref<32x128xf32, #tpu.memory_space<vmem>>, vector<16xf32>,
        %mul3A_139 = arith.mulf %get3A_138, %gather3A : vector<16xf32>
        %swap3A = arith.index_cast %scan3A_134 : i32 to index
        %swap3A_140 = arith.constant 0 : index
        %swap3A_141 = tpu.vector_load %arg16[%swap3A, %swap3A_140] {strides = array<i32>} : memref<32x128xf32, #tpu.memory_space<vmem>>, vector<16xf32>,
        tpu.vector_store %arg16[%swap3A, %swap3A_140], %mul3A_139 {strides = array<i32>} : memref<32x128xf32, #tpu.memory_space<vmem>>, vector<16xf32>,
        %get3A_142 = arith.index_cast %scan3A_134 : i32 to index
        %get3A_143 = arith.constant 16 : index
        %get3A_144 = tpu.vector_load %arg16[%get3A_142, %get3A_143] {strides = array<i32>} : memref<32x128xf32, #tpu.memory_space<vmem>>, vector<16xf32>,
        %mul3A_145 = arith.mulf %get3A_144, %gather3A : vector<16xf32>
        %swap3A_146 = arith.index_cast %scan3A_134 : i32 to index
        %swap3A_147 = arith.constant 16 : index
        %swap3A_148 = tpu.vector_load %arg16[%swap3A_146, %swap3A_147] {strides = array<i32>} : memref<32x128xf32, #tpu.memory_space<vmem>>, vector<16xf32>,
        tpu.vector_store %arg16[%swap3A_146, %swap3A_147], %mul3A_145 {strides = array<i32>} : memref<32x128xf32, #tpu.memory_space<vmem>>, vector<16xf32>,
        %get3A_149 = arith.index_cast %scan3A_134 : i32 to index
        %get3A_150 = arith.constant 32 : index
        %get3A_151 = tpu.vector_load %arg16[%get3A_149, %get3A_150] {strides = array<i32>} : memref<32x128xf32, #tpu.memory_space<vmem>>, vector<16xf32>,
        %mul3A_152 = arith.mulf %get3A_151, %gather3A : vector<16xf32>
        %swap3A_153 = arith.index_cast %scan3A_134 : i32 to index
        %swap3A_154 = arith.constant 32 : index
        %swap3A_155 = tpu.vector_load %arg16[%swap3A_153, %swap3A_154] {strides = array<i32>} : memref<32x128xf32, #tpu.memory_space<vmem>>, vector<16xf32>,
        tpu.vector_store %arg16[%swap3A_153, %swap3A_154], %mul3A_152 {strides = array<i32>} : memref<32x128xf32, #tpu.memory_space<vmem>>, vector<16xf32>,
        %get3A_156 = arith.index_cast %scan3A_134 : i32 to index
        %get3A_157 = arith.constant 48 : index
        %get3A_158 = tpu.vector_load %arg16[%get3A_156, %get3A_157] {strides = array<i32>} : memref<32x128xf32, #tpu.memory_space<vmem>>, vector<16xf32>,
        %mul3A_159 = arith.mulf %get3A_158, %gather3A : vector<16xf32>
        %swap3A_160 = arith.index_cast %scan3A_134 : i32 to index
        %swap3A_161 = arith.constant 48 : index
        %swap3A_162 = tpu.vector_load %arg16[%swap3A_160, %swap3A_161] {strides = array<i32>} : memref<32x128xf32, #tpu.memory_space<vmem>>, vector<16xf32>,
        tpu.vector_store %arg16[%swap3A_160, %swap3A_161], %mul3A_159 {strides = array<i32>} : memref<32x128xf32, #tpu.memory_space<vmem>>, vector<16xf32>,
        %get3A_163 = arith.index_cast %scan3A_134 : i32 to index
        %get3A_164 = arith.constant 64 : index
        %get3A_165 = tpu.vector_load %arg16[%get3A_163, %get3A_164] {strides = array<i32>} : memref<32x128xf32, #tpu.memory_space<vmem>>, vector<16xf32>,
        %mul3A_166 = arith.mulf %get3A_165, %gather3A : vector<16xf32>
        %swap3A_167 = arith.index_cast %scan3A_134 : i32 to index
        %swap3A_168 = arith.constant 64 : index
        %swap3A_169 = tpu.vector_load %arg16[%swap3A_167, %swap3A_168] {strides = array<i32>} : memref<32x128xf32, #tpu.memory_space<vmem>>, vector<16xf32>,
        tpu.vector_store %arg16[%swap3A_167, %swap3A_168], %mul3A_166 {strides = array<i32>} : memref<32x128xf32, #tpu.memory_space<vmem>>, vector<16xf32>,
        %get3A_170 = arith.index_cast %scan3A_134 : i32 to index
        %get3A_171 = arith.constant 80 : index
        %get3A_172 = tpu.vector_load %arg16[%get3A_170, %get3A_171] {strides = array<i32>} : memref<32x128xf32, #tpu.memory_space<vmem>>, vector<16xf32>,
        %mul3A_173 = arith.mulf %get3A_172, %gather3A : vector<16xf32>
        %swap3A_174 = arith.index_cast %scan3A_134 : i32 to index
        %swap3A_175 = arith.constant 80 : index
        %swap3A_176 = tpu.vector_load %arg16[%swap3A_174, %swap3A_175] {strides = array<i32>} : memref<32x128xf32, #tpu.memory_space<vmem>>, vector<16xf32>,
        tpu.vector_store %arg16[%swap3A_174, %swap3A_175], %mul3A_173 {strides = array<i32>} : memref<32x128xf32, #tpu.memory_space<vmem>>, vector<16xf32>,
        %get3A_177 = arith.index_cast %scan3A_134 : i32 to index
        %get3A_178 = arith.constant 96 : index
        %get3A_179 = tpu.vector_load %arg16[%get3A_177, %get3A_178] {strides = array<i32>} : memref<32x128xf32, #tpu.memory_space<vmem>>, vector<16xf32>,
        %mul3A_180 = arith.mulf %get3A_179, %gather3A : vector<16xf32>
        %swap3A_181 = arith.index_cast %scan3A_134 : i32 to index
        %swap3A_182 = arith.constant 96 : index
        %swap3A_183 = tpu.vector_load %arg16[%swap3A_181, %swap3A_182] {strides = array<i32>} : memref<32x128xf32, #tpu.memory_space<vmem>>, vector<16xf32>,
        tpu.vector_store %arg16[%swap3A_181, %swap3A_182], %mul3A_180 {strides = array<i32>} : memref<32x128xf32, #tpu.memory_space<vmem>>, vector<16xf32>,
        %get3A_184 = arith.index_cast %scan3A_134 : i32 to index
        %get3A_185 = arith.constant 112 : index
        %get3A_186 = tpu.vector_load %arg16[%get3A_184, %get3A_185] {strides = array<i32>} : memref<32x128xf32, #tpu.memory_space<vmem>>, vector<16xf32>,
        %mul3A_187 = arith.mulf %get3A_186, %gather3A : vector<16xf32>
        %swap3A_188 = arith.index_cast %scan3A_134 : i32 to index
        %swap3A_189 = arith.constant 112 : index
        %swap3A_190 = tpu.vector_load %arg16[%swap3A_188, %swap3A_189] {strides = array<i32>} : memref<32x128xf32, #tpu.memory_space<vmem>>, vector<16xf32>,
        tpu.vector_store %arg16[%swap3A_188, %swap3A_189], %mul3A_187 {strides = array<i32>} : memref<32x128xf32, #tpu.memory_space<vmem>>, vector<16xf32>,
        %scan3A_191 = arith.constant 0 : i32
        scf.yield %scan3A_191 : i32
      }
      %scan3A_104 = arith.constant 32 : i32
      %dma_start3A_105 = arith.constant 1 : i32
      %dma_start3A_106 = arith.constant 0 : i32
      %dma_start3A_107 = tpu.memref_slice %arg12[%dma_start3A_105, %dma_start3A_106] : memref<8x32xi32, #tpu.memory_space<vmem>> -> memref<1x32xi32, #tpu.memory_space<vmem>>
      %dma_start3A_108 = tpu.memref_squeeze %dma_start3A_107 : memref<1x32xi32, #tpu.memory_space<vmem>> -> memref<32xi32, #tpu.memory_space<vmem>>
      %dma_start3A_109 = arith.constant 0 : i32
      %dma_start3A_110 = arith.constant 0 : i32
      %dma_start3A_111 = tpu.memref_slice %arg18[%dma_start3A_109, %dma_start3A_110] : memref<10016x128xf32, #tpu.memory_space<vmem_shared>> -> memref<10016x128xf32, #tpu.memory_space<vmem_shared>>
      tpu.enqueue_indirect_dma source(%arg16 : memref<32x128xf32, #tpu.memory_space<vmem>>) target(%dma_start3A_111 : memref<10016x128xf32, #tpu.memory_space<vmem_shared>>) offsets(%dma_start3A_108 : memref<32xi32, #tpu.memory_space<vmem>>) semaphore(%arg22 : memref<!tpu.dma_semaphore, #tpu.memory_space<semaphore_mem>>) {add = true}
      %scan3A_112 = arith.constant 0 : i32
      %scan3A_113 = arith.constant 1 : i32
      %scan3A_114 = arith.constant 3 : i32
      %scan3A_115 = arith.addi %scan3A_113, %scan3A_114 : i32
      %scan3A_116 = arith.constant 1 : i32
      %scan3A_117 = scf.for %scan3A_134 = %scan3A_113 to %scan3A_115 step %scan3A_116 iter_args(%scan3A_135 = %scan3A_112) -> (i32)  : i32 {
        %mul3A_136 = arith.constant 2 : i32
        %mul3A_137 = arith.muli %mul3A_136, %scan3A_134 : i32
        %mul3A_138 = arith.constant 2 : i32
        %mul3A_139 = arith.muli %mul3A_138, %scan3A_134 : i32
        %add3A_140 = arith.constant 1 : i32
        %add3A_141 = arith.addi %mul3A_139, %add3A_140 : i32
        %dma_wait3A_142 = arith.constant 0 : i32
        %dma_wait3A_143 = arith.constant 0 : i32
        %dma_wait3A_144 = tpu.memref_slice %arg12[%dma_wait3A_142, %dma_wait3A_143] : memref<8x32xi32, #tpu.memory_space<vmem>> -> memref<1x32xi32, #tpu.memory_space<vmem>>
        %dma_wait3A_145 = tpu.memref_squeeze %dma_wait3A_144 : memref<1x32xi32, #tpu.memory_space<vmem>> -> memref<32xi32, #tpu.memory_space<vmem>>
        %dma_wait3A_146 = arith.constant 0 : i32
        %dma_wait3A_147 = arith.constant 0 : i32
        %dma_wait3A_148 = tpu.memref_slice %arg18[%dma_wait3A_146, %dma_wait3A_147] : memref<10016x128xf32, #tpu.memory_space<vmem_shared>> -> memref<10016x128xf32, #tpu.memory_space<vmem_shared>>
        tpu.wait_indirect_dma semaphore(%arg21 : memref<!tpu.dma_semaphore, #tpu.memory_space<semaphore_mem>>) src(%arg15 : memref<32x128xf32, #tpu.memory_space<vmem>>) dst(%dma_wait3A_148 : memref<10016x128xf32, #tpu.memory_space<vmem_shared>>)
        %dma_wait3A_149 = arith.constant 0 : i32
        %dma_wait3A_150 = arith.constant 0 : i32
        %dma_wait3A_151 = tpu.memref_slice %arg12[%dma_wait3A_149, %dma_wait3A_150] : memref<8x32xi32, #tpu.memory_space<vmem>> -> memref<1x32xi32, #tpu.memory_space<vmem>>
        %dma_wait3A_152 = tpu.memref_squeeze %dma_wait3A_151 : memref<1x32xi32, #tpu.memory_space<vmem>> -> memref<32xi32, #tpu.memory_space<vmem>>
        %dma_wait3A_153 = arith.constant 0 : i32
        %dma_wait3A_154 = arith.constant 0 : i32
        %dma_wait3A_155 = tpu.memref_slice %arg18[%dma_wait3A_153, %dma_wait3A_154] : memref<10016x128xf32, #tpu.memory_space<vmem_shared>> -> memref<10016x128xf32, #tpu.memory_space<vmem_shared>>
        tpu.wait_indirect_dma semaphore(%arg22 : memref<!tpu.dma_semaphore, #tpu.memory_space<semaphore_mem>>) src(%arg16 : memref<32x128xf32, #tpu.memory_space<vmem>>) dst(%dma_wait3A_155 : memref<10016x128xf32, #tpu.memory_space<vmem_shared>>)
        %dma_start3A_156 = arith.constant 0 : i32
        %dma_start3A_157 = tpu.memref_slice %arg11[%mul3A_137, %dma_start3A_156] : memref<8x32xi32, #tpu.memory_space<vmem>> -> memref<1x32xi32, #tpu.memory_space<vmem>>
        %dma_start3A_158 = tpu.memref_squeeze %dma_start3A_157 : memref<1x32xi32, #tpu.memory_space<vmem>> -> memref<32xi32, #tpu.memory_space<vmem>>
        %dma_start3A_159 = arith.constant 0 : i32
        %dma_start3A_160 = arith.constant 0 : i32
        %dma_start3A_161 = tpu.memref_slice %arg6[%dma_start3A_159, %dma_start3A_160] : memref<10000x128xf32, #tpu.memory_space<hbm>> -> memref<10000x128xf32, #tpu.memory_space<hbm>>
        tpu.enqueue_indirect_dma source(%dma_start3A_161 : memref<10000x128xf32, #tpu.memory_space<hbm>>) target(%arg15 : memref<32x128xf32, #tpu.memory_space<vmem>>) offsets(%dma_start3A_158 : memref<32xi32, #tpu.memory_space<vmem>>) semaphore(%arg19 : memref<!tpu.dma_semaphore, #tpu.memory_space<semaphore_mem>>)
        %dma_start3A_162 = arith.constant 0 : i32
        %dma_start3A_163 = tpu.memref_slice %arg11[%add3A_141, %dma_start3A_162] : memref<8x32xi32, #tpu.memory_space<vmem>> -> memref<1x32xi32, #tpu.memory_space<vmem>>
        %dma_start3A_164 = tpu.memref_squeeze %dma_start3A_163 : memref<1x32xi32, #tpu.memory_space<vmem>> -> memref<32xi32, #tpu.memory_space<vmem>>
        %dma_start3A_165 = arith.constant 0 : i32
        %dma_start3A_166 = arith.constant 0 : i32
        %dma_start3A_167 = tpu.memref_slice %arg6[%dma_start3A_165, %dma_start3A_166] : memref<10000x128xf32, #tpu.memory_space<hbm>> -> memref<10000x128xf32, #tpu.memory_space<hbm>>
        tpu.enqueue_indirect_dma source(%dma_start3A_167 : memref<10000x128xf32, #tpu.memory_space<hbm>>) target(%arg16 : memref<32x128xf32, #tpu.memory_space<vmem>>) offsets(%dma_start3A_164 : memref<32xi32, #tpu.memory_space<vmem>>) semaphore(%arg20 : memref<!tpu.dma_semaphore, #tpu.memory_space<semaphore_mem>>)
        %scan3A_168 = arith.constant 0 : i32
        %scan3A_169 = arith.constant 0 : i32
        %scan3A_170 = arith.constant 2 : i32
        %scan3A_171 = arith.addi %scan3A_169, %scan3A_170 : i32
        %scan3A_172 = arith.constant 1 : i32
        %scan3A_173 = scf.for %scan3A_221 = %scan3A_169 to %scan3A_171 step %scan3A_172 iter_args(%scan3A_222 = %scan3A_168) -> (i32)  : i32 {
          %mul3A_223 = arith.constant 16 : i32
          %mul3A_224 = arith.muli %scan3A_221, %mul3A_223 : i32
          %get3A = arith.index_cast %mul3A_137 : i32 to index
          %get3A_225 = arith.index_cast %mul3A_224 : i32 to index
          %get3A_226 = tpu.vector_load %arg11[%get3A, %get3A_225] {strides = array<i32>} : memref<8x32xi32, #tpu.memory_space<vmem>>, vector<16xi32>,
          %mul3A_227 = arith.constant 16 : i32
          %mul3A_228 = arith.muli %scan3A_221, %mul3A_227 : i32
          %get3A_229 = arith.index_cast %mul3A_137 : i32 to index
          %get3A_230 = arith.index_cast %mul3A_228 : i32 to index
          %get3A_231 = tpu.vector_load %arg12[%get3A_229, %get3A_230] {strides = array<i32>} : memref<8x32xi32, #tpu.memory_space<vmem>>, vector<16xi32>,
          %gather3A = tpu.vector_load_idx %arg9[%get3A_226] : memref<10016xf32, #tpu.memory_space<vmem>>[vector<16xi32>], vector<16xf32>,
          %gather3A_232 = tpu.vector_load_idx %arg10[%get3A_231] : memref<10016xf32, #tpu.memory_space<vmem>>[vector<16xi32>], vector<16xf32>,
          %add3A_233 = arith.addf %gather3A, %gather3A_232 : vector<16xf32>
          %gt3A = arith.constant 0.000000e+00 : f32
          %gt3A_234 = vector.broadcast %gt3A : f32 to vector<16xf32>
          %gt3A_235 = arith.cmpf ogt, %add3A_233, %gt3A_234 : vector<16xf32>
          %mul3A_236 = arith.constant 2.000000e-01 : f32
          %mul3A_237 = vector.broadcast %mul3A_236 : f32 to vector<16xf32>
          %mul3A_238 = arith.mulf %mul3A_237, %add3A_233 : vector<16xf32>
          %select_n3A = arith.select %gt3A_235, %add3A_233, %mul3A_238 : vector<16xi1>, vector<16xf32>
          %exp3A = math.exp %select_n3A : vector<16xf32>
          %mul3A_239 = arith.constant 16 : i32
          %mul3A_240 = arith.muli %scan3A_221, %mul3A_239 : i32
          %swap3A = arith.index_cast %mul3A_240 : i32 to index
          %swap3A_241 = tpu.vector_load %arg13[%swap3A] {strides = array<i32>} : memref<32xf32, #tpu.memory_space<vmem>>, vector<16xf32>,
          tpu.vector_store %arg13[%swap3A], %exp3A {strides = array<i32>} : memref<32xf32, #tpu.memory_space<vmem>>, vector<16xf32>,
          tpu.vector_store_idx %arg17[%get3A_231], %exp3A {add = true} : memref<10016xf32, #tpu.memory_space<vmem>>[vector<16xi32>], vector<16xf32>,
          %scan3A_242 = arith.constant 0 : i32
          scf.yield %scan3A_242 : i32
        }
        %scan3A_174 = arith.constant 2 : i32
        %dma_wait3A_175 = arith.constant 0 : i32
        %dma_wait3A_176 = tpu.memref_slice %arg11[%mul3A_137, %dma_wait3A_175] : memref<8x32xi32, #tpu.memory_space<vmem>> -> memref<1x32xi32, #tpu.memory_space<vmem>>
        %dma_wait3A_177 = tpu.memref_squeeze %dma_wait3A_176 : memref<1x32xi32, #tpu.memory_space<vmem>> -> memref<32xi32, #tpu.memory_space<vmem>>
        %dma_wait3A_178 = arith.constant 0 : i32
        %dma_wait3A_179 = arith.constant 0 : i32
        %dma_wait3A_180 = tpu.memref_slice %arg6[%dma_wait3A_178, %dma_wait3A_179] : memref<10000x128xf32, #tpu.memory_space<hbm>> -> memref<10000x128xf32, #tpu.memory_space<hbm>>
        tpu.wait_indirect_dma semaphore(%arg19 : memref<!tpu.dma_semaphore, #tpu.memory_space<semaphore_mem>>) src(%dma_wait3A_180 : memref<10000x128xf32, #tpu.memory_space<hbm>>) dst(%arg15 : memref<32x128xf32, #tpu.memory_space<vmem>>)
        %scan3A_181 = arith.constant 0 : i32
        %scan3A_182 = arith.constant 0 : i32
        %scan3A_183 = arith.constant 32 : i32
        %scan3A_184 = arith.addi %scan3A_182, %scan3A_183 : i32
        %scan3A_185 = arith.constant 1 : i32
        %scan3A_186 = scf.for %scan3A_221 = %scan3A_182 to %scan3A_184 step %scan3A_185 iter_args(%scan3A_222 = %scan3A_181) -> (i32)  : i32 {
          %broadcast_in_dim3A_223 = vector.broadcast %scan3A_221 : i32 to vector<16xi32>
          %gather3A = tpu.vector_load_idx %arg13[%broadcast_in_dim3A_223] : memref<32xf32, #tpu.memory_space<vmem>>[vector<16xi32>], vector<16xf32>,
          %get3A = arith.index_cast %scan3A_221 : i32 to index
          %get3A_224 = arith.constant 0 : index
          %get3A_225 = tpu.vector_load %arg15[%get3A, %get3A_224] {strides = array<i32>} : memref<32x128xf32, #tpu.memory_space<vmem>>, vector<16xf32>,
          %mul3A_226 = arith.mulf %get3A_225, %gather3A : vector<16xf32>
          %swap3A = arith.index_cast %scan3A_221 : i32 to index
          %swap3A_227 = arith.constant 0 : index
          %swap3A_228 = tpu.vector_load %arg15[%swap3A, %swap3A_227] {strides = array<i32>} : memref<32x128xf32, #tpu.memory_space<vmem>>, vector<16xf32>,
          tpu.vector_store %arg15[%swap3A, %swap3A_227], %mul3A_226 {strides = array<i32>} : memref<32x128xf32, #tpu.memory_space<vmem>>, vector<16xf32>,
          %get3A_229 = arith.index_cast %scan3A_221 : i32 to index
          %get3A_230 = arith.constant 16 : index
          %get3A_231 = tpu.vector_load %arg15[%get3A_229, %get3A_230] {strides = array<i32>} : memref<32x128xf32, #tpu.memory_space<vmem>>, vector<16xf32>,
          %mul3A_232 = arith.mulf %get3A_231, %gather3A : vector<16xf32>
          %swap3A_233 = arith.index_cast %scan3A_221 : i32 to index
          %swap3A_234 = arith.constant 16 : index
          %swap3A_235 = tpu.vector_load %arg15[%swap3A_233, %swap3A_234] {strides = array<i32>} : memref<32x128xf32, #tpu.memory_space<vmem>>, vector<16xf32>,
          tpu.vector_store %arg15[%swap3A_233, %swap3A_234], %mul3A_232 {strides = array<i32>} : memref<32x128xf32, #tpu.memory_space<vmem>>, vector<16xf32>,
          %get3A_236 = arith.index_cast %scan3A_221 : i32 to index
          %get3A_237 = arith.constant 32 : index
          %get3A_238 = tpu.vector_load %arg15[%get3A_236, %get3A_237] {strides = array<i32>} : memref<32x128xf32, #tpu.memory_space<vmem>>, vector<16xf32>,
          %mul3A_239 = arith.mulf %get3A_238, %gather3A : vector<16xf32>
          %swap3A_240 = arith.index_cast %scan3A_221 : i32 to index
          %swap3A_241 = arith.constant 32 : index
          %swap3A_242 = tpu.vector_load %arg15[%swap3A_240, %swap3A_241] {strides = array<i32>} : memref<32x128xf32, #tpu.memory_space<vmem>>, vector<16xf32>,
          tpu.vector_store %arg15[%swap3A_240, %swap3A_241], %mul3A_239 {strides = array<i32>} : memref<32x128xf32, #tpu.memory_space<vmem>>, vector<16xf32>,
          %get3A_243 = arith.index_cast %scan3A_221 : i32 to index
          %get3A_244 = arith.constant 48 : index
          %get3A_245 = tpu.vector_load %arg15[%get3A_243, %get3A_244] {strides = array<i32>} : memref<32x128xf32, #tpu.memory_space<vmem>>, vector<16xf32>,
          %mul3A_246 = arith.mulf %get3A_245, %gather3A : vector<16xf32>
          %swap3A_247 = arith.index_cast %scan3A_221 : i32 to index
          %swap3A_248 = arith.constant 48 : index
          %swap3A_249 = tpu.vector_load %arg15[%swap3A_247, %swap3A_248] {strides = array<i32>} : memref<32x128xf32, #tpu.memory_space<vmem>>, vector<16xf32>,
          tpu.vector_store %arg15[%swap3A_247, %swap3A_248], %mul3A_246 {strides = array<i32>} : memref<32x128xf32, #tpu.memory_space<vmem>>, vector<16xf32>,
          %get3A_250 = arith.index_cast %scan3A_221 : i32 to index
          %get3A_251 = arith.constant 64 : index
          %get3A_252 = tpu.vector_load %arg15[%get3A_250, %get3A_251] {strides = array<i32>} : memref<32x128xf32, #tpu.memory_space<vmem>>, vector<16xf32>,
          %mul3A_253 = arith.mulf %get3A_252, %gather3A : vector<16xf32>
          %swap3A_254 = arith.index_cast %scan3A_221 : i32 to index
          %swap3A_255 = arith.constant 64 : index
          %swap3A_256 = tpu.vector_load %arg15[%swap3A_254, %swap3A_255] {strides = array<i32>} : memref<32x128xf32, #tpu.memory_space<vmem>>, vector<16xf32>,
          tpu.vector_store %arg15[%swap3A_254, %swap3A_255], %mul3A_253 {strides = array<i32>} : memref<32x128xf32, #tpu.memory_space<vmem>>, vector<16xf32>,
          %get3A_257 = arith.index_cast %scan3A_221 : i32 to index
          %get3A_258 = arith.constant 80 : index
          %get3A_259 = tpu.vector_load %arg15[%get3A_257, %get3A_258] {strides = array<i32>} : memref<32x128xf32, #tpu.memory_space<vmem>>, vector<16xf32>,
          %mul3A_260 = arith.mulf %get3A_259, %gather3A : vector<16xf32>
          %swap3A_261 = arith.index_cast %scan3A_221 : i32 to index
          %swap3A_262 = arith.constant 80 : index
          %swap3A_263 = tpu.vector_load %arg15[%swap3A_261, %swap3A_262] {strides = array<i32>} : memref<32x128xf32, #tpu.memory_space<vmem>>, vector<16xf32>,
          tpu.vector_store %arg15[%swap3A_261, %swap3A_262], %mul3A_260 {strides = array<i32>} : memref<32x128xf32, #tpu.memory_space<vmem>>, vector<16xf32>,
          %get3A_264 = arith.index_cast %scan3A_221 : i32 to index
          %get3A_265 = arith.constant 96 : index
          %get3A_266 = tpu.vector_load %arg15[%get3A_264, %get3A_265] {strides = array<i32>} : memref<32x128xf32, #tpu.memory_space<vmem>>, vector<16xf32>,
          %mul3A_267 = arith.mulf %get3A_266, %gather3A : vector<16xf32>
          %swap3A_268 = arith.index_cast %scan3A_221 : i32 to index
          %swap3A_269 = arith.constant 96 : index
          %swap3A_270 = tpu.vector_load %arg15[%swap3A_268, %swap3A_269] {strides = array<i32>} : memref<32x128xf32, #tpu.memory_space<vmem>>, vector<16xf32>,
          tpu.vector_store %arg15[%swap3A_268, %swap3A_269], %mul3A_267 {strides = array<i32>} : memref<32x128xf32, #tpu.memory_space<vmem>>, vector<16xf32>,
          %get3A_271 = arith.index_cast %scan3A_221 : i32 to index
          %get3A_272 = arith.constant 112 : index
          %get3A_273 = tpu.vector_load %arg15[%get3A_271, %get3A_272] {strides = array<i32>} : memref<32x128xf32, #tpu.memory_space<vmem>>, vector<16xf32>,
          %mul3A_274 = arith.mulf %get3A_273, %gather3A : vector<16xf32>
          %swap3A_275 = arith.index_cast %scan3A_221 : i32 to index
          %swap3A_276 = arith.constant 112 : index
          %swap3A_277 = tpu.vector_load %arg15[%swap3A_275, %swap3A_276] {strides = array<i32>} : memref<32x128xf32, #tpu.memory_space<vmem>>, vector<16xf32>,
          tpu.vector_store %arg15[%swap3A_275, %swap3A_276], %mul3A_274 {strides = array<i32>} : memref<32x128xf32, #tpu.memory_space<vmem>>, vector<16xf32>,
          %scan3A_278 = arith.constant 0 : i32
          scf.yield %scan3A_278 : i32
        }
        %scan3A_187 = arith.constant 32 : i32
        %dma_start3A_188 = arith.constant 0 : i32
        %dma_start3A_189 = tpu.memref_slice %arg12[%mul3A_137, %dma_start3A_188] : memref<8x32xi32, #tpu.memory_space<vmem>> -> memref<1x32xi32, #tpu.memory_space<vmem>>
        %dma_start3A_190 = tpu.memref_squeeze %dma_start3A_189 : memref<1x32xi32, #tpu.memory_space<vmem>> -> memref<32xi32, #tpu.memory_space<vmem>>
        %dma_start3A_191 = arith.constant 0 : i32
        %dma_start3A_192 = arith.constant 0 : i32
        %dma_start3A_193 = tpu.memref_slice %arg18[%dma_start3A_191, %dma_start3A_192] : memref<10016x128xf32, #tpu.memory_space<vmem_shared>> -> memref<10016x128xf32, #tpu.memory_space<vmem_shared>>
        tpu.enqueue_indirect_dma source(%arg15 : memref<32x128xf32, #tpu.memory_space<vmem>>) target(%dma_start3A_193 : memref<10016x128xf32, #tpu.memory_space<vmem_shared>>) offsets(%dma_start3A_190 : memref<32xi32, #tpu.memory_space<vmem>>) semaphore(%arg21 : memref<!tpu.dma_semaphore, #tpu.memory_space<semaphore_mem>>) {add = true}
        %scan3A_194 = arith.constant 0 : i32
        %scan3A_195 = arith.constant 0 : i32
        %scan3A_196 = arith.constant 2 : i32
        %scan3A_197 = arith.addi %scan3A_195, %scan3A_196 : i32
        %scan3A_198 = arith.constant 1 : i32
        %scan3A_199 = scf.for %scan3A_221 = %scan3A_195 to %scan3A_197 step %scan3A_198 iter_args(%scan3A_222 = %scan3A_194) -> (i32)  : i32 {
          %mul3A_223 = arith.constant 16 : i32
          %mul3A_224 = arith.muli %scan3A_221, %mul3A_223 : i32
          %get3A = arith.index_cast %add3A_141 : i32 to index
          %get3A_225 = arith.index_cast %mul3A_224 : i32 to index
          %get3A_226 = tpu.vector_load %arg11[%get3A, %get3A_225] {strides = array<i32>} : memref<8x32xi32, #tpu.memory_space<vmem>>, vector<16xi32>,
          %mul3A_227 = arith.constant 16 : i32
          %mul3A_228 = arith.muli %scan3A_221, %mul3A_227 : i32
          %get3A_229 = arith.index_cast %add3A_141 : i32 to index
          %get3A_230 = arith.index_cast %mul3A_228 : i32 to index
          %get3A_231 = tpu.vector_load %arg12[%get3A_229, %get3A_230] {strides = array<i32>} : memref<8x32xi32, #tpu.memory_space<vmem>>, vector<16xi32>,
          %gather3A = tpu.vector_load_idx %arg9[%get3A_226] : memref<10016xf32, #tpu.memory_space<vmem>>[vector<16xi32>], vector<16xf32>,
          %gather3A_232 = tpu.vector_load_idx %arg10[%get3A_231] : memref<10016xf32, #tpu.memory_space<vmem>>[vector<16xi32>], vector<16xf32>,
          %add3A_233 = arith.addf %gather3A, %gather3A_232 : vector<16xf32>
          %gt3A = arith.constant 0.000000e+00 : f32
          %gt3A_234 = vector.broadcast %gt3A : f32 to vector<16xf32>
          %gt3A_235 = arith.cmpf ogt, %add3A_233, %gt3A_234 : vector<16xf32>
          %mul3A_236 = arith.constant 2.000000e-01 : f32
          %mul3A_237 = vector.broadcast %mul3A_236 : f32 to vector<16xf32>
          %mul3A_238 = arith.mulf %mul3A_237, %add3A_233 : vector<16xf32>
          %select_n3A = arith.select %gt3A_235, %add3A_233, %mul3A_238 : vector<16xi1>, vector<16xf32>
          %exp3A = math.exp %select_n3A : vector<16xf32>
          %mul3A_239 = arith.constant 16 : i32
          %mul3A_240 = arith.muli %scan3A_221, %mul3A_239 : i32
          %swap3A = arith.index_cast %mul3A_240 : i32 to index
          %swap3A_241 = tpu.vector_load %arg14[%swap3A] {strides = array<i32>} : memref<32xf32, #tpu.memory_space<vmem>>, vector<16xf32>,
          tpu.vector_store %arg14[%swap3A], %exp3A {strides = array<i32>} : memref<32xf32, #tpu.memory_space<vmem>>, vector<16xf32>,
          tpu.vector_store_idx %arg17[%get3A_231], %exp3A {add = true} : memref<10016xf32, #tpu.memory_space<vmem>>[vector<16xi32>], vector<16xf32>,
          %scan3A_242 = arith.constant 0 : i32
          scf.yield %scan3A_242 : i32
        }
        %scan3A_200 = arith.constant 2 : i32
        %dma_wait3A_201 = arith.constant 0 : i32
        %dma_wait3A_202 = tpu.memref_slice %arg11[%add3A_141, %dma_wait3A_201] : memref<8x32xi32, #tpu.memory_space<vmem>> -> memref<1x32xi32, #tpu.memory_space<vmem>>
        %dma_wait3A_203 = tpu.memref_squeeze %dma_wait3A_202 : memref<1x32xi32, #tpu.memory_space<vmem>> -> memref<32xi32, #tpu.memory_space<vmem>>
        %dma_wait3A_204 = arith.constant 0 : i32
        %dma_wait3A_205 = arith.constant 0 : i32
        %dma_wait3A_206 = tpu.memref_slice %arg6[%dma_wait3A_204, %dma_wait3A_205] : memref<10000x128xf32, #tpu.memory_space<hbm>> -> memref<10000x128xf32, #tpu.memory_space<hbm>>
        tpu.wait_indirect_dma semaphore(%arg20 : memref<!tpu.dma_semaphore, #tpu.memory_space<semaphore_mem>>) src(%dma_wait3A_206 : memref<10000x128xf32, #tpu.memory_space<hbm>>) dst(%arg16 : memref<32x128xf32, #tpu.memory_space<vmem>>)
        %scan3A_207 = arith.constant 0 : i32
        %scan3A_208 = arith.constant 0 : i32
        %scan3A_209 = arith.constant 32 : i32
        %scan3A_210 = arith.addi %scan3A_208, %scan3A_209 : i32
        %scan3A_211 = arith.constant 1 : i32
        %scan3A_212 = scf.for %scan3A_221 = %scan3A_208 to %scan3A_210 step %scan3A_211 iter_args(%scan3A_222 = %scan3A_207) -> (i32)  : i32 {
          %broadcast_in_dim3A_223 = vector.broadcast %scan3A_221 : i32 to vector<16xi32>
          %gather3A = tpu.vector_load_idx %arg14[%broadcast_in_dim3A_223] : memref<32xf32, #tpu.memory_space<vmem>>[vector<16xi32>], vector<16xf32>,
          %get3A = arith.index_cast %scan3A_221 : i32 to index
          %get3A_224 = arith.constant 0 : index
          %get3A_225 = tpu.vector_load %arg16[%get3A, %get3A_224] {strides = array<i32>} : memref<32x128xf32, #tpu.memory_space<vmem>>, vector<16xf32>,
          %mul3A_226 = arith.mulf %get3A_225, %gather3A : vector<16xf32>
          %swap3A = arith.index_cast %scan3A_221 : i32 to index
          %swap3A_227 = arith.constant 0 : index
          %swap3A_228 = tpu.vector_load %arg16[%swap3A, %swap3A_227] {strides = array<i32>} : memref<32x128xf32, #tpu.memory_space<vmem>>, vector<16xf32>,
          tpu.vector_store %arg16[%swap3A, %swap3A_227], %mul3A_226 {strides = array<i32>} : memref<32x128xf32, #tpu.memory_space<vmem>>, vector<16xf32>,
          %get3A_229 = arith.index_cast %scan3A_221 : i32 to index
          %get3A_230 = arith.constant 16 : index
          %get3A_231 = tpu.vector_load %arg16[%get3A_229, %get3A_230] {strides = array<i32>} : memref<32x128xf32, #tpu.memory_space<vmem>>, vector<16xf32>,
          %mul3A_232 = arith.mulf %get3A_231, %gather3A : vector<16xf32>
          %swap3A_233 = arith.index_cast %scan3A_221 : i32 to index
          %swap3A_234 = arith.constant 16 : index
          %swap3A_235 = tpu.vector_load %arg16[%swap3A_233, %swap3A_234] {strides = array<i32>} : memref<32x128xf32, #tpu.memory_space<vmem>>, vector<16xf32>,
          tpu.vector_store %arg16[%swap3A_233, %swap3A_234], %mul3A_232 {strides = array<i32>} : memref<32x128xf32, #tpu.memory_space<vmem>>, vector<16xf32>,
          %get3A_236 = arith.index_cast %scan3A_221 : i32 to index
          %get3A_237 = arith.constant 32 : index
          %get3A_238 = tpu.vector_load %arg16[%get3A_236, %get3A_237] {strides = array<i32>} : memref<32x128xf32, #tpu.memory_space<vmem>>, vector<16xf32>,
          %mul3A_239 = arith.mulf %get3A_238, %gather3A : vector<16xf32>
          %swap3A_240 = arith.index_cast %scan3A_221 : i32 to index
          %swap3A_241 = arith.constant 32 : index
          %swap3A_242 = tpu.vector_load %arg16[%swap3A_240, %swap3A_241] {strides = array<i32>} : memref<32x128xf32, #tpu.memory_space<vmem>>, vector<16xf32>,
          tpu.vector_store %arg16[%swap3A_240, %swap3A_241], %mul3A_239 {strides = array<i32>} : memref<32x128xf32, #tpu.memory_space<vmem>>, vector<16xf32>,
          %get3A_243 = arith.index_cast %scan3A_221 : i32 to index
          %get3A_244 = arith.constant 48 : index
          %get3A_245 = tpu.vector_load %arg16[%get3A_243, %get3A_244] {strides = array<i32>} : memref<32x128xf32, #tpu.memory_space<vmem>>, vector<16xf32>,
          %mul3A_246 = arith.mulf %get3A_245, %gather3A : vector<16xf32>
          %swap3A_247 = arith.index_cast %scan3A_221 : i32 to index
          %swap3A_248 = arith.constant 48 : index
          %swap3A_249 = tpu.vector_load %arg16[%swap3A_247, %swap3A_248] {strides = array<i32>} : memref<32x128xf32, #tpu.memory_space<vmem>>, vector<16xf32>,
          tpu.vector_store %arg16[%swap3A_247, %swap3A_248], %mul3A_246 {strides = array<i32>} : memref<32x128xf32, #tpu.memory_space<vmem>>, vector<16xf32>,
          %get3A_250 = arith.index_cast %scan3A_221 : i32 to index
          %get3A_251 = arith.constant 64 : index
          %get3A_252 = tpu.vector_load %arg16[%get3A_250, %get3A_251] {strides = array<i32>} : memref<32x128xf32, #tpu.memory_space<vmem>>, vector<16xf32>,
          %mul3A_253 = arith.mulf %get3A_252, %gather3A : vector<16xf32>
          %swap3A_254 = arith.index_cast %scan3A_221 : i32 to index
          %swap3A_255 = arith.constant 64 : index
          %swap3A_256 = tpu.vector_load %arg16[%swap3A_254, %swap3A_255] {strides = array<i32>} : memref<32x128xf32, #tpu.memory_space<vmem>>, vector<16xf32>,
          tpu.vector_store %arg16[%swap3A_254, %swap3A_255], %mul3A_253 {strides = array<i32>} : memref<32x128xf32, #tpu.memory_space<vmem>>, vector<16xf32>,
          %get3A_257 = arith.index_cast %scan3A_221 : i32 to index
          %get3A_258 = arith.constant 80 : index
          %get3A_259 = tpu.vector_load %arg16[%get3A_257, %get3A_258] {strides = array<i32>} : memref<32x128xf32, #tpu.memory_space<vmem>>, vector<16xf32>,
          %mul3A_260 = arith.mulf %get3A_259, %gather3A : vector<16xf32>
          %swap3A_261 = arith.index_cast %scan3A_221 : i32 to index
          %swap3A_262 = arith.constant 80 : index
          %swap3A_263 = tpu.vector_load %arg16[%swap3A_261, %swap3A_262] {strides = array<i32>} : memref<32x128xf32, #tpu.memory_space<vmem>>, vector<16xf32>,
          tpu.vector_store %arg16[%swap3A_261, %swap3A_262], %mul3A_260 {strides = array<i32>} : memref<32x128xf32, #tpu.memory_space<vmem>>, vector<16xf32>,
          %get3A_264 = arith.index_cast %scan3A_221 : i32 to index
          %get3A_265 = arith.constant 96 : index
          %get3A_266 = tpu.vector_load %arg16[%get3A_264, %get3A_265] {strides = array<i32>} : memref<32x128xf32, #tpu.memory_space<vmem>>, vector<16xf32>,
          %mul3A_267 = arith.mulf %get3A_266, %gather3A : vector<16xf32>
          %swap3A_268 = arith.index_cast %scan3A_221 : i32 to index
          %swap3A_269 = arith.constant 96 : index
          %swap3A_270 = tpu.vector_load %arg16[%swap3A_268, %swap3A_269] {strides = array<i32>} : memref<32x128xf32, #tpu.memory_space<vmem>>, vector<16xf32>,
          tpu.vector_store %arg16[%swap3A_268, %swap3A_269], %mul3A_267 {strides = array<i32>} : memref<32x128xf32, #tpu.memory_space<vmem>>, vector<16xf32>,
          %get3A_271 = arith.index_cast %scan3A_221 : i32 to index
          %get3A_272 = arith.constant 112 : index
          %get3A_273 = tpu.vector_load %arg16[%get3A_271, %get3A_272] {strides = array<i32>} : memref<32x128xf32, #tpu.memory_space<vmem>>, vector<16xf32>,
          %mul3A_274 = arith.mulf %get3A_273, %gather3A : vector<16xf32>
          %swap3A_275 = arith.index_cast %scan3A_221 : i32 to index
          %swap3A_276 = arith.constant 112 : index
          %swap3A_277 = tpu.vector_load %arg16[%swap3A_275, %swap3A_276] {strides = array<i32>} : memref<32x128xf32, #tpu.memory_space<vmem>>, vector<16xf32>,
          tpu.vector_store %arg16[%swap3A_275, %swap3A_276], %mul3A_274 {strides = array<i32>} : memref<32x128xf32, #tpu.memory_space<vmem>>, vector<16xf32>,
          %scan3A_278 = arith.constant 0 : i32
          scf.yield %scan3A_278 : i32
        }
        %scan3A_213 = arith.constant 32 : i32
        %dma_start3A_214 = arith.constant 0 : i32
        %dma_start3A_215 = tpu.memref_slice %arg12[%add3A_141, %dma_start3A_214] : memref<8x32xi32, #tpu.memory_space<vmem>> -> memref<1x32xi32, #tpu.memory_space<vmem>>
        %dma_start3A_216 = tpu.memref_squeeze %dma_start3A_215 : memref<1x32xi32, #tpu.memory_space<vmem>> -> memref<32xi32, #tpu.memory_space<vmem>>
        %dma_start3A_217 = arith.constant 0 : i32
        %dma_start3A_218 = arith.constant 0 : i32
        %dma_start3A_219 = tpu.memref_slice %arg18[%dma_start3A_217, %dma_start3A_218] : memref<10016x128xf32, #tpu.memory_space<vmem_shared>> -> memref<10016x128xf32, #tpu.memory_space<vmem_shared>>
        tpu.enqueue_indirect_dma source(%arg16 : memref<32x128xf32, #tpu.memory_space<vmem>>) target(%dma_start3A_219 : memref<10016x128xf32, #tpu.memory_space<vmem_shared>>) offsets(%dma_start3A_216 : memref<32xi32, #tpu.memory_space<vmem>>) semaphore(%arg22 : memref<!tpu.dma_semaphore, #tpu.memory_space<semaphore_mem>>) {add = true}
        %scan3A_220 = arith.constant 0 : i32
        scf.yield %scan3A_220 : i32
      }
      %scan3A_118 = arith.constant 3 : i32
      %dma_wait3A_119 = arith.constant 0 : i32
      %dma_wait3A_120 = arith.constant 0 : i32
      %dma_wait3A_121 = tpu.memref_slice %arg12[%dma_wait3A_119, %dma_wait3A_120] : memref<8x32xi32, #tpu.memory_space<vmem>> -> memref<1x32xi32, #tpu.memory_space<vmem>>
      %dma_wait3A_122 = tpu.memref_squeeze %dma_wait3A_121 : memref<1x32xi32, #tpu.memory_space<vmem>> -> memref<32xi32, #tpu.memory_space<vmem>>
      %dma_wait3A_123 = arith.constant 0 : i32
      %dma_wait3A_124 = arith.constant 0 : i32
      %dma_wait3A_125 = tpu.memref_slice %arg18[%dma_wait3A_123, %dma_wait3A_124] : memref<10016x128xf32, #tpu.memory_space<vmem_shared>> -> memref<10016x128xf32, #tpu.memory_space<vmem_shared>>
      tpu.wait_indirect_dma semaphore(%arg21 : memref<!tpu.dma_semaphore, #tpu.memory_space<semaphore_mem>>) src(%arg15 : memref<32x128xf32, #tpu.memory_space<vmem>>) dst(%dma_wait3A_125 : memref<10016x128xf32, #tpu.memory_space<vmem_shared>>)
      %dma_wait3A_126 = arith.constant 0 : i32
      %dma_wait3A_127 = arith.constant 0 : i32
      %dma_wait3A_128 = tpu.memref_slice %arg12[%dma_wait3A_126, %dma_wait3A_127] : memref<8x32xi32, #tpu.memory_space<vmem>> -> memref<1x32xi32, #tpu.memory_space<vmem>>
      %dma_wait3A_129 = tpu.memref_squeeze %dma_wait3A_128 : memref<1x32xi32, #tpu.memory_space<vmem>> -> memref<32xi32, #tpu.memory_space<vmem>>
      %dma_wait3A_130 = arith.constant 0 : i32
      %dma_wait3A_131 = arith.constant 0 : i32
      %dma_wait3A_132 = tpu.memref_slice %arg18[%dma_wait3A_130, %dma_wait3A_131] : memref<10016x128xf32, #tpu.memory_space<vmem_shared>> -> memref<10016x128xf32, #tpu.memory_space<vmem_shared>>
      tpu.wait_indirect_dma semaphore(%arg22 : memref<!tpu.dma_semaphore, #tpu.memory_space<semaphore_mem>>) src(%arg16 : memref<32x128xf32, #tpu.memory_space<vmem>>) dst(%dma_wait3A_132 : memref<10016x128xf32, #tpu.memory_space<vmem_shared>>)
      %scan3A_133 = arith.constant 0 : i32
      scf.yield %scan3A_133 : i32
    }
    %scan3A_28 = arith.constant 40 : i32
    %barrier3A_29 = arith.constant 0 : index
    tpu.barrier barrier_id(%barrier3A_29)
    %mul3A_30 = arith.constant 624 : i32
    %mul3A_31 = arith.muli %arg1, %mul3A_30 : i32
    %mul3A_32 = arith.constant 10000 : i32
    %mul3A_33 = arith.muli %arg0, %mul3A_32 : i32
    %add3A_34 = arith.addi %mul3A_33, %mul3A_31 : i32
    "tpu.region"() ({
      %run_scoped3A = tpu.sem_alloc : memref<!tpu.dma_semaphore, #tpu.memory_space<semaphore_mem>>
      %dma_start3A = arith.constant 0 : i32
      %dma_start3A_37 = tpu.memref_slice %arg7[%add3A_34, %dma_start3A] : memref<20000x128xf32, #tpu.memory_space<hbm>> -> memref<640x128xf32, #tpu.memory_space<hbm>>
      %dma_start3A_38 = arith.constant 0 : i32
      %dma_start3A_39 = tpu.memref_slice %arg18[%mul3A_31, %dma_start3A_38] : memref<10016x128xf32, #tpu.memory_space<vmem_shared>> -> memref<640x128xf32, #tpu.memory_space<vmem_shared>>
      tpu.enqueue_dma source(%dma_start3A_39 : memref<640x128xf32, #tpu.memory_space<vmem_shared>>) target(%dma_start3A_37 : memref<640x128xf32, #tpu.memory_space<hbm>>) target_semaphore(%run_scoped3A : memref<!tpu.dma_semaphore, #tpu.memory_space<semaphore_mem>>)
      %dma_wait3A = arith.constant 0 : i32
      %dma_wait3A_40 = tpu.memref_slice %arg7[%add3A_34, %dma_wait3A] : memref<20000x128xf32, #tpu.memory_space<hbm>> -> memref<640x128xf32, #tpu.memory_space<hbm>>
      %dma_wait3A_41 = arith.constant 0 : i32
      %dma_wait3A_42 = tpu.memref_slice %arg18[%mul3A_31, %dma_wait3A_41] : memref<10016x128xf32, #tpu.memory_space<vmem_shared>> -> memref<640x128xf32, #tpu.memory_space<vmem_shared>>
      tpu.wait_dma2 semaphore(%run_scoped3A : memref<!tpu.dma_semaphore, #tpu.memory_space<semaphore_mem>>) src(%dma_wait3A_42 : memref<640x128xf32, #tpu.memory_space<vmem_shared>>) dst(%dma_wait3A_40 : memref<640x128xf32, #tpu.memory_space<hbm>>)
      tpu.yield
    }) : () -> ()
    %mul3A_35 = arith.constant 10016 : i32
    %mul3A_36 = arith.muli %add3A, %mul3A_35 : i32
    "tpu.region"() ({
      %run_scoped3A = tpu.sem_alloc : memref<!tpu.dma_semaphore, #tpu.memory_space<semaphore_mem>>
      %dma_start3A = tpu.memref_slice %arg8[%mul3A_36] : memref<320512xf32, #tpu.memory_space<hbm>> -> memref<10016xf32, #tpu.memory_space<hbm>>
      %dma_start3A_37 = tpu.memref_slice %arg8[%mul3A_36] : memref<320512xf32, #tpu.memory_space<hbm>> -> memref<10016xf32, #tpu.memory_space<hbm>>
      tpu.enqueue_dma source(%arg17 : memref<10016xf32, #tpu.memory_space<vmem>>) target(%dma_start3A_37 : memref<10016xf32, #tpu.memory_space<hbm>>) target_semaphore(%run_scoped3A : memref<!tpu.dma_semaphore, #tpu.memory_space<semaphore_mem>>)
      %dma_wait3A = tpu.memref_slice %arg8[%mul3A_36] : memref<320512xf32, #tpu.memory_space<hbm>> -> memref<10016xf32, #tpu.memory_space<hbm>>
      %dma_wait3A_38 = tpu.memref_slice %arg8[%mul3A_36] : memref<320512xf32, #tpu.memory_space<hbm>> -> memref<10016xf32, #tpu.memory_space<hbm>>
      tpu.wait_dma2 semaphore(%run_scoped3A : memref<!tpu.dma_semaphore, #tpu.memory_space<semaphore_mem>>) src(%arg17 : memref<10016xf32, #tpu.memory_space<vmem>>) dst(%dma_wait3A_38 : memref<10016xf32, #tpu.memory_space<hbm>>)
      tpu.yield
    }) : () -> ()
    return
  }
}

module attributes {stable_mosaic.version = 14 : i64} {
  func.func @_k1_body(%arg0: i32, %arg1: memref<1000x128xf32, #tpu.memory_space<vmem>>, %arg2: memref<128x128xf32, #tpu.memory_space<vmem>>, %arg3: memref<128x8xf32, #tpu.memory_space<vmem>>, %arg4: memref<1000x128xf32, #tpu.memory_space<vmem>>, %arg5: memref<1000x8xf32, #tpu.memory_space<vmem>>) attributes {dimension_semantics = [#tpu.dimension_semantics<arbitrary>], iteration_bounds = array<i64: 10>, scalar_prefetch = 0 : i64, scratch_operands = 0 : i64, tpu.core_type = #tpu.core_type<tc>, window_params = [{transform_indices = @transform_0, window_bounds = array<i64: 1000, 128>}, {pipeline_mode = #tpu.pipeline_mode<synchronous>, transform_indices = @transform_1, window_bounds = array<i64: 128, 128>}, {pipeline_mode = #tpu.pipeline_mode<synchronous>, transform_indices = @transform_2, window_bounds = array<i64: 128, 8>}, {transform_indices = @transform_3, window_bounds = array<i64: 1000, 128>}, {transform_indices = @transform_4, window_bounds = array<i64: 1000, 8>}]} {
    %get3A = arith.constant 0 : index
    %get3A_0 = arith.constant 0 : index
    %get3A_1 = vector.load %arg1[%get3A, %get3A_0] : memref<1000x128xf32, #tpu.memory_space<vmem>>, vector<1000x128xf32>
    %get3A_2 = arith.constant 0 : index
    %get3A_3 = arith.constant 0 : index
    %get3A_4 = vector.load %arg2[%get3A_2, %get3A_3] : memref<128x128xf32, #tpu.memory_space<vmem>>, vector<128x128xf32>
    %dot_general3A = arith.constant dense<0.000000e+00> : vector<1000x128xf32>
    %dot_general3A_5 = tpu.matmul %get3A_1, %get3A_4, %dot_general3A {dimension_numbers = #tpu.dot_dimension_numbers<[1], [0], [0], [1], [0, 0, 1, 1], [], []>, transpose_lhs_hint = false} : vector<1000x128xf32>, vector<128x128xf32>, vector<1000x128xf32> -> vector<1000x128xf32>
    %swap3A = arith.constant 0 : index
    %swap3A_6 = arith.constant 0 : index
    %swap3A_7 = vector.load %arg4[%swap3A, %swap3A_6] : memref<1000x128xf32, #tpu.memory_space<vmem>>, vector<1000x128xf32>
    tpu.vector_store %arg4[%swap3A, %swap3A_6], %dot_general3A_5 {strides = array<i32>} : memref<1000x128xf32, #tpu.memory_space<vmem>>, vector<1000x128xf32>,
    %get3A_8 = arith.constant 0 : index
    %get3A_9 = arith.constant 0 : index
    %get3A_10 = vector.load %arg3[%get3A_8, %get3A_9] : memref<128x8xf32, #tpu.memory_space<vmem>>, vector<128x8xf32>
    %dot_general3A_11 = arith.constant dense<0.000000e+00> : vector<1000x8xf32>
    %dot_general3A_12 = tpu.matmul %dot_general3A_5, %get3A_10, %dot_general3A_11 {dimension_numbers = #tpu.dot_dimension_numbers<[1], [0], [0], [1], [0, 0, 1, 1], [], []>, transpose_lhs_hint = false} : vector<1000x128xf32>, vector<128x8xf32>, vector<1000x8xf32> -> vector<1000x8xf32>
    %swap3A_13 = arith.constant 0 : index
    %swap3A_14 = arith.constant 0 : index
    %swap3A_15 = vector.load %arg5[%swap3A_13, %swap3A_14] : memref<1000x8xf32, #tpu.memory_space<vmem>>, vector<1000x8xf32>
    tpu.vector_store %arg5[%swap3A_13, %swap3A_14], %dot_general3A_12 {strides = array<i32>} : memref<1000x8xf32, #tpu.memory_space<vmem>>, vector<1000x8xf32>,
    return
  }
  func.func @transform_0(%arg0: i32) -> (i32, i32) {
    %c0_i32 = arith.constant 0 : i32
    %c0_i32_0 = arith.constant 0 : i32
    return %arg0, %c0_i32 : i32, i32
  }
  func.func @transform_1(%arg0: i32) -> (i32, i32) {
    %c0_i32 = arith.constant 0 : i32
    %c0_i32_0 = arith.constant 0 : i32
    %c0_i32_1 = arith.constant 0 : i32
    return %c0_i32, %c0_i32_0 : i32, i32
  }
  func.func @transform_2(%arg0: i32) -> (i32, i32) {
    %c0_i32 = arith.constant 0 : i32
    %c0_i32_0 = arith.constant 0 : i32
    %c0_i32_1 = arith.constant 0 : i32
    return %c0_i32, %c0_i32_0 : i32, i32
  }
  func.func @transform_3(%arg0: i32) -> (i32, i32) {
    %c0_i32 = arith.constant 0 : i32
    %c0_i32_0 = arith.constant 0 : i32
    return %arg0, %c0_i32 : i32, i32
  }
  func.func @transform_4(%arg0: i32) -> (i32, i32) {
    %c0_i32 = arith.constant 0 : i32
    %c0_i32_0 = arith.constant 0 : i32
    return %arg0, %c0_i32 : i32, i32
  }
}

module attributes {stable_mosaic.version = 14 : i64} {
  func.func @_k2_body(%arg0: i32, %arg1: memref<1000x128xf32, #tpu.memory_space<vmem>>, %arg2: memref<1000x128xf32, #tpu.memory_space<vmem>>, %arg3: memref<1x32x1000xf32, #tpu.memory_space<vmem>>, %arg4: memref<1000x128xf32, #tpu.memory_space<vmem>>, %arg5: memref<1000x8xf32, #tpu.memory_space<vmem>>, %arg6: memref<1x128xf32, #tpu.memory_space<vmem>>, %arg7: memref<128x128xf32, #tpu.memory_space<vmem>>, %arg8: memref<128x8xf32, #tpu.memory_space<vmem>>, %arg9: memref<1000x128xf32, #tpu.memory_space<vmem>>, %arg10: memref<1000x8xf32, #tpu.memory_space<vmem>>) attributes {dimension_semantics = [#tpu.dimension_semantics<arbitrary>], iteration_bounds = array<i64: 10>, scalar_prefetch = 0 : i64, scratch_operands = 0 : i64, tpu.core_type = #tpu.core_type<tc>, window_params = [{transform_indices = @transform_0, window_bounds = array<i64: 1000, 128>}, {transform_indices = @transform_1, window_bounds = array<i64: 1000, 128>}, {transform_indices = @transform_2, window_bounds = array<i64: 1, 32, 1000>}, {transform_indices = @transform_3, window_bounds = array<i64: 1000, 128>}, {transform_indices = @transform_4, window_bounds = array<i64: 1000, 8>}, {pipeline_mode = #tpu.pipeline_mode<synchronous>, transform_indices = @transform_5, window_bounds = array<i64: 1, 128>}, {pipeline_mode = #tpu.pipeline_mode<synchronous>, transform_indices = @transform_6, window_bounds = array<i64: 128, 128>}, {pipeline_mode = #tpu.pipeline_mode<synchronous>, transform_indices = @transform_7, window_bounds = array<i64: 128, 8>}, {transform_indices = @transform_8, window_bounds = array<i64: 1000, 128>}, {transform_indices = @transform_9, window_bounds = array<i64: 1000, 8>}]} {
    %get3A = arith.constant 0 : index
    %get3A_0 = arith.constant 0 : index
    %get3A_1 = vector.load %arg1[%get3A, %get3A_0] : memref<1000x128xf32, #tpu.memory_space<vmem>>, vector<1000x128xf32>
    %get3A_2 = arith.constant 0 : index
    %get3A_3 = arith.constant 0 : index
    %get3A_4 = vector.load %arg2[%get3A_2, %get3A_3] : memref<1000x128xf32, #tpu.memory_space<vmem>>, vector<1000x128xf32>
    %get3A_5 = arith.constant 0 : index
    %get3A_6 = arith.constant 0 : index
    %get3A_7 = arith.constant 0 : index
    %get3A_8 = vector.load %arg3[%get3A_5, %get3A_6, %get3A_7] : memref<1x32x1000xf32, #tpu.memory_space<vmem>>, vector<1x32x1000xf32>
    %get3A_9 = arith.constant 0 : index
    %get3A_10 = arith.constant 0 : index
    %get3A_11 = vector.load %arg4[%get3A_9, %get3A_10] : memref<1000x128xf32, #tpu.memory_space<vmem>>, vector<1000x128xf32>
    %get3A_12 = arith.constant 0 : index
    %get3A_13 = arith.constant 0 : index
    %get3A_14 = vector.load %arg5[%get3A_12, %get3A_13] : memref<1000x8xf32, #tpu.memory_space<vmem>>, vector<1000x8xf32>
    %get3A_15 = arith.constant 0 : index
    %get3A_16 = arith.constant 0 : index
    %get3A_17 = vector.load %arg6[%get3A_15, %get3A_16] : memref<1x128xf32, #tpu.memory_space<vmem>>, vector<1x128xf32>
    %add3A = arith.addf %get3A_1, %get3A_4 : vector<1000x128xf32>
    %squeeze3A = vector.shape_cast %get3A_8 : vector<1x32x1000xf32> to vector<32x1000xf32>
    %reduce_sum3A = arith.constant dense<0.000000e+00> : vector<1000xf32>
    %reduce_sum3A_18 = vector.multi_reduction <add>, %squeeze3A, %reduce_sum3A [0] : vector<32x1000xf32> to vector<1000xf32>
    %broadcast_in_dim3A = vector.shape_cast %reduce_sum3A_18 : vector<1000xf32> to vector<1000x1xf32>
    %slice3A = vector.extract_strided_slice %get3A_14 {offsets = [0, 0], sizes = [1000, 1], strides = [1, 1]} : vector<1000x8xf32> to vector<1000x1xf32>
    %slice3A_19 = vector.extract_strided_slice %get3A_14 {offsets = [0, 1], sizes = [1000, 1], strides = [1, 1]} : vector<1000x8xf32> to vector<1000x1xf32>
    %add3A_20 = arith.addf %slice3A, %slice3A_19 : vector<1000x1xf32>
    %gt3A = arith.constant 0.000000e+00 : f32
    %gt3A_21 = vector.broadcast %gt3A : f32 to vector<1000x1xf32>
    %gt3A_22 = arith.cmpf ogt, %add3A_20, %gt3A_21 : vector<1000x1xf32>
    %mul3A = arith.constant 2.000000e-01 : f32
    %mul3A_23 = vector.broadcast %mul3A : f32 to vector<1000x1xf32>
    %mul3A_24 = arith.mulf %mul3A_23, %add3A_20 : vector<1000x1xf32>
    %select_n3A = arith.select %gt3A_22, %add3A_20, %mul3A_24 : vector<1000x1xi1>, vector<1000x1xf32>
    %exp3A = math.exp %select_n3A : vector<1000x1xf32>
    %mul3A_25 = vector.broadcast %exp3A : vector<1000x1xf32> to vector<1000x128xf32>
    %mul3A_26 = arith.mulf %mul3A_25, %get3A_11 : vector<1000x128xf32>
    %add3A_27 = arith.addf %add3A, %mul3A_26 : vector<1000x128xf32>
    %add3A_28 = arith.addf %broadcast_in_dim3A, %exp3A : vector<1000x1xf32>
    %add3A_29 = arith.constant 1.000000e-16 : f32
    %add3A_30 = vector.broadcast %add3A_29 : f32 to vector<1000x1xf32>
    %add3A_31 = arith.addf %add3A_28, %add3A_30 : vector<1000x1xf32>
    %div3A = vector.broadcast %add3A_31 : vector<1000x1xf32> to vector<1000x128xf32>
    %div3A_32 = arith.divf %add3A_27, %div3A : vector<1000x128xf32>
    %add3A_33 = vector.broadcast %get3A_17 : vector<1x128xf32> to vector<1000x128xf32>
    %add3A_34 = arith.addf %div3A_32, %add3A_33 : vector<1000x128xf32>
    %max3A = arith.constant 0.000000e+00 : f32
    %max3A_35 = vector.broadcast %max3A : f32 to vector<1000x128xf32>
    %max3A_36 = arith.maximumf %add3A_34, %max3A_35 : vector<1000x128xf32>
    %get3A_37 = arith.constant 0 : index
    %get3A_38 = arith.constant 0 : index
    %get3A_39 = vector.load %arg7[%get3A_37, %get3A_38] : memref<128x128xf32, #tpu.memory_space<vmem>>, vector<128x128xf32>
    %dot_general3A = arith.constant dense<0.000000e+00> : vector<1000x128xf32>
    %dot_general3A_40 = tpu.matmul %max3A_36, %get3A_39, %dot_general3A {dimension_numbers = #tpu.dot_dimension_numbers<[1], [0], [0], [1], [0, 0, 1, 1], [], []>, transpose_lhs_hint = false} : vector<1000x128xf32>, vector<128x128xf32>, vector<1000x128xf32> -> vector<1000x128xf32>
    %swap3A = arith.constant 0 : index
    %swap3A_41 = arith.constant 0 : index
    %swap3A_42 = vector.load %arg9[%swap3A, %swap3A_41] : memref<1000x128xf32, #tpu.memory_space<vmem>>, vector<1000x128xf32>
    tpu.vector_store %arg9[%swap3A, %swap3A_41], %dot_general3A_40 {strides = array<i32>} : memref<1000x128xf32, #tpu.memory_space<vmem>>, vector<1000x128xf32>,
    %get3A_43 = arith.constant 0 : index
    %get3A_44 = arith.constant 0 : index
    %get3A_45 = vector.load %arg8[%get3A_43, %get3A_44] : memref<128x8xf32, #tpu.memory_space<vmem>>, vector<128x8xf32>
    %dot_general3A_46 = arith.constant dense<0.000000e+00> : vector<1000x8xf32>
    %dot_general3A_47 = tpu.matmul %dot_general3A_40, %get3A_45, %dot_general3A_46 {dimension_numbers = #tpu.dot_dimension_numbers<[1], [0], [0], [1], [0, 0, 1, 1], [], []>, transpose_lhs_hint = false} : vector<1000x128xf32>, vector<128x8xf32>, vector<1000x8xf32> -> vector<1000x8xf32>
    %swap3A_48 = arith.constant 0 : index
    %swap3A_49 = arith.constant 0 : index
    %swap3A_50 = vector.load %arg10[%swap3A_48, %swap3A_49] : memref<1000x8xf32, #tpu.memory_space<vmem>>, vector<1000x8xf32>
    tpu.vector_store %arg10[%swap3A_48, %swap3A_49], %dot_general3A_47 {strides = array<i32>} : memref<1000x8xf32, #tpu.memory_space<vmem>>, vector<1000x8xf32>,
    return
  }
  func.func @transform_0(%arg0: i32) -> (i32, i32) {
    %c0_i32 = arith.constant 0 : i32
    %c0_i32_0 = arith.constant 0 : i32
    return %arg0, %c0_i32 : i32, i32
  }
  func.func @transform_1(%arg0: i32) -> (i32, i32) {
    %c0_i32 = arith.constant 0 : i32
    %c0_i32_0 = arith.constant 0 : i32
    return %arg0, %c0_i32 : i32, i32
  }
  func.func @transform_2(%arg0: i32) -> (i32, i32, i32) {
    %c0_i32 = arith.constant 0 : i32
    %c0_i32_0 = arith.constant 0 : i32
    %c0_i32_1 = arith.constant 0 : i32
    return %arg0, %c0_i32, %c0_i32_0 : i32, i32, i32
  }
  func.func @transform_3(%arg0: i32) -> (i32, i32) {
    %c0_i32 = arith.constant 0 : i32
    %c0_i32_0 = arith.constant 0 : i32
    return %arg0, %c0_i32 : i32, i32
  }
  func.func @transform_4(%arg0: i32) -> (i32, i32) {
    %c0_i32 = arith.constant 0 : i32
    %c0_i32_0 = arith.constant 0 : i32
    return %arg0, %c0_i32 : i32, i32
  }
  func.func @transform_5(%arg0: i32) -> (i32, i32) {
    %c0_i32 = arith.constant 0 : i32
    %c0_i32_0 = arith.constant 0 : i32
    %c0_i32_1 = arith.constant 0 : i32
    return %c0_i32, %c0_i32_0 : i32, i32
  }
  func.func @transform_6(%arg0: i32) -> (i32, i32) {
    %c0_i32 = arith.constant 0 : i32
    %c0_i32_0 = arith.constant 0 : i32
    %c0_i32_1 = arith.constant 0 : i32
    return %c0_i32, %c0_i32_0 : i32, i32
  }
  func.func @transform_7(%arg0: i32) -> (i32, i32) {
    %c0_i32 = arith.constant 0 : i32
    %c0_i32_0 = arith.constant 0 : i32
    %c0_i32_1 = arith.constant 0 : i32
    return %c0_i32, %c0_i32_0 : i32, i32
  }
  func.func @transform_8(%arg0: i32) -> (i32, i32) {
    %c0_i32 = arith.constant 0 : i32
    %c0_i32_0 = arith.constant 0 : i32
    return %arg0, %c0_i32 : i32, i32
  }
  func.func @transform_9(%arg0: i32) -> (i32, i32) {
    %c0_i32 = arith.constant 0 : i32
    %c0_i32_0 = arith.constant 0 : i32
    return %arg0, %c0_i32 : i32, i32
  }
}

module attributes {stable_mosaic.version = 14 : i64} {
  func.func @_k3_body(%arg0: i32, %arg1: memref<1000x128xf32, #tpu.memory_space<vmem>>, %arg2: memref<1000x128xf32, #tpu.memory_space<vmem>>, %arg3: memref<1x32x1000xf32, #tpu.memory_space<vmem>>, %arg4: memref<1000x128xf32, #tpu.memory_space<vmem>>, %arg5: memref<1000x8xf32, #tpu.memory_space<vmem>>, %arg6: memref<1x128xf32, #tpu.memory_space<vmem>>, %arg7: memref<128x128xf32, #tpu.memory_space<vmem>>, %arg8: memref<1x128xf32, #tpu.memory_space<vmem>>, %arg9: memref<128x128xf32, #tpu.memory_space<vmem>>, %arg10: memref<1x128xf32, #tpu.memory_space<vmem>>, %arg11: memref<1000x128xf32, #tpu.memory_space<vmem>>) attributes {dimension_semantics = [#tpu.dimension_semantics<arbitrary>], iteration_bounds = array<i64: 10>, scalar_prefetch = 0 : i64, scratch_operands = 0 : i64, tpu.core_type = #tpu.core_type<tc>, window_params = [{transform_indices = @transform_0, window_bounds = array<i64: 1000, 128>}, {transform_indices = @transform_1, window_bounds = array<i64: 1000, 128>}, {transform_indices = @transform_2, window_bounds = array<i64: 1, 32, 1000>}, {transform_indices = @transform_3, window_bounds = array<i64: 1000, 128>}, {transform_indices = @transform_4, window_bounds = array<i64: 1000, 8>}, {pipeline_mode = #tpu.pipeline_mode<synchronous>, transform_indices = @transform_5, window_bounds = array<i64: 1, 128>}, {pipeline_mode = #tpu.pipeline_mode<synchronous>, transform_indices = @transform_6, window_bounds = array<i64: 128, 128>}, {pipeline_mode = #tpu.pipeline_mode<synchronous>, transform_indices = @transform_7, window_bounds = array<i64: 1, 128>}, {pipeline_mode = #tpu.pipeline_mode<synchronous>, transform_indices = @transform_8, window_bounds = array<i64: 128, 128>}, {pipeline_mode = #tpu.pipeline_mode<synchronous>, transform_indices = @transform_9, window_bounds = array<i64: 1, 128>}, {transform_indices = @transform_10, window_bounds = array<i64: 1000, 128>}]} {
    %get3A = arith.constant 0 : index
    %get3A_0 = arith.constant 0 : index
    %get3A_1 = vector.load %arg1[%get3A, %get3A_0] : memref<1000x128xf32, #tpu.memory_space<vmem>>, vector<1000x128xf32>
    %get3A_2 = arith.constant 0 : index
    %get3A_3 = arith.constant 0 : index
    %get3A_4 = vector.load %arg2[%get3A_2, %get3A_3] : memref<1000x128xf32, #tpu.memory_space<vmem>>, vector<1000x128xf32>
    %get3A_5 = arith.constant 0 : index
    %get3A_6 = arith.constant 0 : index
    %get3A_7 = arith.constant 0 : index
    %get3A_8 = vector.load %arg3[%get3A_5, %get3A_6, %get3A_7] : memref<1x32x1000xf32, #tpu.memory_space<vmem>>, vector<1x32x1000xf32>
    %get3A_9 = arith.constant 0 : index
    %get3A_10 = arith.constant 0 : index
    %get3A_11 = vector.load %arg4[%get3A_9, %get3A_10] : memref<1000x128xf32, #tpu.memory_space<vmem>>, vector<1000x128xf32>
    %get3A_12 = arith.constant 0 : index
    %get3A_13 = arith.constant 0 : index
    %get3A_14 = vector.load %arg5[%get3A_12, %get3A_13] : memref<1000x8xf32, #tpu.memory_space<vmem>>, vector<1000x8xf32>
    %get3A_15 = arith.constant 0 : index
    %get3A_16 = arith.constant 0 : index
    %get3A_17 = vector.load %arg6[%get3A_15, %get3A_16] : memref<1x128xf32, #tpu.memory_space<vmem>>, vector<1x128xf32>
    %add3A = arith.addf %get3A_1, %get3A_4 : vector<1000x128xf32>
    %squeeze3A = vector.shape_cast %get3A_8 : vector<1x32x1000xf32> to vector<32x1000xf32>
    %reduce_sum3A = arith.constant dense<0.000000e+00> : vector<1000xf32>
    %reduce_sum3A_18 = vector.multi_reduction <add>, %squeeze3A, %reduce_sum3A [0] : vector<32x1000xf32> to vector<1000xf32>
    %broadcast_in_dim3A = vector.shape_cast %reduce_sum3A_18 : vector<1000xf32> to vector<1000x1xf32>
    %slice3A = vector.extract_strided_slice %get3A_14 {offsets = [0, 0], sizes = [1000, 1], strides = [1, 1]} : vector<1000x8xf32> to vector<1000x1xf32>
    %slice3A_19 = vector.extract_strided_slice %get3A_14 {offsets = [0, 1], sizes = [1000, 1], strides = [1, 1]} : vector<1000x8xf32> to vector<1000x1xf32>
    %add3A_20 = arith.addf %slice3A, %slice3A_19 : vector<1000x1xf32>
    %gt3A = arith.constant 0.000000e+00 : f32
    %gt3A_21 = vector.broadcast %gt3A : f32 to vector<1000x1xf32>
    %gt3A_22 = arith.cmpf ogt, %add3A_20, %gt3A_21 : vector<1000x1xf32>
    %mul3A = arith.constant 2.000000e-01 : f32
    %mul3A_23 = vector.broadcast %mul3A : f32 to vector<1000x1xf32>
    %mul3A_24 = arith.mulf %mul3A_23, %add3A_20 : vector<1000x1xf32>
    %select_n3A = arith.select %gt3A_22, %add3A_20, %mul3A_24 : vector<1000x1xi1>, vector<1000x1xf32>
    %exp3A = math.exp %select_n3A : vector<1000x1xf32>
    %mul3A_25 = vector.broadcast %exp3A : vector<1000x1xf32> to vector<1000x128xf32>
    %mul3A_26 = arith.mulf %mul3A_25, %get3A_11 : vector<1000x128xf32>
    %add3A_27 = arith.addf %add3A, %mul3A_26 : vector<1000x128xf32>
    %add3A_28 = arith.addf %broadcast_in_dim3A, %exp3A : vector<1000x1xf32>
    %add3A_29 = arith.constant 1.000000e-16 : f32
    %add3A_30 = vector.broadcast %add3A_29 : f32 to vector<1000x1xf32>
    %add3A_31 = arith.addf %add3A_28, %add3A_30 : vector<1000x1xf32>
    %div3A = vector.broadcast %add3A_31 : vector<1000x1xf32> to vector<1000x128xf32>
    %div3A_32 = arith.divf %add3A_27, %div3A : vector<1000x128xf32>
    %add3A_33 = vector.broadcast %get3A_17 : vector<1x128xf32> to vector<1000x128xf32>
    %add3A_34 = arith.addf %div3A_32, %add3A_33 : vector<1000x128xf32>
    %max3A = arith.constant 0.000000e+00 : f32
    %max3A_35 = vector.broadcast %max3A : f32 to vector<1000x128xf32>
    %max3A_36 = arith.maximumf %add3A_34, %max3A_35 : vector<1000x128xf32>
    %get3A_37 = arith.constant 0 : index
    %get3A_38 = arith.constant 0 : index
    %get3A_39 = vector.load %arg7[%get3A_37, %get3A_38] : memref<128x128xf32, #tpu.memory_space<vmem>>, vector<128x128xf32>
    %dot_general3A = arith.constant dense<0.000000e+00> : vector<1000x128xf32>
    %dot_general3A_40 = tpu.matmul %max3A_36, %get3A_39, %dot_general3A {dimension_numbers = #tpu.dot_dimension_numbers<[1], [0], [0], [1], [0, 0, 1, 1], [], []>, transpose_lhs_hint = false} : vector<1000x128xf32>, vector<128x128xf32>, vector<1000x128xf32> -> vector<1000x128xf32>
    %get3A_41 = arith.constant 0 : index
    %get3A_42 = arith.constant 0 : index
    %get3A_43 = vector.load %arg8[%get3A_41, %get3A_42] : memref<1x128xf32, #tpu.memory_space<vmem>>, vector<1x128xf32>
    %add3A_44 = vector.broadcast %get3A_43 : vector<1x128xf32> to vector<1000x128xf32>
    %add3A_45 = arith.addf %dot_general3A_40, %add3A_44 : vector<1000x128xf32>
    %max3A_46 = arith.constant 0.000000e+00 : f32
    %max3A_47 = vector.broadcast %max3A_46 : f32 to vector<1000x128xf32>
    %max3A_48 = arith.maximumf %add3A_45, %max3A_47 : vector<1000x128xf32>
    %get3A_49 = arith.constant 0 : index
    %get3A_50 = arith.constant 0 : index
    %get3A_51 = vector.load %arg9[%get3A_49, %get3A_50] : memref<128x128xf32, #tpu.memory_space<vmem>>, vector<128x128xf32>
    %dot_general3A_52 = arith.constant dense<0.000000e+00> : vector<1000x128xf32>
    %dot_general3A_53 = tpu.matmul %max3A_48, %get3A_51, %dot_general3A_52 {dimension_numbers = #tpu.dot_dimension_numbers<[1], [0], [0], [1], [0, 0, 1, 1], [], []>, transpose_lhs_hint = false} : vector<1000x128xf32>, vector<128x128xf32>, vector<1000x128xf32> -> vector<1000x128xf32>
    %get3A_54 = arith.constant 0 : index
    %get3A_55 = arith.constant 0 : index
    %get3A_56 = vector.load %arg10[%get3A_54, %get3A_55] : memref<1x128xf32, #tpu.memory_space<vmem>>, vector<1x128xf32>
    %add3A_57 = vector.broadcast %get3A_56 : vector<1x128xf32> to vector<1000x128xf32>
    %add3A_58 = arith.addf %dot_general3A_53, %add3A_57 : vector<1000x128xf32>
    %max3A_59 = arith.constant 0.000000e+00 : f32
    %max3A_60 = vector.broadcast %max3A_59 : f32 to vector<1000x128xf32>
    %max3A_61 = arith.maximumf %add3A_58, %max3A_60 : vector<1000x128xf32>
    %swap3A = arith.constant 0 : index
    %swap3A_62 = arith.constant 0 : index
    %swap3A_63 = vector.load %arg11[%swap3A, %swap3A_62] : memref<1000x128xf32, #tpu.memory_space<vmem>>, vector<1000x128xf32>
    tpu.vector_store %arg11[%swap3A, %swap3A_62], %max3A_61 {strides = array<i32>} : memref<1000x128xf32, #tpu.memory_space<vmem>>, vector<1000x128xf32>,
    return
  }
  func.func @transform_0(%arg0: i32) -> (i32, i32) {
    %c0_i32 = arith.constant 0 : i32
    %c0_i32_0 = arith.constant 0 : i32
    return %arg0, %c0_i32 : i32, i32
  }
  func.func @transform_1(%arg0: i32) -> (i32, i32) {
    %c0_i32 = arith.constant 0 : i32
    %c0_i32_0 = arith.constant 0 : i32
    return %arg0, %c0_i32 : i32, i32
  }
  func.func @transform_2(%arg0: i32) -> (i32, i32, i32) {
    %c0_i32 = arith.constant 0 : i32
    %c0_i32_0 = arith.constant 0 : i32
    %c0_i32_1 = arith.constant 0 : i32
    return %arg0, %c0_i32, %c0_i32_0 : i32, i32, i32
  }
  func.func @transform_3(%arg0: i32) -> (i32, i32) {
    %c0_i32 = arith.constant 0 : i32
    %c0_i32_0 = arith.constant 0 : i32
    return %arg0, %c0_i32 : i32, i32
  }
  func.func @transform_4(%arg0: i32) -> (i32, i32) {
    %c0_i32 = arith.constant 0 : i32
    %c0_i32_0 = arith.constant 0 : i32
    return %arg0, %c0_i32 : i32, i32
  }
  func.func @transform_5(%arg0: i32) -> (i32, i32) {
    %c0_i32 = arith.constant 0 : i32
    %c0_i32_0 = arith.constant 0 : i32
    %c0_i32_1 = arith.constant 0 : i32
    return %c0_i32, %c0_i32_0 : i32, i32
  }
  func.func @transform_6(%arg0: i32) -> (i32, i32) {
    %c0_i32 = arith.constant 0 : i32
    %c0_i32_0 = arith.constant 0 : i32
    %c0_i32_1 = arith.constant 0 : i32
    return %c0_i32, %c0_i32_0 : i32, i32
  }
  func.func @transform_7(%arg0: i32) -> (i32, i32) {
    %c0_i32 = arith.constant 0 : i32
    %c0_i32_0 = arith.constant 0 : i32
    %c0_i32_1 = arith.constant 0 : i32
    return %c0_i32, %c0_i32_0 : i32, i32
  }
  func.func @transform_8(%arg0: i32) -> (i32, i32) {
    %c0_i32 = arith.constant 0 : i32
    %c0_i32_0 = arith.constant 0 : i32
    %c0_i32_1 = arith.constant 0 : i32
    return %c0_i32, %c0_i32_0 : i32, i32
  }
  func.func @transform_9(%arg0: i32) -> (i32, i32) {
    %c0_i32 = arith.constant 0 : i32
    %c0_i32_0 = arith.constant 0 : i32
    %c0_i32_1 = arith.constant 0 : i32
    return %c0_i32, %c0_i32_0 : i32, i32
  }
  func.func @transform_10(%arg0: i32) -> (i32, i32) {
    %c0_i32 = arith.constant 0 : i32
    %c0_i32_0 = arith.constant 0 : i32
    return %arg0, %c0_i32 : i32, i32
  }
}

</mosaic_0001>

<sc_bundles>
// kernel: kernel.10.cloned.1.call-start
scs
__scs_entry_jumppad:
0x0: {  	(pc) =	sbr.rel $0x88, $3  }
0x1: {  	(tag) =	ssettag $0x0;
	lr =	simm.s32 $0x1  }
0x2: {  	[smem:$0x3F93] =	sst lr;
	_ =	strace $0xD0000000  }
0x3: {  	_ = 	snop  }
0x4: {  	_ = 	snop  }
0x5: {  	_ = 	snop  }
0x6: {  	_ = 	snop  }
0x7: {  	_ = 	snop  }
__scs_overlays_trampoline_lowered:
0x8: {  	[smem:$0x3FA2] =	sst s0  }
0x9: {  	[smem:$0x3FA3] =	sst s1  }
0xa: {  	[smem:$0x3FA4] =	sst s2  }
0xb: {  	[smem:$0x3FA5] =	sst s3  }
0xc: {  	[smem:$0x3FA6] =	sst s4  }
0xd: {  	[smem:$0x3FA7] =	sst s5  }
0xe: {  	[smem:$0x3FA8] =	sst s6  }
0xf: {  	[smem:$0x3FA9] =	sst s7  }
0x10: {  	[smem:$0x3FAA] =	sst s8  }
0x11: {  	[smem:$0x3FAB] =	sst s9;
	s0 =	simm.s32 @!p0 $0x0  }
0x12: {  	s1 =	sld [smem:$0x3F91];
	s0 =	simm.s32 @p0 $0x1  }
0x13: {  	[smem:$0x3FAC] =	sst s0;
	s0 =	simm.s32 @!p1 $0x0  }
0x14: {  	s2 =	sld [smem:$0x3F90];
	s0 =	simm.s32 @p1 $0x1  }
0x15: {  	[smem:$0x3FAD] =	sst s0;
	s0 =	simm.s32 @!p2 $0x0  }
0x16: {  	s3 =	sld [smem:$0x3FDB];
	s0 =	simm.s32 @p2 $0x1  }
0x17: {  	s4 =	simm.s32 $0x1BF5;
	[smem:$0x3FAF] =	sst s0  }
0x18: {  	s0 =	sld [smem:$0x3F92];
	_ =	swait.ge [sflag:s4], $0x0  }
0x19: {  	s7 =	sld [smem:$0x3F93]  }
0x1a: {  	s8 =	sadd.s32 $0xFFFFE003, lr  }
0x1b: {  	s9 =	sadd.s32 $0xFFFFFEF7, lr;
	s5 =	simm.s32 $0xFFFFFFFF;
	p2 =	slt.u32 s8, $0xFFFFF086  }
0x1c: {  	p1 =	slt.u32 s9, $0xF7A;
	s5 =	simm.s32 @!p2 $0x0  }
0x1d: {  	s5 =	simm.s32 @p1 $0x1;
	p0 =	seq.s32 s7, s2  }
0x1e: {  	s7 =	smul.u32 @!p0 $0xF7A, s2;
	p2 =	seq.s32 @!p0 s5, $0x0  }
0x1f: {  	s9 =	smul.u32 $0xF7A, s1;
	s8 =	simm.s32 @!p0 $0x1BF5;
	p2 =	por !p2, p0  }
0x20: {  	[sflag:s8] =	ssyncset.s32 @!p0 $0xFFFFF086;
	s6 =	sadd.s32 @!p0 s3, s7;
	s7 =	simm.s32 @!p0 $0x108  }
0x21: {  	s3 =	sadd.s32 s3, s9;
	s6 =	sadd.s32 @!p0 $0x88, s6;
	s7 =	simm.s32 @p2 $0x1082  }
0x22: {  	[simem:s7], [sflag:s8] =	dma.local @!p0 [hbm:s6], $0xF7A  }
0x23: {  	s9 =	sor.u32 $0xD0000000, s2;
	s6 =	simm.s32 $0x108;
	_ =	swait.ge @!p0 [sflag:s8], $0x0  }
0x24: {  	s3 =	sadd.s32 $0x88, s3;
	s6 =	simm.s32 @!p1 $0x1082;
	[sflag:s4] =	ssyncset.s32 $0xFFFFF086  }
0x25: {  	[simem:s6], [sflag:s4] =	dma.local [hbm:s3], $0xF7A  }
0x26: {  	[smem:$0x3F93] =	sst s1;
	(tag) =	ssettag s2;
	_ =	strace s9  }
0x27: {  	s1 =	sld [smem:$0x3FA3]  }
0x28: {  	s2 =	sld [smem:$0x3FA4]  }
0x29: {  	s4 =	sld [smem:$0x3FA6]  }
0x2a: {  	p0 =	seq.s32 s5, $0x0;
	s5 =	sld [smem:$0x3FA7]  }
0x2b: {  	s6 =	sld [smem:$0x3FA8]  }
0x2c: {  	s7 =	sld [smem:$0x3FA9]  }
0x2d: {  	s3 =	simm.s32 $0x108;
	s8 =	sld [smem:$0x3FAA]  }
0x2e: {  	s3 =	simm.s32 @!p0 $0x1082;
	s9 =	sld [smem:$0x3FAB]  }
0x2f: {  	lr =	sadd.s32 s0, s3;
	s0 =	sld [smem:$0x3FA2]  }
0x30: {  	s3 =	sld [smem:$0x3FA5]  }
0x31: {  	[smem:$0x3FAE] =	sst s10  }
0x32: {  	s10 =	sld [smem:$0x3FAC];
	_ =	sdelay $0x3  }
0x33: {  	p0 =	seq.s32 s10, $0x1;
	s10 =	sld [smem:$0x3FAE];
	_ =	sdelay $0x3  }
0x34: {  	[smem:$0x3FAE] =	sst s10  }
0x35: {  	s10 =	sld [smem:$0x3FAD];
	_ =	sdelay $0x3  }
0x36: {  	p1 =	seq.s32 s10, $0x1;
	s10 =	sld [smem:$0x3FAE];
	_ =	sdelay $0x3  }
0x37: {  	[smem:$0x3FAE] =	sst s10  }
0x38: {  	s10 =	sld [smem:$0x3FAF]  }
0x39: {  	_ = 	snop;
	(pc) =	sbr.ind lr, $3  }
0x3a: {  	_ = 	snop  }
0x3b: {  	_ = 	snop  }
0x3c: {  	p2 =	seq.s32 s10, $0x1;
	s10 =	sld [smem:$0x3FAE]  }
0x3d: {  	_ =	shalt  }
0x3e: {  	_ =	shalt  }
0x3f: {  	_ =	shalt  }
0x40: {  	_ =	shalt  }
0x41: {  	_ =	shalt  }
0x42: {  	_ =	shalt  }
0x43: {  	_ =	shalt  }
0x44: {  	_ =	shalt  }
0x45: {  	_ =	shalt  }
0x46: {  	_ =	shalt  }
0x47: {  	_ =	shalt  }
0x48: {  	_ =	shalt  }
0x49: {  	_ =	shalt  }
0x4a: {  	_ =	shalt  }
0x4b: {  	_ =	shalt  }
0x4c: {  	_ =	shalt  }
0x4d: {  	_ =	shalt  }
0x4e: {  	_ =	shalt  }
0x4f: {  	_ =	shalt  }
0x50: {  	_ =	shalt  }
0x51: {  	_ =	shalt  }
0x52: {  	_ =	shalt  }
0x53: {  	_ =	shalt  }
0x54: {  	_ =	shalt  }
0x55: {  	_ =	shalt  }
0x56: {  	_ =	shalt  }
0x57: {  	_ =	shalt  }
0x58: {  	_ =	shalt  }
0x59: {  	_ =	shalt  }
0x5a: {  	_ =	shalt  }
0x5b: {  	_ =	shalt  }
0x5c: {  	_ =	shalt  }
0x5d: {  	_ =	shalt  }
0x5e: {  	_ =	shalt  }
0x5f: {  	_ =	shalt  }
0x60: {  	_ =	shalt  }
0x61: {  	_ =	shalt  }
0x62: {  	_ =	shalt  }
0x63: {  	_ =	shalt  }
0x64: {  	_ =	shalt  }
0x65: {  	_ =	shalt  }
0x66: {  	_ =	shalt  }
0x67: {  	_ =	shalt  }
0x68: {  	_ =	shalt  }
0x69: {  	_ =	shalt  }
0x6a: {  	_ =	shalt  }
0x6b: {  	_ =	shalt  }
0x6c: {  	_ =	shalt  }
0x6d: {  	_ =	shalt  }
0x6e: {  	_ =	shalt  }
0x6f: {  	_ =	shalt  }
0x70: {  	_ =	shalt  }
0x71: {  	_ =	shalt  }
0x72: {  	_ =	shalt  }
0x73: {  	_ =	shalt  }
0x74: {  	_ =	shalt  }
0x75: {  	_ =	shalt  }
0x76: {  	_ =	shalt  }
0x77: {  	_ =	shalt  }
0x78: {  	_ =	shalt  }
0x79: {  	_ =	shalt  }
0x7a: {  	_ =	shalt  }
0x7b: {  	_ =	shalt  }
0x7c: {  	_ =	shalt  }
0x7d: {  	_ =	shalt  }
0x7e: {  	_ =	shalt  }
0x7f: {  	_ =	shalt  }
0x80: {  	_ =	shalt  }
0x81: {  	_ =	shalt  }
0x82: {  	_ =	shalt  }
0x83: {  	_ =	shalt  }
0x84: {  	_ =	shalt  }
0x85: {  	_ =	shalt  }
0x86: {  	_ =	shalt  }
0x87: {  	_ =	shalt  }
.Lfunc_end0:
.L_simem_size_0:
called_computation.1_lowered:
.L_overlay_start_0:
0x88: {  	s2 =	sld [smem:$0x3FD9]  }
0x89: {  	s3 =	sld [smem:$0x3FFE];
	_ =	sdelay $0x1  }
0x8a: {  	s1 =	srdreg.scid  }
0x8b: {  	s0 =	sand.u32 $0x1, s1  }
0x8c: {  	s17 =	sshll.u32 s0, $0xA;
	s2 =	sadd.s32 s3, s2  }
0x8d: {  	s2 =	sadd.s32 s2, s17  }
0x8e: {  	[smem:$0x3FBA] =	sst s2  }
0x8f: {  	_ = 	snop  }
0x90: {  	s2 =	sld [smem:$0x3FD0];
	(tm) =	ssettm $0x1  }
0x91: {  	s18 =	sld [smem:$0x3FFB];
	_ =	sdelay $0x3  }
0x92: {  	_ =	strace s18  }
0x93: {  	s3 =	sld [smem:$0x3FFC];
	_ =	sdelay $0x3  }
0x94: {  	_ =	strace s3  }
0x95: {  	s3 =	sld [smem:$0x3FFD];
	_ =	sdelay $0x3  }
0x96: {  	_ =	strace s3  }
0x97: {  	_ =	strace $0x8FFFFFFF  }
0x98: {  	s19 =	sld [smem:$0x3FDB];
	_ =	sdelay $0x1  }
0x99: {  	s4 =	simm.s32 $_scs_section_size  }
0x9a: {  	s5 =	simm.s32 $_size__tile_overlayer_lowered;
	s6 =	simm.s32 $_tile_overlayer_lowered  }
0x9b: {  	s22 =	simm.s32 $0x1BFF;
	s21 =	sshll.u32 s6, $0x1;
	s3 =	sadd.s32 s4, s19  }
0x9c: {  	s7 =	simm.s32 $0x0;
	s20 =	sshll.u32 s5, $0x1;
	s5 =	sadd.s32 s21, s3  }
0x9d: {  	[timem:s7], [sflag:s22] =	dma.local [hbm:s5], s20  }
0x9e: {  	_ =	swait.ge [sflag:s22], s20  }
0x9f: {  	s4 =	ssub.s32 $0x0, s20;
	[sflag:s22] =	ssyncset.done $0x0  }
0xa0: {  	[sflag:s22] =	ssyncadd.s32 s4;
	_ =	sdelay $0x1  }
0xa1: {  	s23 =	simm.s32 $0x1B8B  }
0xa2: {  	_ =	swait.ge [sflag:s23], $0x1  }
0xa3: {  	[sflag:s23] =	ssyncset.done $0x0  }
0xa4: {  	s25 =	simm.s32 $0x1B8E;
	s24 =	sld [smem:$0x3FFE];
	[sflag:s23] =	ssyncadd.s32 $0xFFFFFFFF  }
0xa5: {  	s26 =	simm.s32 $execute0_lowered;
	[smem:$0x3FD2] =	sst s25  }
0xa6: {  	s5 =	sshll.u32 s26, $0x1;
	_ =	strace $0x80000049;
	[dreg:$0x1] =	wrdreg $0xFFFFFFFF  }
0xa7: {  	s28 =	simm.s32 $_size_execute0_lowered;
	s3 =	sadd.s32 s3, s5;
	[dreg:$0x0] =	wrdreg $0x0  }
0xa8: {  	s5 =	sshll.u32 s28, $0x1;
	[dreg:$0x2] =	wrdreg s3  }
0xa9: {  	[dreg:$0x3] =	wrdreg s5  }
0xaa: {  	[dreg:$0x4] =	wrdreg $0xC0  }
0xab: {  	_ =	task [dreg:s7], $0x5FFFF  }
0xac: {  	[dreg:$0x1] =	wrdreg $0xFFFFFFFF  }
0xad: {  	[dreg:$0x0] =	wrdreg $0x60  }
0xae: {  	[dreg:$0x2] =	wrdreg s24  }
0xaf: {  	[dreg:$0x3] =	wrdreg s2  }
0xb0: {  	[dreg:$0x4] =	wrdreg $0x9F800  }
0xb1: {  	[dreg:$0x5] =	wrdreg $0x9  }
0xb2: {  	_ =	task.clear_ibuf [dreg:s7], $0x6FFFF;
	_ =	strace $0x90000049  }
0xb3: {  	s29 =	simm.s32 $0x9;
	_ =	strace $0x8000004B  }
0xb4: {  	_ =	swait.ge [sflag:s29], $0x1  }
0xb5: {  	[sflag:s29] =	ssyncadd.s32 $0xFFFFFFFF  }
0xb6: {  	_ =	strace $0x9000004B  }
0xb7: {  	_ =	sfence  }
0xb8: {  	s30 =	sld [smem:$0x0];
	_ =	sdelay $0x2  }
0xb9: {  	s31 =	sshll.u32 s1, $0xD;
	s1 =	sshrl.u32 s1, $0x2  }
0xba: {  	s3 =	sand.u32 $0x4000, s31;
	s1 =	sadd.s32 s1, s30  }
0xbb: {  	s0 =	sor.u32 s3, s0;
	s1 =	sshll.u32 s1, $0x11  }
0xbc: {  	s0 =	sor.u32 s1, s0  }
0xbd: {  	s0 =	sadd.s32 $0x8F2B, s0  }
0xbe: {  	[sflag:s0] =	ssyncadd.remote.s32 $0x1  }
0xbf: {  	_ =	sfence.sel $0xFFFF  }
0xc0: {  	[dreg:$0x0] =	wrdreg $0xFFFFFFFF;
	(pc) =	sbr.abs _section_cstart, $3  }
0xc1: {  	[dreg:$0x1] =	wrdreg $0xFFFFFFFF  }
0xc2: {  	_ =	task.clear_ibuf [dreg:s7], $0x2FFFF;
	_ =	strace $0x9FFFFFFF  }
0xc3: {  	(tm) =	ssettm $0x7FFFFFFF  }
tec
execute0_lowered:
.L_overlay_start_1:
0x0: {  	(tag) =	ssettag $0x1  }
0x1: {  	s0 =	rddreg [dreg:$0x0]  }
0x2: {  	s1 =	rddreg [dreg:$0x1]  }
0x3: {  	s2 =	rddreg [dreg:$0x2];
	s25 =	simm.s32 $0x0;
	s3 =	srdreg.scid  }
0x4: {  	s10 =	stileid.u32;
	[smem:$0x7FF] =	sst s25  }
0x5: {  	s3 =	sand.u32 $0x1, s3;
	s7 =	smul.u32 $0x2700, s10;
	s6 =	sadd.s32 $0x29E00, s0  }
0x6: {  	s11 =	sadd.s32 $0x52400, s0;
	s29 =	smul.u32 $0x4E000, s10;
	s30 =	sadd.s32 $0x51E00, s0  }
0x7: {  	s4 =	smul.u32 $0x27100, s3;
	_ =	strace $0x8000004A;
	[dreg:$0x4] =	wrdreg s11  }
0x8: {  	s5 =	sshll.u32 s3, $0x4;
	[dreg:$0x5] =	wrdreg s30;
	s3 =	ssub.s32 $0x2, s3  }
0x9: {  	s8 =	sor.u32 s10, s5;
	s5 =	sadd.s32 $0x1E00, s0;
	s31 =	sshrl.u32 s3, $0x1  }
0xa: {  	s9 =	smul.u32 $0x4E4, s8;
	s4 =	sadd.s32 s7, s4;
	s3 =	ssub.s32 s3, s31  }
0xb: {  	s10 =	smul.u32 $0x28, s8;
	s4 =	sadd.s32 s4, s0;
	s8 =	smax.u32 s3, $0x1  }
0xc: {  	s7 =	sshrl.u32 s29, $0x2;
	s4 =	sadd.s32 $0x52A00, s4;
	[dreg:$0x9] =	wrdreg s8  }
0xd: {  	s0 =	sadd.s32 s9, s0;
	s9 =	sadd.s32 s7, s2;
	[dreg:$0x7] =	wrdreg s4  }
0xe: {  	s0 =	sadd.s32 $0xA0C00, s0;
	[dreg:$0x6] =	wrdreg s9  }
0xf: {  	s11 =	sadd.s32 $0x1000, s9;
	[dreg:$0x8] =	wrdreg s0  }
0x10: {  	s12 =	sadd.s32 $0x2000, s9;
	[dreg:$0xa] =	wrdreg s11  }
0x11: {  	s13 =	sadd.s32 $0x3000, s9;
	[dreg:$0xb] =	wrdreg s12  }
0x12: {  	s14 =	sadd.s32 $0x4000, s9;
	[dreg:$0xc] =	wrdreg s13  }
0x13: {  	s15 =	sadd.s32 $0x5000, s9;
	[dreg:$0xd] =	wrdreg s14  }
0x14: {  	s16 =	sadd.s32 $0x6000, s9;
	[dreg:$0xe] =	wrdreg s15  }
0x15: {  	s17 =	sadd.s32 $0x7000, s9;
	[dreg:$0xf] =	wrdreg s16  }
0x16: {  	s18 =	sadd.s32 $0x8000, s9;
	[dreg:$0x10] =	wrdreg s17  }
0x17: {  	s19 =	sadd.s32 $0x9000, s9;
	[dreg:$0x11] =	wrdreg s18  }
0x18: {  	s20 =	sadd.s32 $0xA000, s9;
	[dreg:$0x12] =	wrdreg s19  }
0x19: {  	s21 =	sadd.s32 $0xB000, s9;
	[dreg:$0x13] =	wrdreg s20  }
0x1a: {  	s22 =	sadd.s32 $0xC000, s9;
	[dreg:$0x14] =	wrdreg s21  }
0x1b: {  	s23 =	sadd.s32 $0xD000, s9;
	[dreg:$0x15] =	wrdreg s22  }
0x1c: {  	s24 =	sadd.s32 $0xE000, s9;
	[dreg:$0x16] =	wrdreg s23  }
0x1d: {  	s26 =	sadd.s32 $0xF000, s9;
	[dreg:$0x17] =	wrdreg s24  }
0x1e: {  	s28 =	sadd.s32 $0x10000, s9;
	[dreg:$0x18] =	wrdreg s26  }
0x1f: {  	s29 =	sadd.s32 $0x11000, s9;
	[dreg:$0x19] =	wrdreg s28  }
0x20: {  	s30 =	sadd.s32 $0x12000, s9;
	[dreg:$0x1a] =	wrdreg s29  }
0x21: {  	s3 =	simm.s32 $0x0;
	s31 =	sadd.s32 $0x13000, s9;
	[dreg:$0x1b] =	wrdreg s30  }
0x22: {  	s7 =	simm.s32 $0x5;
	s8 =	simm.s32 $0x2780;
	[dreg:$0x1c] =	wrdreg s31  }
0x23: {  	s11 =	simm.s32 $0x5800;
	s12 =	simm.s32 $0x4F00;
	s13 =	simm.s32 $0x5300  }
0x24: {  	s14 =	simm.s32 $0x20;
	s15 =	simm.s32 $0x4F80;
	s16 =	simm.s32 $0x6800  }
0x25: {  	s17 =	simm.s32 $0x7800;
	s18 =	simm.s32 $0x1;
	s19 =	simm.s32 $0x5700  }
0x26: {  	s20 =	simm.s32 $0x2;
	s21 =	simm.s32 $0x5780;
	s22 =	simm.s32 $0x5380  }
0x27: {  	v0 =	vimm.f32 $0.0e+00;
	s23 =	simm.s32 $0x3;
	s24 =	simm.s32 $0x4;
	s26 =	simm.s32 $0x0  }
.LBB2_1:
0x28: {  	[dreg:$0x1d] =	wrdreg s3  }
0x29: {  	s0 =	rddreg [dreg:$0x4]  }
0x2a: {  	[tilespmem:s25], [sflag:$0x5] =	stream.linear.gather [hbm4b:s0+s25], $0x2780, $0x38;
	[tilespmem:$0x1D880] =	vst v63  }
0x2b: {  	_ =	swait.ge [sflag:s7], $0x2780  }
0x2c: {  	[sflag:s7] =	ssyncset.done $0x0  }
0x2d: {  	s31 =	rddreg [dreg:$0x5];
	[sflag:s7] =	ssyncadd.s32 $0xFFFFD880  }
0x2e: {  	[tilespmem:s8], [sflag:$0x5] =	stream.linear.gather [hbm4b:s31+s25], $0x2780, $0x38;
	[tilespmem:$0x1D880] =	vst v63  }
0x2f: {  	_ =	swait.ge [sflag:s7], $0x2780  }
0x30: {  	[sflag:s7] =	ssyncset.done $0x0  }
0x31: {  	s3 =	simm.s32 $0x200;
	s0 =	simm.s32 $0x0;
	[sflag:s7] =	ssyncadd.s32 $0xFFFFD880  }
.LBB2_2:
0x32: {  	p0 =	sne.s32 s3, $0x3E00;
	[tilespmem:s0+$0x5870] =	vst v0  }
0x33: {  	[tilespmem:s0+$0x5800] =	vst v0  }
0x34: {  	[tilespmem:s0+$0x5810] =	vst v0  }
.Ltmp0:
0x35: {  	[tilespmem:s0+$0x5820] =	vst v0;
	(pc) =	sbr.rel @p0 .LBB2_2-.Ltmp0, $4  }
0x36: {  	[tilespmem:s0+$0x5830] =	vst v0  }
0x37: {  	[tilespmem:s0+$0x5840] =	vst v0  }
0x38: {  	[tilespmem:s0+$0x5850] =	vst v0  }
0x39: {  	[tilespmem:s0+$0x5860] =	vst v0;
	s0 =	sshra.s32 s3, $0x2;
	s3 =	sadd.s32 $0x200, s3  }
0x3a: {  	[tilespmem:s0+$0x5870] =	vst v0  }
0x3b: {  	[tilespmem:s0+$0x5800] =	vst v0  }
0x3c: {  	[tilespmem:s0+$0x5810] =	vst v0  }
0x3d: {  	[tilespmem:s0+$0x5820] =	vst v0  }
0x3e: {  	[tilespmem:s0+$0x5830] =	vst v0  }
0x3f: {  	[tilespmem:s0+$0x5840] =	vst v0  }
0x40: {  	[tilespmem:s0+$0x5850] =	vst v0  }
0x41: {  	[tilespmem:s0+$0x5860] =	vst v0;
	s0 =	simm.s32 $0x40;
	s3 =	simm.s32 $0x0  }
.LBB2_4:
0x42: {  	p0 =	sne.s32 s0, $0x9C40;
	[tilespmem:s3+$0x7800] =	vst v0;
	s3 =	smov.u32 s0;
	s0 =	sadd.s32 $0x40, s0  }
.Ltmp1:
0x43: {  	(pc) =	sbr.rel @p0 .LBB2_4-.Ltmp1, $2  }
0x44: {  	_ =	sdelay $0x2  }
0x45: {  	s3 =	sshra.s32 s3, $0x2  }
0x46: {  	[tilespmem:s3+$0x7800] =	vst v0  }
0x47: {  	[spmem:s9] =	stream.linear.scatter [tilespmem:s11], [sflag:$0x5], $0x1000, $0x38;
	[tilespmem:$0x1D880] =	vst v63  }
0x48: {  	_ =	swait.ge [sflag:s7], $0x1000  }
0x49: {  	[sflag:s7] =	ssyncset.done $0x0  }
0x4a: {  	s0 =	rddreg [dreg:$0xa];
	[sflag:s7] =	ssyncadd.s32 $0xFFFFF000  }
0x4b: {  	[spmem:s0] =	stream.linear.scatter [tilespmem:s11], [sflag:$0x5], $0x1000, $0x38;
	[tilespmem:$0x1D880] =	vst v63  }
0x4c: {  	_ =	swait.ge [sflag:s7], $0x1000  }
0x4d: {  	[sflag:s7] =	ssyncset.done $0x0  }
0x4e: {  	s25 =	rddreg [dreg:$0xb];
	[sflag:s7] =	ssyncadd.s32 $0xFFFFF000  }
0x4f: {  	[spmem:s25] =	stream.linear.scatter [tilespmem:s11], [sflag:$0x5], $0x1000, $0x38;
	[tilespmem:$0x1D880] =	vst v63  }
0x50: {  	_ =	swait.ge [sflag:s7], $0x1000  }
0x51: {  	[sflag:s7] =	ssyncset.done $0x0  }
0x52: {  	s29 =	rddreg [dreg:$0xc];
	[sflag:s7] =	ssyncadd.s32 $0xFFFFF000  }
0x53: {  	[spmem:s29] =	stream.linear.scatter [tilespmem:s11], [sflag:$0x5], $0x1000, $0x38;
	[tilespmem:$0x1D880] =	vst v63  }
0x54: {  	_ =	swait.ge [sflag:s7], $0x1000  }
0x55: {  	[sflag:s7] =	ssyncset.done $0x0  }
0x56: {  	s30 =	rddreg [dreg:$0xd];
	[sflag:s7] =	ssyncadd.s32 $0xFFFFF000  }
0x57: {  	[spmem:s30] =	stream.linear.scatter [tilespmem:s11], [sflag:$0x5], $0x1000, $0x38;
	[tilespmem:$0x1D880] =	vst v63  }
0x58: {  	_ =	swait.ge [sflag:s7], $0x1000  }
0x59: {  	[sflag:s7] =	ssyncset.done $0x0  }
0x5a: {  	s31 =	rddreg [dreg:$0xe];
	[sflag:s7] =	ssyncadd.s32 $0xFFFFF000  }
0x5b: {  	[spmem:s31] =	stream.linear.scatter [tilespmem:s11], [sflag:$0x5], $0x1000, $0x38;
	[tilespmem:$0x1D880] =	vst v63  }
0x5c: {  	_ =	swait.ge [sflag:s7], $0x1000  }
0x5d: {  	[sflag:s7] =	ssyncset.done $0x0  }
0x5e: {  	s3 =	rddreg [dreg:$0xf];
	[sflag:s7] =	ssyncadd.s32 $0xFFFFF000  }
0x5f: {  	[spmem:s3] =	stream.linear.scatter [tilespmem:s11], [sflag:$0x5], $0x1000, $0x38;
	[tilespmem:$0x1D880] =	vst v63  }
0x60: {  	_ =	swait.ge [sflag:s7], $0x1000  }
0x61: {  	[sflag:s7] =	ssyncset.done $0x0  }
0x62: {  	s4 =	rddreg [dreg:$0x10];
	[sflag:s7] =	ssyncadd.s32 $0xFFFFF000  }
0x63: {  	[spmem:s4] =	stream.linear.scatter [tilespmem:s11], [sflag:$0x5], $0x1000, $0x38;
	[tilespmem:$0x1D880] =	vst v63  }
0x64: {  	_ =	swait.ge [sflag:s7], $0x1000  }
0x65: {  	[sflag:s7] =	ssyncset.done $0x0  }
0x66: {  	s9 =	rddreg [dreg:$0x11];
	[sflag:s7] =	ssyncadd.s32 $0xFFFFF000  }
0x67: {  	[spmem:s9] =	stream.linear.scatter [tilespmem:s11], [sflag:$0x5], $0x1000, $0x38;
	[tilespmem:$0x1D880] =	vst v63  }
0x68: {  	_ =	swait.ge [sflag:s7], $0x1000  }
0x69: {  	[sflag:s7] =	ssyncset.done $0x0  }
0x6a: {  	s25 =	rddreg [dreg:$0x12];
	[sflag:s7] =	ssyncadd.s32 $0xFFFFF000  }
0x6b: {  	[spmem:s25] =	stream.linear.scatter [tilespmem:s11], [sflag:$0x5], $0x1000, $0x38;
	[tilespmem:$0x1D880] =	vst v63  }
0x6c: {  	_ =	swait.ge [sflag:s7], $0x1000  }
0x6d: {  	[sflag:s7] =	ssyncset.done $0x0  }
0x6e: {  	s29 =	rddreg [dreg:$0x13];
	[sflag:s7] =	ssyncadd.s32 $0xFFFFF000  }
0x6f: {  	[spmem:s29] =	stream.linear.scatter [tilespmem:s11], [sflag:$0x5], $0x1000, $0x38;
	[tilespmem:$0x1D880] =	vst v63  }
0x70: {  	_ =	swait.ge [sflag:s7], $0x1000  }
0x71: {  	[sflag:s7] =	ssyncset.done $0x0  }
0x72: {  	s30 =	rddreg [dreg:$0x14];
	[sflag:s7] =	ssyncadd.s32 $0xFFFFF000  }
0x73: {  	[spmem:s30] =	stream.linear.scatter [tilespmem:s11], [sflag:$0x5], $0x1000, $0x38;
	[tilespmem:$0x1D880] =	vst v63  }
0x74: {  	_ =	swait.ge [sflag:s7], $0x1000  }
0x75: {  	[sflag:s7] =	ssyncset.done $0x0  }
0x76: {  	s31 =	rddreg [dreg:$0x15];
	[sflag:s7] =	ssyncadd.s32 $0xFFFFF000  }
0x77: {  	[spmem:s31] =	stream.linear.scatter [tilespmem:s11], [sflag:$0x5], $0x1000, $0x38;
	[tilespmem:$0x1D880] =	vst v63  }
0x78: {  	_ =	swait.ge [sflag:s7], $0x1000  }
0x79: {  	[sflag:s7] =	ssyncset.done $0x0  }
0x7a: {  	s3 =	rddreg [dreg:$0x16];
	[sflag:s7] =	ssyncadd.s32 $0xFFFFF000  }
0x7b: {  	[spmem:s3] =	stream.linear.scatter [tilespmem:s11], [sflag:$0x5], $0x1000, $0x38;
	[tilespmem:$0x1D880] =	vst v63  }
0x7c: {  	_ =	swait.ge [sflag:s7], $0x1000  }
0x7d: {  	[sflag:s7] =	ssyncset.done $0x0  }
0x7e: {  	s4 =	rddreg [dreg:$0x17];
	[sflag:s7] =	ssyncadd.s32 $0xFFFFF000  }
0x7f: {  	[spmem:s4] =	stream.linear.scatter [tilespmem:s11], [sflag:$0x5], $0x1000, $0x38;
	[tilespmem:$0x1D880] =	vst v63  }
0x80: {  	_ =	swait.ge [sflag:s7], $0x1000  }
0x81: {  	[sflag:s7] =	ssyncset.done $0x0  }
0x82: {  	s9 =	rddreg [dreg:$0x18];
	[sflag:s7] =	ssyncadd.s32 $0xFFFFF000  }
0x83: {  	[spmem:s9] =	stream.linear.scatter [tilespmem:s11], [sflag:$0x5], $0x1000, $0x38;
	[tilespmem:$0x1D880] =	vst v63  }
0x84: {  	_ =	swait.ge [sflag:s7], $0x1000  }
0x85: {  	[sflag:s7] =	ssyncset.done $0x0  }
0x86: {  	s25 =	rddreg [dreg:$0x19];
	[sflag:s7] =	ssyncadd.s32 $0xFFFFF000  }
0x87: {  	[spmem:s25] =	stream.linear.scatter [tilespmem:s11], [sflag:$0x5], $0x1000, $0x38;
	[tilespmem:$0x1D880] =	vst v63  }
0x88: {  	_ =	swait.ge [sflag:s7], $0x1000  }
0x89: {  	[sflag:s7] =	ssyncset.done $0x0  }
0x8a: {  	s29 =	rddreg [dreg:$0x1a];
	[sflag:s7] =	ssyncadd.s32 $0xFFFFF000  }
0x8b: {  	[spmem:s29] =	stream.linear.scatter [tilespmem:s11], [sflag:$0x5], $0x1000, $0x38;
	[tilespmem:$0x1D880] =	vst v63  }
0x8c: {  	_ =	swait.ge [sflag:s7], $0x1000  }
0x8d: {  	[sflag:s7] =	ssyncset.done $0x0  }
0x8e: {  	s30 =	rddreg [dreg:$0x1b];
	[sflag:s7] =	ssyncadd.s32 $0xFFFFF000  }
0x8f: {  	[spmem:s30] =	stream.linear.scatter [tilespmem:s11], [sflag:$0x5], $0x1000, $0x38;
	[tilespmem:$0x1D880] =	vst v63  }
0x90: {  	_ =	swait.ge [sflag:s7], $0x1000  }
0x91: {  	[sflag:s7] =	ssyncset.done $0x0  }
0x92: {  	s31 =	rddreg [dreg:$0x1c];
	[sflag:s7] =	ssyncadd.s32 $0xFFFFF000  }
0x93: {  	[spmem:s31] =	stream.linear.scatter [tilespmem:s11], [sflag:$0x5], $0x1000, $0x38;
	[tilespmem:$0x1D880] =	vst v63  }
0x94: {  	_ =	swait.ge [sflag:s7], $0x1000  }
0x95: {  	[sflag:s7] =	ssyncset.done $0x0  }
0x96: {  	[sflag:s7] =	ssyncadd.s32 $0xFFFFF000  }
0x97: {  	s28 =	simm.s32 $0x0;
	[bflag:$0x0] =	sbarrier.arrive $0xFFFF  }
.LBB2_6:
0x98: {  	s0 =	sadd.s32 s10, s28  }
0x99: {  	s0 =	sshll.u32 s0, $0x7  }
0x9a: {  	s3 =	sadd.s32 s5, s0  }
0x9b: {  	[tilespmem:s12], [sflag:$0x5] =	stream.linear.gather [hbm4b:s3+s26], $0x400, $0x38;
	[tilespmem:$0x1D880] =	vst v63  }
0x9c: {  	_ =	swait.ge [sflag:s7], $0x400  }
0x9d: {  	[sflag:s7] =	ssyncset.done $0x0  }
0x9e: {  	s0 =	sadd.s32 s6, s0;
	[sflag:s7] =	ssyncadd.s32 $0xFFFFFC00  }
0x9f: {  	[tilespmem:s13], [sflag:$0x5] =	stream.linear.gather [hbm4b:s0+s26], $0x400, $0x38;
	[tilespmem:$0x1D880] =	vst v63  }
0xa0: {  	_ =	swait.ge [sflag:s7], $0x400  }
0xa1: {  	[sflag:s7] =	ssyncset.done $0x0  }
0xa2: {  	[sflag:s7] =	ssyncadd.s32 $0xFFFFFC00  }
0xa3: {  	[tilespmem:s11], [sflag:$0x1] =	stream.indirect.gather [hbm4b:s1+s14], $0x80, s12, s14, $0xb8;
	[tilespmem:$0x1D880] =	vst v63  }
0xa4: {  	_ = 	snop  }
0xa5: {  	[tilespmem:s16], [sflag:$0x2] =	stream.indirect.gather [hbm4b:s1+s14], $0x80, s15, s14, $0xb8;
	[tilespmem:$0x1D880] =	vst v63  }
0xa6: {  	v1 =	vld [tilespmem:$0x4F00]  }
0xa7: {  	v2 =	vld [tilespmem:$0x5300];
	_ =	sdelay $0x6  }
0xa8: {  	v1 =	vld.idx.msk [tilespmem:v1+s26+$0x0], $0xffff  }
0xa9: {  	v3 =	vld.idx.msk [tilespmem:v2+s8+$0x0], $0xffff;
	_ =	sdelay $0x4  }
0xaa: {  	v1 =	vadd.f32 v3, v1;
	_ =	sdelay $0x1  }
0xab: {  	v3 =	vmul.f32 $2.000000030e-01, v1  }
0xac: {  	vm0 =	vgt.f32 v1, $0.0e+00  }
0xad: {  	v1 =	vsel vm0, v1, v3  }
0xae: {  	v1 =	vmul.f32 $1.442695020e+00, v1;
	_ =	sdelay $0x1  }
0xaf: {  	(erf) = vpow2.f32 v1;
	_ =	sdelay $0x8  }
0xb0: {  	v1 =	vpop (erf)  }
0xb1: {  	[tilespmem:$0x5700] =	vst v1  }
0xb2: {  	[tilespmem:v2+s17+$0x0] =	vst.idx.add.f32.msk $0xffff, v1  }
0xb3: {  	v1 =	vld [tilespmem:$0x4F10]  }
0xb4: {  	v2 =	vld [tilespmem:$0x5310];
	_ =	sdelay $0x6  }
0xb5: {  	v1 =	vld.idx.msk [tilespmem:v1+s26+$0x0], $0xffff  }
0xb6: {  	v3 =	vld.idx.msk [tilespmem:v2+s8+$0x0], $0xffff;
	_ =	sdelay $0x4  }
0xb7: {  	v1 =	vadd.f32 v3, v1;
	_ =	sdelay $0x1  }
0xb8: {  	v3 =	vmul.f32 $2.000000030e-01, v1  }
0xb9: {  	vm15 =	vgt.f32 v1, $0.0e+00  }
0xba: {  	v1 =	vsel vm15, v1, v3  }
0xbb: {  	v1 =	vmul.f32 $1.442695020e+00, v1;
	_ =	sdelay $0x1  }
0xbc: {  	(erf) = vpow2.f32 v1;
	_ =	sdelay $0x8  }
0xbd: {  	v1 =	vpop (erf)  }
0xbe: {  	[tilespmem:$0x5710] =	vst v1  }
0xbf: {  	[tilespmem:v2+s17+$0x0] =	vst.idx.add.f32.msk $0xffff, v1  }
0xc0: {  	_ =	swait.ge [sflag:s18], $0x1000  }
0xc1: {  	v1 =	vmov s26;
	[sflag:s18] =	ssyncset.done $0x0  }
0xc2: {  	s0 =	simm.s32 $0x5840;
	[sflag:s18] =	ssyncadd.s32 $0xFFFFF000  }
0xc3: {  	v5 =	vld [tilespmem:s0+$0x30]  }
0xc4: {  	v8 =	vld [tilespmem:s0+$0x10]  }
0xc5: {  	v6 =	vld [tilespmem:s0+$0xFFFFFFC0]  }
0xc6: {  	v2 =	vld.idx.msk [tilespmem:v1+s19+$0x0], $0xffff  }
0xc7: {  	v10 =	vld [tilespmem:s0+$0xFFFFFFE0]  }
0xc8: {  	v3 =	vld [tilespmem:s0+$0x20]  }
0xc9: {  	v4 =	vld [tilespmem:s0+$0xFFFFFFD0]  }
0xca: {  	v1 =	vld [tilespmem:s0+$0xFFFFFFF0]  }
0xcb: {  	v9 =	vmul.f32 v5, v2;
	v5 =	vld [tilespmem:s0+$0x0]  }
0xcc: {  	v7 =	vmul.f32 v6, v2  }
0xcd: {  	s4 =	simm.s32 $0x5840;
	s3 =	simm.s32 $0x1;
	v6 =	vmul.f32 v10, v2;
	v8 =	vmul.f32 v8, v2  }
.LBB2_7:
0xce: {  	p0 =	sne.s32 s3, $0x1F  }
0xcf: {  	v4 =	vmul.f32 v4, v2;
	v3 =	vmul.f32 v3, v2;
	[tilespmem:s0+$0x30] =	vst v9;
	s4 =	sadd.s32 $0x80, s4;
	s9 =	smov.u32 s3;
	s3 =	sadd.s32 $0x1, s3  }
0xd0: {  	[tilespmem:s0+$0xFFFFFFC0] =	vst v7;
	v7 =	vmul.f32 v1, v2;
	v2 =	vmul.f32 v5, v2  }
0xd1: {  	[tilespmem:s0+$0x10] =	vst v8  }
0xd2: {  	v5 =	vmov s9;
	[tilespmem:s0+$0xFFFFFFE0] =	vst v6  }
0xd3: {  	v1 =	vld [tilespmem:s4+$0xFFFFFFF0];
	[tilespmem:s0+$0xFFFFFFF0] =	vst v7  }
0xd4: {  	v6 =	vld [tilespmem:s4+$0x30];
	[tilespmem:s0+$0x0] =	vst v2  }
0xd5: {  	v8 =	vld [tilespmem:s4+$0x10];
	[tilespmem:s0+$0x20] =	vst v3  }
0xd6: {  	v7 =	vld [tilespmem:s4+$0xFFFFFFC0];
	[tilespmem:s0+$0xFFFFFFD0] =	vst v4;
	s0 =	smov.u32 s4  }
0xd7: {  	v2 =	vld.idx.msk [tilespmem:v5+s19+$0x0], $0xffff  }
0xd8: {  	v10 =	vld [tilespmem:s4+$0xFFFFFFE0]  }
0xd9: {  	v3 =	vld [tilespmem:s4+$0x20]  }
.Ltmp2:
0xda: {  	v4 =	vld [tilespmem:s4+$0xFFFFFFD0];
	(pc) =	sbr.rel @p0 .LBB2_7-.Ltmp2, $3  }
0xdb: {  	v5 =	vld [tilespmem:s4+$0x0];
	_ =	sdelay $0x1  }
0xdc: {  	v7 =	vmul.f32 v7, v2;
	v9 =	vmul.f32 v6, v2  }
0xdd: {  	v8 =	vmul.f32 v8, v2;
	v6 =	vmul.f32 v10, v2  }
0xde: {  	[tilespmem:s0+$0x30] =	vst v9  }
0xdf: {  	[tilespmem:s0+$0xFFFFFFC0] =	vst v7  }
0xe0: {  	v1 =	vmul.f32 v1, v2;
	[tilespmem:s0+$0x10] =	vst v8  }
0xe1: {  	v3 =	vmul.f32 v3, v2;
	[tilespmem:s0+$0xFFFFFFE0] =	vst v6  }
0xe2: {  	v5 =	vmul.f32 v5, v2;
	[tilespmem:s0+$0xFFFFFFF0] =	vst v1  }
0xe3: {  	v1 =	vmul.f32 v4, v2;
	[tilespmem:s0+$0x20] =	vst v3  }
0xe4: {  	[tilespmem:s0+$0x0] =	vst v5  }
0xe5: {  	[tilespmem:s0+$0xFFFFFFD0] =	vst v1  }
0xe6: {  	[spmem:s2] =	stream.indirect.scatter.add.f32 [tilespmem:s11], [sflag:$0x3], $0x80, s13, s14, $0xb8;
	[tilespmem:$0x1D880] =	vst v63  }
0xe7: {  	v1 =	vld [tilespmem:$0x4F80]  }
0xe8: {  	v2 =	vld [tilespmem:$0x5380];
	_ =	sdelay $0x5  }
0xe9: {  	s31 =	simm.s32 $0x0  }
0xea: {  	v1 =	vld.idx.msk [tilespmem:v1+s31+$0x0], $0xffff  }
0xeb: {  	v3 =	vld.idx.msk [tilespmem:v2+s8+$0x0], $0xffff;
	_ =	sdelay $0x4  }
0xec: {  	v1 =	vadd.f32 v3, v1;
	_ =	sdelay $0x1  }
0xed: {  	v3 =	vmul.f32 $2.000000030e-01, v1  }
0xee: {  	vm0 =	vgt.f32 v1, $0.0e+00  }
0xef: {  	v1 =	vsel vm0, v1, v3  }
0xf0: {  	v1 =	vmul.f32 $1.442695020e+00, v1;
	_ =	sdelay $0x1  }
0xf1: {  	(erf) = vpow2.f32 v1;
	_ =	sdelay $0x8  }
0xf2: {  	v1 =	vpop (erf)  }
0xf3: {  	[tilespmem:$0x5780] =	vst v1  }
0xf4: {  	[tilespmem:v2+s17+$0x0] =	vst.idx.add.f32.msk $0xffff, v1  }
0xf5: {  	v1 =	vld [tilespmem:$0x4F90]  }
0xf6: {  	v2 =	vld [tilespmem:$0x5390];
	_ =	sdelay $0x6  }
0xf7: {  	v1 =	vld.idx.msk [tilespmem:v1+s31+$0x0], $0xffff  }
0xf8: {  	v3 =	vld.idx.msk [tilespmem:v2+s8+$0x0], $0xffff;
	_ =	sdelay $0x4  }
0xf9: {  	v1 =	vadd.f32 v3, v1;
	_ =	sdelay $0x1  }
0xfa: {  	v3 =	vmul.f32 $2.000000030e-01, v1  }
0xfb: {  	vm15 =	vgt.f32 v1, $0.0e+00  }
0xfc: {  	v1 =	vsel vm15, v1, v3  }
0xfd: {  	v1 =	vmul.f32 $1.442695020e+00, v1;
	_ =	sdelay $0x1  }
0xfe: {  	(erf) = vpow2.f32 v1;
	_ =	sdelay $0x8  }
0xff: {  	v1 =	vpop (erf)  }
0x100: {  	[tilespmem:$0x5790] =	vst v1  }
0x101: {  	[tilespmem:v2+s17+$0x0] =	vst.idx.add.f32.msk $0xffff, v1  }
0x102: {  	_ =	swait.ge [sflag:s20], $0x1000  }
0x103: {  	v1 =	vmov s31;
	[sflag:s20] =	ssyncset.done $0x0  }
0x104: {  	s0 =	simm.s32 $0x6840;
	[sflag:s20] =	ssyncadd.s32 $0xFFFFF000  }
0x105: {  	v5 =	vld [tilespmem:s0+$0x30]  }
0x106: {  	v8 =	vld [tilespmem:s0+$0x10]  }
0x107: {  	v6 =	vld [tilespmem:s0+$0xFFFFFFC0]  }
0x108: {  	v2 =	vld.idx.msk [tilespmem:v1+s21+$0x0], $0xffff  }
0x109: {  	v10 =	vld [tilespmem:s0+$0xFFFFFFE0]  }
0x10a: {  	v3 =	vld [tilespmem:s0+$0x20]  }
0x10b: {  	v4 =	vld [tilespmem:s0+$0xFFFFFFD0]  }
0x10c: {  	v1 =	vld [tilespmem:s0+$0xFFFFFFF0]  }
0x10d: {  	v9 =	vmul.f32 v5, v2;
	v5 =	vld [tilespmem:s0+$0x0]  }
0x10e: {  	v7 =	vmul.f32 v6, v2  }
0x10f: {  	s3 =	simm.s32 $0x1;
	s4 =	simm.s32 $0x6840;
	v6 =	vmul.f32 v10, v2;
	v8 =	vmul.f32 v8, v2  }
.LBB2_9:
0x110: {  	p0 =	sne.s32 s3, $0x1F  }
0x111: {  	v4 =	vmul.f32 v4, v2;
	v3 =	vmul.f32 v3, v2;
	[tilespmem:s0+$0x30] =	vst v9;
	s4 =	sadd.s32 $0x80, s4;
	s9 =	smov.u32 s3;
	s3 =	sadd.s32 $0x1, s3  }
0x112: {  	[tilespmem:s0+$0xFFFFFFC0] =	vst v7;
	v7 =	vmul.f32 v1, v2;
	v2 =	vmul.f32 v5, v2  }
0x113: {  	[tilespmem:s0+$0x10] =	vst v8  }
0x114: {  	v5 =	vmov s9;
	[tilespmem:s0+$0xFFFFFFE0] =	vst v6  }
0x115: {  	v1 =	vld [tilespmem:s4+$0xFFFFFFF0];
	[tilespmem:s0+$0xFFFFFFF0] =	vst v7  }
0x116: {  	v6 =	vld [tilespmem:s4+$0x30];
	[tilespmem:s0+$0x0] =	vst v2  }
0x117: {  	v8 =	vld [tilespmem:s4+$0x10];
	[tilespmem:s0+$0x20] =	vst v3  }
0x118: {  	v7 =	vld [tilespmem:s4+$0xFFFFFFC0];
	[tilespmem:s0+$0xFFFFFFD0] =	vst v4;
	s0 =	smov.u32 s4  }
0x119: {  	v2 =	vld.idx.msk [tilespmem:v5+s21+$0x0], $0xffff  }
0x11a: {  	v10 =	vld [tilespmem:s4+$0xFFFFFFE0]  }
0x11b: {  	v3 =	vld [tilespmem:s4+$0x20]  }
.Ltmp3:
0x11c: {  	v4 =	vld [tilespmem:s4+$0xFFFFFFD0];
	(pc) =	sbr.rel @p0 .LBB2_9-.Ltmp3, $3  }
0x11d: {  	v5 =	vld [tilespmem:s4+$0x0];
	_ =	sdelay $0x1  }
0x11e: {  	v7 =	vmul.f32 v7, v2;
	v9 =	vmul.f32 v6, v2  }
0x11f: {  	v8 =	vmul.f32 v8, v2;
	v6 =	vmul.f32 v10, v2  }
0x120: {  	[tilespmem:s0+$0x30] =	vst v9  }
0x121: {  	[tilespmem:s0+$0xFFFFFFC0] =	vst v7  }
0x122: {  	v1 =	vmul.f32 v1, v2;
	[tilespmem:s0+$0x10] =	vst v8  }
0x123: {  	v3 =	vmul.f32 v3, v2;
	[tilespmem:s0+$0xFFFFFFE0] =	vst v6  }
0x124: {  	v5 =	vmul.f32 v5, v2;
	[tilespmem:s0+$0xFFFFFFF0] =	vst v1  }
0x125: {  	v1 =	vmul.f32 v4, v2;
	[tilespmem:s0+$0x20] =	vst v3  }
0x126: {  	[tilespmem:s0+$0x0] =	vst v5  }
0x127: {  	s29 =	simm.s32 $0x1;
	[tilespmem:s0+$0xFFFFFFD0] =	vst v1  }
0x128: {  	[spmem:s2] =	stream.indirect.scatter.add.f32 [tilespmem:s16], [sflag:$0x4], $0x80, s22, s14, $0xb8;
	[tilespmem:$0x1D880] =	vst v63  }
.LBB2_11:
0x129: {  	_ =	swait.ge [sflag:s23], $0x1000  }
0x12a: {  	[sflag:s23] =	ssyncset.done $0x0  }
0x12b: {  	[sflag:s23] =	ssyncadd.s32 $0xFFFFF000  }
0x12c: {  	_ =	swait.ge [sflag:s24], $0x1000  }
0x12d: {  	s30 =	sshll.u32 s29, $0x8;
	[sflag:s24] =	ssyncset.done $0x0  }
0x12e: {  	s0 =	sadd.s32 $0x4F00, s30;
	[sflag:s24] =	ssyncadd.s32 $0xFFFFF000  }
0x12f: {  	[tilespmem:s11], [sflag:$0x1] =	stream.indirect.gather [hbm4b:s1+s14], $0x80, s0, s14, $0xb8;
	[tilespmem:$0x1D880] =	vst v63  }
0x130: {  	s9 =	sadd.s32 $0x4F80, s30  }
0x131: {  	[tilespmem:s16], [sflag:$0x2] =	stream.indirect.gather [hbm4b:s1+s14], $0x80, s9, s14, $0xb8;
	[tilespmem:$0x1D880] =	vst v63  }
0x132: {  	v1 =	vld [tilespmem:s30+$0x4F00]  }
0x133: {  	v2 =	vld [tilespmem:s30+$0x5300];
	_ =	sdelay $0x5  }
0x134: {  	s25 =	simm.s32 $0x0  }
0x135: {  	v1 =	vld.idx.msk [tilespmem:v1+s25+$0x0], $0xffff  }
0x136: {  	v3 =	vld.idx.msk [tilespmem:v2+s8+$0x0], $0xffff;
	_ =	sdelay $0x4  }
0x137: {  	v1 =	vadd.f32 v3, v1;
	_ =	sdelay $0x1  }
0x138: {  	v3 =	vmul.f32 $2.000000030e-01, v1  }
0x139: {  	vm0 =	vgt.f32 v1, $0.0e+00  }
0x13a: {  	v1 =	vsel vm0, v1, v3  }
0x13b: {  	v1 =	vmul.f32 $1.442695020e+00, v1;
	_ =	sdelay $0x1  }
0x13c: {  	(erf) = vpow2.f32 v1;
	_ =	sdelay $0x8  }
0x13d: {  	v1 =	vpop (erf)  }
0x13e: {  	[tilespmem:$0x5700] =	vst v1  }
0x13f: {  	[tilespmem:v2+s17+$0x0] =	vst.idx.add.f32.msk $0xffff, v1  }
0x140: {  	v1 =	vld [tilespmem:s30+$0x4F10]  }
0x141: {  	v2 =	vld [tilespmem:s30+$0x5310];
	_ =	sdelay $0x6  }
0x142: {  	v1 =	vld.idx.msk [tilespmem:v1+s25+$0x0], $0xffff  }
0x143: {  	v3 =	vld.idx.msk [tilespmem:v2+s8+$0x0], $0xffff;
	_ =	sdelay $0x4  }
0x144: {  	v1 =	vadd.f32 v3, v1;
	_ =	sdelay $0x1  }
0x145: {  	v3 =	vmul.f32 $2.000000030e-01, v1  }
0x146: {  	vm15 =	vgt.f32 v1, $0.0e+00  }
0x147: {  	v1 =	vsel vm15, v1, v3  }
0x148: {  	v1 =	vmul.f32 $1.442695020e+00, v1;
	_ =	sdelay $0x1  }
0x149: {  	(erf) = vpow2.f32 v1;
	_ =	sdelay $0x8  }
0x14a: {  	v1 =	vpop (erf)  }
0x14b: {  	[tilespmem:$0x5710] =	vst v1  }
0x14c: {  	[tilespmem:v2+s17+$0x0] =	vst.idx.add.f32.msk $0xffff, v1  }
0x14d: {  	_ =	swait.ge [sflag:s18], $0x1000  }
0x14e: {  	v1 =	vmov s25;
	[sflag:s18] =	ssyncset.done $0x0  }
0x14f: {  	s0 =	simm.s32 $0x5840;
	[sflag:s18] =	ssyncadd.s32 $0xFFFFF000  }
0x150: {  	v5 =	vld [tilespmem:s0+$0x30]  }
0x151: {  	v8 =	vld [tilespmem:s0+$0x10]  }
0x152: {  	v6 =	vld [tilespmem:s0+$0xFFFFFFC0]  }
0x153: {  	v2 =	vld.idx.msk [tilespmem:v1+s19+$0x0], $0xffff  }
0x154: {  	v10 =	vld [tilespmem:s0+$0xFFFFFFE0]  }
0x155: {  	v3 =	vld [tilespmem:s0+$0x20]  }
0x156: {  	v4 =	vld [tilespmem:s0+$0xFFFFFFD0]  }
0x157: {  	v1 =	vld [tilespmem:s0+$0xFFFFFFF0]  }
0x158: {  	v9 =	vmul.f32 v5, v2;
	v5 =	vld [tilespmem:s0+$0x0]  }
0x159: {  	s4 =	simm.s32 $0x1;
	v7 =	vmul.f32 v6, v2  }
0x15a: {  	s31 =	sor.u32 $0x80, s30;
	s3 =	sadd.s32 $0x5300, s30;
	s9 =	simm.s32 $0x5840;
	v6 =	vmul.f32 v10, v2;
	v8 =	vmul.f32 v8, v2  }
.LBB2_12:
0x15b: {  	p0 =	sne.s32 s4, $0x1F  }
0x15c: {  	v4 =	vmul.f32 v4, v2;
	v3 =	vmul.f32 v3, v2;
	[tilespmem:s0+$0x30] =	vst v9;
	s9 =	sadd.s32 $0x80, s9;
	s25 =	smov.u32 s4;
	s4 =	sadd.s32 $0x1, s4  }
0x15d: {  	[tilespmem:s0+$0xFFFFFFC0] =	vst v7;
	v7 =	vmul.f32 v1, v2;
	v2 =	vmul.f32 v5, v2  }
0x15e: {  	[tilespmem:s0+$0x10] =	vst v8  }
0x15f: {  	v5 =	vmov s25;
	[tilespmem:s0+$0xFFFFFFE0] =	vst v6  }
0x160: {  	v1 =	vld [tilespmem:s9+$0xFFFFFFF0];
	[tilespmem:s0+$0xFFFFFFF0] =	vst v7  }
0x161: {  	v6 =	vld [tilespmem:s9+$0x30];
	[tilespmem:s0+$0x0] =	vst v2  }
0x162: {  	v8 =	vld [tilespmem:s9+$0x10];
	[tilespmem:s0+$0x20] =	vst v3  }
0x163: {  	v7 =	vld [tilespmem:s9+$0xFFFFFFC0];
	[tilespmem:s0+$0xFFFFFFD0] =	vst v4;
	s0 =	smov.u32 s9  }
0x164: {  	v2 =	vld.idx.msk [tilespmem:v5+s19+$0x0], $0xffff  }
0x165: {  	v10 =	vld [tilespmem:s9+$0xFFFFFFE0]  }
0x166: {  	v3 =	vld [tilespmem:s9+$0x20]  }
.Ltmp4:
0x167: {  	v4 =	vld [tilespmem:s9+$0xFFFFFFD0];
	(pc) =	sbr.rel @p0 .LBB2_12-.Ltmp4, $3  }
0x168: {  	v5 =	vld [tilespmem:s9+$0x0];
	_ =	sdelay $0x1  }
0x169: {  	v7 =	vmul.f32 v7, v2;
	v9 =	vmul.f32 v6, v2  }
0x16a: {  	v8 =	vmul.f32 v8, v2;
	v6 =	vmul.f32 v10, v2  }
0x16b: {  	[tilespmem:s0+$0x30] =	vst v9  }
0x16c: {  	[tilespmem:s0+$0xFFFFFFC0] =	vst v7  }
0x16d: {  	v1 =	vmul.f32 v1, v2;
	[tilespmem:s0+$0x10] =	vst v8  }
0x16e: {  	v3 =	vmul.f32 v3, v2;
	[tilespmem:s0+$0xFFFFFFE0] =	vst v6  }
0x16f: {  	v5 =	vmul.f32 v5, v2;
	[tilespmem:s0+$0xFFFFFFF0] =	vst v1  }
0x170: {  	v1 =	vmul.f32 v4, v2;
	[tilespmem:s0+$0x20] =	vst v3  }
0x171: {  	[tilespmem:s0+$0x0] =	vst v5  }
0x172: {  	[tilespmem:s0+$0xFFFFFFD0] =	vst v1  }
0x173: {  	[spmem:s2] =	stream.indirect.scatter.add.f32 [tilespmem:s11], [sflag:$0x3], $0x80, s3, s14, $0xb8;
	[tilespmem:$0x1D880] =	vst v63  }
0x174: {  	v1 =	vld [tilespmem:s31+$0x4F00]  }
0x175: {  	v2 =	vld [tilespmem:s31+$0x5300];
	_ =	sdelay $0x5  }
0x176: {  	s25 =	simm.s32 $0x0  }
0x177: {  	v1 =	vld.idx.msk [tilespmem:v1+s25+$0x0], $0xffff  }
0x178: {  	v3 =	vld.idx.msk [tilespmem:v2+s8+$0x0], $0xffff;
	_ =	sdelay $0x4  }
0x179: {  	v1 =	vadd.f32 v3, v1;
	_ =	sdelay $0x1  }
0x17a: {  	v3 =	vmul.f32 $2.000000030e-01, v1  }
0x17b: {  	vm0 =	vgt.f32 v1, $0.0e+00  }
0x17c: {  	v1 =	vsel vm0, v1, v3  }
0x17d: {  	v1 =	vmul.f32 $1.442695020e+00, v1;
	_ =	sdelay $0x1  }
0x17e: {  	(erf) = vpow2.f32 v1;
	_ =	sdelay $0x8  }
0x17f: {  	v1 =	vpop (erf)  }
0x180: {  	[tilespmem:$0x5780] =	vst v1  }
0x181: {  	[tilespmem:v2+s17+$0x0] =	vst.idx.add.f32.msk $0xffff, v1  }
0x182: {  	v1 =	vld [tilespmem:s30+$0x4F90]  }
0x183: {  	v2 =	vld [tilespmem:s30+$0x5390];
	_ =	sdelay $0x6  }
0x184: {  	v1 =	vld.idx.msk [tilespmem:v1+s25+$0x0], $0xffff  }
0x185: {  	v3 =	vld.idx.msk [tilespmem:v2+s8+$0x0], $0xffff;
	_ =	sdelay $0x4  }
0x186: {  	v1 =	vadd.f32 v3, v1;
	_ =	sdelay $0x1  }
0x187: {  	v3 =	vmul.f32 $2.000000030e-01, v1  }
0x188: {  	vm15 =	vgt.f32 v1, $0.0e+00  }
0x189: {  	v1 =	vsel vm15, v1, v3  }
0x18a: {  	v1 =	vmul.f32 $1.442695020e+00, v1;
	_ =	sdelay $0x1  }
0x18b: {  	(erf) = vpow2.f32 v1;
	_ =	sdelay $0x8  }
0x18c: {  	v1 =	vpop (erf)  }
0x18d: {  	[tilespmem:$0x5790] =	vst v1  }
0x18e: {  	[tilespmem:v2+s17+$0x0] =	vst.idx.add.f32.msk $0xffff, v1  }
0x18f: {  	_ =	swait.ge [sflag:s20], $0x1000  }
0x190: {  	v1 =	vmov s25;
	[sflag:s20] =	ssyncset.done $0x0  }
0x191: {  	s0 =	simm.s32 $0x6840;
	[sflag:s20] =	ssyncadd.s32 $0xFFFFF000  }
0x192: {  	v5 =	vld [tilespmem:s0+$0x30]  }
0x193: {  	v8 =	vld [tilespmem:s0+$0x10]  }
0x194: {  	v6 =	vld [tilespmem:s0+$0xFFFFFFC0]  }
0x195: {  	v2 =	vld.idx.msk [tilespmem:v1+s21+$0x0], $0xffff  }
0x196: {  	v10 =	vld [tilespmem:s0+$0xFFFFFFE0]  }
0x197: {  	v3 =	vld [tilespmem:s0+$0x20]  }
0x198: {  	v4 =	vld [tilespmem:s0+$0xFFFFFFD0]  }
0x199: {  	v1 =	vld [tilespmem:s0+$0xFFFFFFF0]  }
0x19a: {  	v9 =	vmul.f32 v5, v2;
	v5 =	vld [tilespmem:s0+$0x0]  }
0x19b: {  	v7 =	vmul.f32 v6, v2  }
0x19c: {  	s4 =	simm.s32 $0x1;
	s9 =	simm.s32 $0x6840;
	s3 =	sadd.s32 $0x5300, s31;
	v6 =	vmul.f32 v10, v2;
	v8 =	vmul.f32 v8, v2  }
.LBB2_14:
0x19d: {  	p0 =	sne.s32 s4, $0x1F  }
0x19e: {  	v4 =	vmul.f32 v4, v2;
	v3 =	vmul.f32 v3, v2;
	[tilespmem:s0+$0x30] =	vst v9;
	s9 =	sadd.s32 $0x80, s9;
	s25 =	smov.u32 s4;
	s4 =	sadd.s32 $0x1, s4  }
0x19f: {  	[tilespmem:s0+$0xFFFFFFC0] =	vst v7;
	v7 =	vmul.f32 v1, v2;
	v2 =	vmul.f32 v5, v2  }
0x1a0: {  	[tilespmem:s0+$0x10] =	vst v8  }
0x1a1: {  	v5 =	vmov s25;
	[tilespmem:s0+$0xFFFFFFE0] =	vst v6  }
0x1a2: {  	v1 =	vld [tilespmem:s9+$0xFFFFFFF0];
	[tilespmem:s0+$0xFFFFFFF0] =	vst v7  }
0x1a3: {  	v6 =	vld [tilespmem:s9+$0x30];
	[tilespmem:s0+$0x0] =	vst v2  }
0x1a4: {  	v8 =	vld [tilespmem:s9+$0x10];
	[tilespmem:s0+$0x20] =	vst v3  }
0x1a5: {  	v7 =	vld [tilespmem:s9+$0xFFFFFFC0];
	[tilespmem:s0+$0xFFFFFFD0] =	vst v4;
	s0 =	smov.u32 s9  }
0x1a6: {  	v2 =	vld.idx.msk [tilespmem:v5+s21+$0x0], $0xffff  }
0x1a7: {  	v10 =	vld [tilespmem:s9+$0xFFFFFFE0]  }
0x1a8: {  	v3 =	vld [tilespmem:s9+$0x20]  }
.Ltmp5:
0x1a9: {  	v4 =	vld [tilespmem:s9+$0xFFFFFFD0];
	(pc) =	sbr.rel @p0 .LBB2_14-.Ltmp5, $3  }
0x1aa: {  	v5 =	vld [tilespmem:s9+$0x0];
	_ =	sdelay $0x1  }
0x1ab: {  	v7 =	vmul.f32 v7, v2;
	v9 =	vmul.f32 v6, v2  }
0x1ac: {  	v8 =	vmul.f32 v8, v2;
	v6 =	vmul.f32 v10, v2  }
0x1ad: {  	[tilespmem:s0+$0x30] =	vst v9  }
0x1ae: {  	[tilespmem:s0+$0xFFFFFFC0] =	vst v7  }
0x1af: {  	v1 =	vmul.f32 v1, v2;
	s29 =	sadd.s32 $0x1, s29;
	[tilespmem:s0+$0x10] =	vst v8  }
0x1b0: {  	v3 =	vmul.f32 v3, v2;
	[tilespmem:s0+$0xFFFFFFE0] =	vst v6;
	p0 =	sne.s32 s29, $0x4  }
.Ltmp6:
0x1b1: {  	v5 =	vmul.f32 v5, v2;
	[tilespmem:s0+$0xFFFFFFF0] =	vst v1;
	(pc) =	sbr.rel @p0 .LBB2_11-.Ltmp6, $4  }
0x1b2: {  	v1 =	vmul.f32 v4, v2;
	[tilespmem:s0+$0x20] =	vst v3  }
0x1b3: {  	[tilespmem:s0+$0x0] =	vst v5  }
0x1b4: {  	[tilespmem:s0+$0xFFFFFFD0] =	vst v1  }
0x1b5: {  	[spmem:s2] =	stream.indirect.scatter.add.f32 [tilespmem:s16], [sflag:$0x4], $0x80, s3, s14, $0xb8;
	[tilespmem:$0x1D880] =	vst v63  }
0x1b6: {  	s28 =	sadd.s32 $0x1, s28  }
0x1b7: {  	_ =	swait.ge [sflag:s23], $0x1000;
	p0 =	sne.s32 s28, $0x28  }
.Ltmp7:
0x1b8: {  	[sflag:s23] =	ssyncset.done $0x0;
	(pc) =	sbr.rel @p0 .LBB2_6-.Ltmp7, $4  }
0x1b9: {  	[sflag:s23] =	ssyncadd.s32 $0xFFFFF000  }
0x1ba: {  	_ =	swait.ge [sflag:s24], $0x1000  }
0x1bb: {  	[sflag:s24] =	ssyncset.done $0x0  }
0x1bc: {  	[sflag:s24] =	ssyncadd.s32 $0xFFFFF000  }
0x1bd: {  	s0 =	stileid.u32;
	[bflag:$0x0] =	sbarrier.arrive $0xFFFF  }
0x1be: {  	s0 =	sshll.u32 s0, $0x6;
	s9 =	rddreg [dreg:$0x6]  }
0x1bf: {  	s4 =	rddreg [dreg:$0x7];
	s0 =	sor.u32 $0x1C05, s0;
	s3 =	sshrl.u32 s9, $0x3  }
0x1c0: {  	[hbm:s4], [sflag:s0] =	dma.local [spmem:s3], $0x2800  }
0x1c1: {  	_ =	swait.ge [sflag:s7], $0x2800  }
0x1c2: {  	[sflag:s7] =	ssyncset.done $0x0  }
0x1c3: {  	s25 =	simm.s32 $0x0;
	s29 =	rddreg [dreg:$0x8];
	[sflag:s7] =	ssyncadd.s32 $0xFFFFD800  }
0x1c4: {  	[hbm4b:s29+s25] =	stream.linear.scatter [tilespmem:s17], [sflag:$0x5], $0x2720, $0x38;
	[tilespmem:$0x1D880] =	vst v63  }
0x1c5: {  	_ =	swait.ge [sflag:s7], $0x2720  }
0x1c6: {  	s30 =	rddreg [dreg:$0x1d]  }
0x1c7: {  	s31 =	rddreg [dreg:$0x9];
	s3 =	sadd.s32 $0x1, s30  }
0x1c8: {  	p0 =	sne.s32 s3, s31  }
.Ltmp8:
0x1c9: {  	_ = 	snop;
	(pc) =	sbr.rel @p0 .LBB2_1-.Ltmp8, $3  }
0x1ca: {  	_ =	sdelay $0x1  }
0x1cb: {  	[sflag:s7] =	ssyncset.done $0x0  }
0x1cc: {  	[sflag:s7] =	ssyncadd.s32 $0xFFFFD8E0  }
0x1cd: {  	_ =	sfence.sel $0x180000  }
0x1ce: {  	[bflag:$0x0] =	sbarrier.arrive $0xFFFF  }
0x1cf: {  	_ =	strace $0x9000004A  }
0x1d0: {  	s0 =	stileid.u32;
	[bflag:$0x2] =	sbarrier.arrive $0xFFFF  }
0x1d1: {  	p0 =	sne.s32 s0, $0x0;
	s0 =	rddreg [dreg:$0x3]  }
0x1d2: {  	s0 =	sadd.s32 @!p0 $0x100000, s0  }
0x1d3: {  	[sflag:s0] =	ssyncadd.tile.s32 @!p0 $0x1;
	_ =	shalt  }
.Lfunc_end2:
_tile_overlayer_lowered:
.L_overlay_start_2:
0x1d4: {  	(tag) =	ssettag $0x2  }
0x1d5: {  	s0 =	rddreg [dreg:$0x0];
	s2 =	stileid.u32  }
0x1d6: {  	s1 =	rddreg [dreg:$0x1];
	p0 =	sne.s32 s2, $0x0  }
0x1d7: {  	s3 =	rddreg [dreg:$0x2];
	[bflag:$0x3] =	sbarrier.arrive $0xFFFF;
	s2 =	simm.s32 @!p0 $0x1C05  }
0x1d8: {  	[timem:s3], [sflag:s2] =	dma.local @!p0 [hbm:s0], s1  }
0x1d9: {  	s0 =	simm.s32 @!p0 $0x5  }
0x1da: {  	_ =	swait.ge @!p0 [sflag:s0], s1  }
0x1db: {  	s1 =	ssub.s32 @!p0 $0x0, s1;
	[sflag:s0] =	ssyncset.done @!p0 $0x0  }
0x1dc: {  	[sflag:s0] =	ssyncadd.s32 @!p0 s1  }
0x1dd: {  	[bflag:$0x3] =	sbarrier.arrive $0xFFFF  }
0x1de: {  	_ =	shalt  }

// kernel: kernel.7.cloned.1.call-start
scs
__scs_entry_jumppad:
0x0: {  	(pc) =	sbr.rel $0x88, $3  }
0x1: {  	(tag) =	ssettag $0x0;
	lr =	simm.s32 $0x1  }
0x2: {  	[smem:$0x3F93] =	sst lr;
	_ =	strace $0xD0000000  }
0x3: {  	_ = 	snop  }
0x4: {  	_ = 	snop  }
0x5: {  	_ = 	snop  }
0x6: {  	_ = 	snop  }
0x7: {  	_ = 	snop  }
__scs_overlays_trampoline_lowered:
0x8: {  	[smem:$0x3FA2] =	sst s0  }
0x9: {  	[smem:$0x3FA3] =	sst s1  }
0xa: {  	[smem:$0x3FA4] =	sst s2  }
0xb: {  	[smem:$0x3FA5] =	sst s3  }
0xc: {  	[smem:$0x3FA6] =	sst s4  }
0xd: {  	[smem:$0x3FA7] =	sst s5  }
0xe: {  	[smem:$0x3FA8] =	sst s6  }
0xf: {  	[smem:$0x3FA9] =	sst s7  }
0x10: {  	[smem:$0x3FAA] =	sst s8  }
0x11: {  	[smem:$0x3FAB] =	sst s9;
	s0 =	simm.s32 @!p0 $0x0  }
0x12: {  	s1 =	sld [smem:$0x3F91];
	s0 =	simm.s32 @p0 $0x1  }
0x13: {  	[smem:$0x3FAC] =	sst s0;
	s0 =	simm.s32 @!p1 $0x0  }
0x14: {  	s2 =	sld [smem:$0x3F90];
	s0 =	simm.s32 @p1 $0x1  }
0x15: {  	[smem:$0x3FAD] =	sst s0;
	s0 =	simm.s32 @!p2 $0x0  }
0x16: {  	s3 =	sld [smem:$0x3FDB];
	s0 =	simm.s32 @p2 $0x1  }
0x17: {  	s4 =	simm.s32 $0x1BF5;
	[smem:$0x3FAF] =	sst s0  }
0x18: {  	s0 =	sld [smem:$0x3F92];
	_ =	swait.ge [sflag:s4], $0x0  }
0x19: {  	s7 =	sld [smem:$0x3F93]  }
0x1a: {  	s8 =	sadd.s32 $0xFFFFE003, lr  }
0x1b: {  	s9 =	sadd.s32 $0xFFFFFEF7, lr;
	s5 =	simm.s32 $0xFFFFFFFF;
	p2 =	slt.u32 s8, $0xFFFFF086  }
0x1c: {  	p1 =	slt.u32 s9, $0xF7A;
	s5 =	simm.s32 @!p2 $0x0  }
0x1d: {  	s5 =	simm.s32 @p1 $0x1;
	p0 =	seq.s32 s7, s2  }
0x1e: {  	s7 =	smul.u32 @!p0 $0xF7A, s2;
	p2 =	seq.s32 @!p0 s5, $0x0  }
0x1f: {  	s9 =	smul.u32 $0xF7A, s1;
	s8 =	simm.s32 @!p0 $0x1BF5;
	p2 =	por !p2, p0  }
0x20: {  	[sflag:s8] =	ssyncset.s32 @!p0 $0xFFFFF086;
	s6 =	sadd.s32 @!p0 s3, s7;
	s7 =	simm.s32 @!p0 $0x108  }
0x21: {  	s3 =	sadd.s32 s3, s9;
	s6 =	sadd.s32 @!p0 $0x88, s6;
	s7 =	simm.s32 @p2 $0x1082  }
0x22: {  	[simem:s7], [sflag:s8] =	dma.local @!p0 [hbm:s6], $0xF7A  }
0x23: {  	s9 =	sor.u32 $0xD0000000, s2;
	s6 =	simm.s32 $0x108;
	_ =	swait.ge @!p0 [sflag:s8], $0x0  }
0x24: {  	s3 =	sadd.s32 $0x88, s3;
	s6 =	simm.s32 @!p1 $0x1082;
	[sflag:s4] =	ssyncset.s32 $0xFFFFF086  }
0x25: {  	[simem:s6], [sflag:s4] =	dma.local [hbm:s3], $0xF7A  }
0x26: {  	[smem:$0x3F93] =	sst s1;
	(tag) =	ssettag s2;
	_ =	strace s9  }
0x27: {  	s1 =	sld [smem:$0x3FA3]  }
0x28: {  	s2 =	sld [smem:$0x3FA4]  }
0x29: {  	s4 =	sld [smem:$0x3FA6]  }
0x2a: {  	p0 =	seq.s32 s5, $0x0;
	s5 =	sld [smem:$0x3FA7]  }
0x2b: {  	s6 =	sld [smem:$0x3FA8]  }
0x2c: {  	s7 =	sld [smem:$0x3FA9]  }
0x2d: {  	s3 =	simm.s32 $0x108;
	s8 =	sld [smem:$0x3FAA]  }
0x2e: {  	s3 =	simm.s32 @!p0 $0x1082;
	s9 =	sld [smem:$0x3FAB]  }
0x2f: {  	lr =	sadd.s32 s0, s3;
	s0 =	sld [smem:$0x3FA2]  }
0x30: {  	s3 =	sld [smem:$0x3FA5]  }
0x31: {  	[smem:$0x3FAE] =	sst s10  }
0x32: {  	s10 =	sld [smem:$0x3FAC];
	_ =	sdelay $0x3  }
0x33: {  	p0 =	seq.s32 s10, $0x1;
	s10 =	sld [smem:$0x3FAE];
	_ =	sdelay $0x3  }
0x34: {  	[smem:$0x3FAE] =	sst s10  }
0x35: {  	s10 =	sld [smem:$0x3FAD];
	_ =	sdelay $0x3  }
0x36: {  	p1 =	seq.s32 s10, $0x1;
	s10 =	sld [smem:$0x3FAE];
	_ =	sdelay $0x3  }
0x37: {  	[smem:$0x3FAE] =	sst s10  }
0x38: {  	s10 =	sld [smem:$0x3FAF]  }
0x39: {  	_ = 	snop;
	(pc) =	sbr.ind lr, $3  }
0x3a: {  	_ = 	snop  }
0x3b: {  	_ = 	snop  }
0x3c: {  	p2 =	seq.s32 s10, $0x1;
	s10 =	sld [smem:$0x3FAE]  }
0x3d: {  	_ =	shalt  }
0x3e: {  	_ =	shalt  }
0x3f: {  	_ =	shalt  }
0x40: {  	_ =	shalt  }
0x41: {  	_ =	shalt  }
0x42: {  	_ =	shalt  }
0x43: {  	_ =	shalt  }
0x44: {  	_ =	shalt  }
0x45: {  	_ =	shalt  }
0x46: {  	_ =	shalt  }
0x47: {  	_ =	shalt  }
0x48: {  	_ =	shalt  }
0x49: {  	_ =	shalt  }
0x4a: {  	_ =	shalt  }
0x4b: {  	_ =	shalt  }
0x4c: {  	_ =	shalt  }
0x4d: {  	_ =	shalt  }
0x4e: {  	_ =	shalt  }
0x4f: {  	_ =	shalt  }
0x50: {  	_ =	shalt  }
0x51: {  	_ =	shalt  }
0x52: {  	_ =	shalt  }
0x53: {  	_ =	shalt  }
0x54: {  	_ =	shalt  }
0x55: {  	_ =	shalt  }
0x56: {  	_ =	shalt  }
0x57: {  	_ =	shalt  }
0x58: {  	_ =	shalt  }
0x59: {  	_ =	shalt  }
0x5a: {  	_ =	shalt  }
0x5b: {  	_ =	shalt  }
0x5c: {  	_ =	shalt  }
0x5d: {  	_ =	shalt  }
0x5e: {  	_ =	shalt  }
0x5f: {  	_ =	shalt  }
0x60: {  	_ =	shalt  }
0x61: {  	_ =	shalt  }
0x62: {  	_ =	shalt  }
0x63: {  	_ =	shalt  }
0x64: {  	_ =	shalt  }
0x65: {  	_ =	shalt  }
0x66: {  	_ =	shalt  }
0x67: {  	_ =	shalt  }
0x68: {  	_ =	shalt  }
0x69: {  	_ =	shalt  }
0x6a: {  	_ =	shalt  }
0x6b: {  	_ =	shalt  }
0x6c: {  	_ =	shalt  }
0x6d: {  	_ =	shalt  }
0x6e: {  	_ =	shalt  }
0x6f: {  	_ =	shalt  }
0x70: {  	_ =	shalt  }
0x71: {  	_ =	shalt  }
0x72: {  	_ =	shalt  }
0x73: {  	_ =	shalt  }
0x74: {  	_ =	shalt  }
0x75: {  	_ =	shalt  }
0x76: {  	_ =	shalt  }
0x77: {  	_ =	shalt  }
0x78: {  	_ =	shalt  }
0x79: {  	_ =	shalt  }
0x7a: {  	_ =	shalt  }
0x7b: {  	_ =	shalt  }
0x7c: {  	_ =	shalt  }
0x7d: {  	_ =	shalt  }
0x7e: {  	_ =	shalt  }
0x7f: {  	_ =	shalt  }
0x80: {  	_ =	shalt  }
0x81: {  	_ =	shalt  }
0x82: {  	_ =	shalt  }
0x83: {  	_ =	shalt  }
0x84: {  	_ =	shalt  }
0x85: {  	_ =	shalt  }
0x86: {  	_ =	shalt  }
0x87: {  	_ =	shalt  }
.Lfunc_end0:
.L_simem_size_0:
called_computation_lowered:
.L_overlay_start_0:
0x88: {  	s2 =	sld [smem:$0x3FD9]  }
0x89: {  	s3 =	sld [smem:$0x3FFE];
	_ =	sdelay $0x1  }
0x8a: {  	s1 =	srdreg.scid  }
0x8b: {  	s0 =	sand.u32 $0x1, s1  }
0x8c: {  	s17 =	sshll.u32 s0, $0xA;
	s2 =	sadd.s32 s3, s2  }
0x8d: {  	s2 =	sadd.s32 s2, s17  }
0x8e: {  	[smem:$0x3FBA] =	sst s2  }
0x8f: {  	_ = 	snop  }
0x90: {  	s2 =	sld [smem:$0x3FD0];
	(tm) =	ssettm $0x1  }
0x91: {  	s18 =	sld [smem:$0x3FFB];
	_ =	sdelay $0x3  }
0x92: {  	_ =	strace s18  }
0x93: {  	s3 =	sld [smem:$0x3FFC];
	_ =	sdelay $0x3  }
0x94: {  	_ =	strace s3  }
0x95: {  	s3 =	sld [smem:$0x3FFD];
	_ =	sdelay $0x3  }
0x96: {  	_ =	strace s3  }
0x97: {  	_ =	strace $0x8FFFFFFF  }
0x98: {  	s19 =	sld [smem:$0x3FDB];
	_ =	sdelay $0x1  }
0x99: {  	s4 =	simm.s32 $_scs_section_size  }
0x9a: {  	s5 =	simm.s32 $_size__tile_overlayer_lowered;
	s6 =	simm.s32 $_tile_overlayer_lowered  }
0x9b: {  	s22 =	simm.s32 $0x1BFF;
	s21 =	sshll.u32 s6, $0x1;
	s3 =	sadd.s32 s4, s19  }
0x9c: {  	s7 =	simm.s32 $0x0;
	s20 =	sshll.u32 s5, $0x1;
	s5 =	sadd.s32 s21, s3  }
0x9d: {  	[timem:s7], [sflag:s22] =	dma.local [hbm:s5], s20  }
0x9e: {  	_ =	swait.ge [sflag:s22], s20  }
0x9f: {  	s4 =	ssub.s32 $0x0, s20;
	[sflag:s22] =	ssyncset.done $0x0  }
0xa0: {  	[sflag:s22] =	ssyncadd.s32 s4;
	_ =	sdelay $0x1  }
0xa1: {  	s23 =	simm.s32 $0x1B8B  }
0xa2: {  	_ =	swait.ge [sflag:s23], $0x1  }
0xa3: {  	[sflag:s23] =	ssyncset.done $0x0  }
0xa4: {  	s25 =	simm.s32 $0x1B8E;
	s24 =	sld [smem:$0x3FFE];
	[sflag:s23] =	ssyncadd.s32 $0xFFFFFFFF  }
0xa5: {  	s26 =	simm.s32 $execute0_lowered;
	[smem:$0x3FD2] =	sst s25  }
0xa6: {  	s5 =	sshll.u32 s26, $0x1;
	_ =	strace $0x80000046;
	[dreg:$0x1] =	wrdreg $0xFFFFFFFF  }
0xa7: {  	s28 =	simm.s32 $_size_execute0_lowered;
	s3 =	sadd.s32 s3, s5;
	[dreg:$0x0] =	wrdreg $0x0  }
0xa8: {  	s5 =	sshll.u32 s28, $0x1;
	[dreg:$0x2] =	wrdreg s3  }
0xa9: {  	[dreg:$0x3] =	wrdreg s5  }
0xaa: {  	[dreg:$0x4] =	wrdreg $0xC0  }
0xab: {  	_ =	task [dreg:s7], $0x5FFFF  }
0xac: {  	[dreg:$0x1] =	wrdreg $0xFFFFFFFF  }
0xad: {  	[dreg:$0x0] =	wrdreg $0x60  }
0xae: {  	[dreg:$0x2] =	wrdreg s24  }
0xaf: {  	[dreg:$0x3] =	wrdreg s2  }
0xb0: {  	[dreg:$0x4] =	wrdreg $0x9F800  }
0xb1: {  	[dreg:$0x5] =	wrdreg $0x9  }
0xb2: {  	_ =	task.clear_ibuf [dreg:s7], $0x6FFFF;
	_ =	strace $0x90000046  }
0xb3: {  	s29 =	simm.s32 $0x9;
	_ =	strace $0x80000048  }
0xb4: {  	_ =	swait.ge [sflag:s29], $0x1  }
0xb5: {  	[sflag:s29] =	ssyncadd.s32 $0xFFFFFFFF  }
0xb6: {  	_ =	strace $0x90000048  }
0xb7: {  	_ =	sfence  }
0xb8: {  	s30 =	sld [smem:$0x0];
	_ =	sdelay $0x2  }
0xb9: {  	s31 =	sshll.u32 s1, $0xD;
	s1 =	sshrl.u32 s1, $0x2  }
0xba: {  	s3 =	sand.u32 $0x4000, s31;
	s1 =	sadd.s32 s1, s30  }
0xbb: {  	s0 =	sor.u32 s3, s0;
	s1 =	sshll.u32 s1, $0x11  }
0xbc: {  	s0 =	sor.u32 s1, s0  }
0xbd: {  	s0 =	sadd.s32 $0x8F2B, s0  }
0xbe: {  	[sflag:s0] =	ssyncadd.remote.s32 $0x1  }
0xbf: {  	_ =	sfence.sel $0xFFFF  }
0xc0: {  	[dreg:$0x0] =	wrdreg $0xFFFFFFFF;
	(pc) =	sbr.abs _section_cstart, $3  }
0xc1: {  	[dreg:$0x1] =	wrdreg $0xFFFFFFFF  }
0xc2: {  	_ =	task.clear_ibuf [dreg:s7], $0x2FFFF;
	_ =	strace $0x9FFFFFFF  }
0xc3: {  	(tm) =	ssettm $0x7FFFFFFF  }
tec
execute0_lowered:
.L_overlay_start_1:
0x0: {  	(tag) =	ssettag $0x1  }
0x1: {  	s0 =	rddreg [dreg:$0x0]  }
0x2: {  	s1 =	rddreg [dreg:$0x1]  }
0x3: {  	s2 =	rddreg [dreg:$0x2];
	s25 =	simm.s32 $0x0;
	s3 =	srdreg.scid  }
0x4: {  	s10 =	stileid.u32;
	[smem:$0x7FF] =	sst s25  }
0x5: {  	s3 =	sand.u32 $0x1, s3;
	s7 =	smul.u32 $0x2700, s10;
	s6 =	sadd.s32 $0x29E00, s0  }
0x6: {  	s11 =	sadd.s32 $0x79600, s0;
	s29 =	smul.u32 $0x4E000, s10;
	s30 =	sadd.s32 $0x79000, s0  }
0x7: {  	s4 =	smul.u32 $0x27100, s3;
	_ =	strace $0x80000047;
	[dreg:$0x4] =	wrdreg s11  }
0x8: {  	s5 =	sshll.u32 s3, $0x4;
	[dreg:$0x5] =	wrdreg s30;
	s3 =	ssub.s32 $0x2, s3  }
0x9: {  	s8 =	sor.u32 s10, s5;
	s5 =	sadd.s32 $0x1E00, s0;
	s31 =	sshrl.u32 s3, $0x1  }
0xa: {  	s9 =	smul.u32 $0x4E4, s8;
	s4 =	sadd.s32 s7, s4;
	s3 =	ssub.s32 s3, s31  }
0xb: {  	s10 =	smul.u32 $0x28, s8;
	s4 =	sadd.s32 s4, s0;
	s8 =	smax.u32 s3, $0x1  }
0xc: {  	s7 =	sshrl.u32 s29, $0x2;
	s4 =	sadd.s32 $0x79C00, s4;
	[dreg:$0x9] =	wrdreg s8  }
0xd: {  	s0 =	sadd.s32 s9, s0;
	s9 =	sadd.s32 s7, s2;
	[dreg:$0x7] =	wrdreg s4  }
0xe: {  	s0 =	sadd.s32 $0xC7E00, s0;
	[dreg:$0x6] =	wrdreg s9  }
0xf: {  	s11 =	sadd.s32 $0x1000, s9;
	[dreg:$0x8] =	wrdreg s0  }
0x10: {  	s12 =	sadd.s32 $0x2000, s9;
	[dreg:$0xa] =	wrdreg s11  }
0x11: {  	s13 =	sadd.s32 $0x3000, s9;
	[dreg:$0xb] =	wrdreg s12  }
0x12: {  	s14 =	sadd.s32 $0x4000, s9;
	[dreg:$0xc] =	wrdreg s13  }
0x13: {  	s15 =	sadd.s32 $0x5000, s9;
	[dreg:$0xd] =	wrdreg s14  }
0x14: {  	s16 =	sadd.s32 $0x6000, s9;
	[dreg:$0xe] =	wrdreg s15  }
0x15: {  	s17 =	sadd.s32 $0x7000, s9;
	[dreg:$0xf] =	wrdreg s16  }
0x16: {  	s18 =	sadd.s32 $0x8000, s9;
	[dreg:$0x10] =	wrdreg s17  }
0x17: {  	s19 =	sadd.s32 $0x9000, s9;
	[dreg:$0x11] =	wrdreg s18  }
0x18: {  	s20 =	sadd.s32 $0xA000, s9;
	[dreg:$0x12] =	wrdreg s19  }
0x19: {  	s21 =	sadd.s32 $0xB000, s9;
	[dreg:$0x13] =	wrdreg s20  }
0x1a: {  	s22 =	sadd.s32 $0xC000, s9;
	[dreg:$0x14] =	wrdreg s21  }
0x1b: {  	s23 =	sadd.s32 $0xD000, s9;
	[dreg:$0x15] =	wrdreg s22  }
0x1c: {  	s24 =	sadd.s32 $0xE000, s9;
	[dreg:$0x16] =	wrdreg s23  }
0x1d: {  	s26 =	sadd.s32 $0xF000, s9;
	[dreg:$0x17] =	wrdreg s24  }
0x1e: {  	s28 =	sadd.s32 $0x10000, s9;
	[dreg:$0x18] =	wrdreg s26  }
0x1f: {  	s29 =	sadd.s32 $0x11000, s9;
	[dreg:$0x19] =	wrdreg s28  }
0x20: {  	s30 =	sadd.s32 $0x12000, s9;
	[dreg:$0x1a] =	wrdreg s29  }
0x21: {  	s3 =	simm.s32 $0x0;
	s31 =	sadd.s32 $0x13000, s9;
	[dreg:$0x1b] =	wrdreg s30  }
0x22: {  	s7 =	simm.s32 $0x5;
	s8 =	simm.s32 $0x2780;
	[dreg:$0x1c] =	wrdreg s31  }
0x23: {  	s11 =	simm.s32 $0x5800;
	s12 =	simm.s32 $0x4F00;
	s13 =	simm.s32 $0x5300  }
0x24: {  	s14 =	simm.s32 $0x20;
	s15 =	simm.s32 $0x4F80;
	s16 =	simm.s32 $0x6800  }
0x25: {  	s17 =	simm.s32 $0x7800;
	s18 =	simm.s32 $0x1;
	s19 =	simm.s32 $0x5700  }
0x26: {  	s20 =	simm.s32 $0x2;
	s21 =	simm.s32 $0x5780;
	s22 =	simm.s32 $0x5380  }
0x27: {  	v0 =	vimm.f32 $0.0e+00;
	s23 =	simm.s32 $0x3;
	s24 =	simm.s32 $0x4;
	s26 =	simm.s32 $0x0  }
.LBB2_1:
0x28: {  	[dreg:$0x1d] =	wrdreg s3  }
0x29: {  	s0 =	rddreg [dreg:$0x4]  }
0x2a: {  	[tilespmem:s25], [sflag:$0x5] =	stream.linear.gather [hbm4b:s0+s25], $0x2780, $0x38;
	[tilespmem:$0x1D880] =	vst v63  }
0x2b: {  	_ =	swait.ge [sflag:s7], $0x2780  }
0x2c: {  	[sflag:s7] =	ssyncset.done $0x0  }
0x2d: {  	s31 =	rddreg [dreg:$0x5];
	[sflag:s7] =	ssyncadd.s32 $0xFFFFD880  }
0x2e: {  	[tilespmem:s8], [sflag:$0x5] =	stream.linear.gather [hbm4b:s31+s25], $0x2780, $0x38;
	[tilespmem:$0x1D880] =	vst v63  }
0x2f: {  	_ =	swait.ge [sflag:s7], $0x2780  }
0x30: {  	[sflag:s7] =	ssyncset.done $0x0  }
0x31: {  	s3 =	simm.s32 $0x200;
	s0 =	simm.s32 $0x0;
	[sflag:s7] =	ssyncadd.s32 $0xFFFFD880  }
.LBB2_2:
0x32: {  	p0 =	sne.s32 s3, $0x3E00;
	[tilespmem:s0+$0x5870] =	vst v0  }
0x33: {  	[tilespmem:s0+$0x5800] =	vst v0  }
0x34: {  	[tilespmem:s0+$0x5810] =	vst v0  }
.Ltmp0:
0x35: {  	[tilespmem:s0+$0x5820] =	vst v0;
	(pc) =	sbr.rel @p0 .LBB2_2-.Ltmp0, $4  }
0x36: {  	[tilespmem:s0+$0x5830] =	vst v0  }
0x37: {  	[tilespmem:s0+$0x5840] =	vst v0  }
0x38: {  	[tilespmem:s0+$0x5850] =	vst v0  }
0x39: {  	[tilespmem:s0+$0x5860] =	vst v0;
	s0 =	sshra.s32 s3, $0x2;
	s3 =	sadd.s32 $0x200, s3  }
0x3a: {  	[tilespmem:s0+$0x5870] =	vst v0  }
0x3b: {  	[tilespmem:s0+$0x5800] =	vst v0  }
0x3c: {  	[tilespmem:s0+$0x5810] =	vst v0  }
0x3d: {  	[tilespmem:s0+$0x5820] =	vst v0  }
0x3e: {  	[tilespmem:s0+$0x5830] =	vst v0  }
0x3f: {  	[tilespmem:s0+$0x5840] =	vst v0  }
0x40: {  	[tilespmem:s0+$0x5850] =	vst v0  }
0x41: {  	[tilespmem:s0+$0x5860] =	vst v0;
	s0 =	simm.s32 $0x40;
	s3 =	simm.s32 $0x0  }
.LBB2_4:
0x42: {  	p0 =	sne.s32 s0, $0x9C40;
	[tilespmem:s3+$0x7800] =	vst v0;
	s3 =	smov.u32 s0;
	s0 =	sadd.s32 $0x40, s0  }
.Ltmp1:
0x43: {  	(pc) =	sbr.rel @p0 .LBB2_4-.Ltmp1, $2  }
0x44: {  	_ =	sdelay $0x2  }
0x45: {  	s3 =	sshra.s32 s3, $0x2  }
0x46: {  	[tilespmem:s3+$0x7800] =	vst v0  }
0x47: {  	[spmem:s9] =	stream.linear.scatter [tilespmem:s11], [sflag:$0x5], $0x1000, $0x38;
	[tilespmem:$0x1D880] =	vst v63  }
0x48: {  	_ =	swait.ge [sflag:s7], $0x1000  }
0x49: {  	[sflag:s7] =	ssyncset.done $0x0  }
0x4a: {  	s0 =	rddreg [dreg:$0xa];
	[sflag:s7] =	ssyncadd.s32 $0xFFFFF000  }
0x4b: {  	[spmem:s0] =	stream.linear.scatter [tilespmem:s11], [sflag:$0x5], $0x1000, $0x38;
	[tilespmem:$0x1D880] =	vst v63  }
0x4c: {  	_ =	swait.ge [sflag:s7], $0x1000  }
0x4d: {  	[sflag:s7] =	ssyncset.done $0x0  }
0x4e: {  	s25 =	rddreg [dreg:$0xb];
	[sflag:s7] =	ssyncadd.s32 $0xFFFFF000  }
0x4f: {  	[spmem:s25] =	stream.linear.scatter [tilespmem:s11], [sflag:$0x5], $0x1000, $0x38;
	[tilespmem:$0x1D880] =	vst v63  }
0x50: {  	_ =	swait.ge [sflag:s7], $0x1000  }
0x51: {  	[sflag:s7] =	ssyncset.done $0x0  }
0x52: {  	s29 =	rddreg [dreg:$0xc];
	[sflag:s7] =	ssyncadd.s32 $0xFFFFF000  }
0x53: {  	[spmem:s29] =	stream.linear.scatter [tilespmem:s11], [sflag:$0x5], $0x1000, $0x38;
	[tilespmem:$0x1D880] =	vst v63  }
0x54: {  	_ =	swait.ge [sflag:s7], $0x1000  }
0x55: {  	[sflag:s7] =	ssyncset.done $0x0  }
0x56: {  	s30 =	rddreg [dreg:$0xd];
	[sflag:s7] =	ssyncadd.s32 $0xFFFFF000  }
0x57: {  	[spmem:s30] =	stream.linear.scatter [tilespmem:s11], [sflag:$0x5], $0x1000, $0x38;
	[tilespmem:$0x1D880] =	vst v63  }
0x58: {  	_ =	swait.ge [sflag:s7], $0x1000  }
0x59: {  	[sflag:s7] =	ssyncset.done $0x0  }
0x5a: {  	s31 =	rddreg [dreg:$0xe];
	[sflag:s7] =	ssyncadd.s32 $0xFFFFF000  }
0x5b: {  	[spmem:s31] =	stream.linear.scatter [tilespmem:s11], [sflag:$0x5], $0x1000, $0x38;
	[tilespmem:$0x1D880] =	vst v63  }
0x5c: {  	_ =	swait.ge [sflag:s7], $0x1000  }
0x5d: {  	[sflag:s7] =	ssyncset.done $0x0  }
0x5e: {  	s3 =	rddreg [dreg:$0xf];
	[sflag:s7] =	ssyncadd.s32 $0xFFFFF000  }
0x5f: {  	[spmem:s3] =	stream.linear.scatter [tilespmem:s11], [sflag:$0x5], $0x1000, $0x38;
	[tilespmem:$0x1D880] =	vst v63  }
0x60: {  	_ =	swait.ge [sflag:s7], $0x1000  }
0x61: {  	[sflag:s7] =	ssyncset.done $0x0  }
0x62: {  	s4 =	rddreg [dreg:$0x10];
	[sflag:s7] =	ssyncadd.s32 $0xFFFFF000  }
0x63: {  	[spmem:s4] =	stream.linear.scatter [tilespmem:s11], [sflag:$0x5], $0x1000, $0x38;
	[tilespmem:$0x1D880] =	vst v63  }
0x64: {  	_ =	swait.ge [sflag:s7], $0x1000  }
0x65: {  	[sflag:s7] =	ssyncset.done $0x0  }
0x66: {  	s9 =	rddreg [dreg:$0x11];
	[sflag:s7] =	ssyncadd.s32 $0xFFFFF000  }
0x67: {  	[spmem:s9] =	stream.linear.scatter [tilespmem:s11], [sflag:$0x5], $0x1000, $0x38;
	[tilespmem:$0x1D880] =	vst v63  }
0x68: {  	_ =	swait.ge [sflag:s7], $0x1000  }
0x69: {  	[sflag:s7] =	ssyncset.done $0x0  }
0x6a: {  	s25 =	rddreg [dreg:$0x12];
	[sflag:s7] =	ssyncadd.s32 $0xFFFFF000  }
0x6b: {  	[spmem:s25] =	stream.linear.scatter [tilespmem:s11], [sflag:$0x5], $0x1000, $0x38;
	[tilespmem:$0x1D880] =	vst v63  }
0x6c: {  	_ =	swait.ge [sflag:s7], $0x1000  }
0x6d: {  	[sflag:s7] =	ssyncset.done $0x0  }
0x6e: {  	s29 =	rddreg [dreg:$0x13];
	[sflag:s7] =	ssyncadd.s32 $0xFFFFF000  }
0x6f: {  	[spmem:s29] =	stream.linear.scatter [tilespmem:s11], [sflag:$0x5], $0x1000, $0x38;
	[tilespmem:$0x1D880] =	vst v63  }
0x70: {  	_ =	swait.ge [sflag:s7], $0x1000  }
0x71: {  	[sflag:s7] =	ssyncset.done $0x0  }
0x72: {  	s30 =	rddreg [dreg:$0x14];
	[sflag:s7] =	ssyncadd.s32 $0xFFFFF000  }
0x73: {  	[spmem:s30] =	stream.linear.scatter [tilespmem:s11], [sflag:$0x5], $0x1000, $0x38;
	[tilespmem:$0x1D880] =	vst v63  }
0x74: {  	_ =	swait.ge [sflag:s7], $0x1000  }
0x75: {  	[sflag:s7] =	ssyncset.done $0x0  }
0x76: {  	s31 =	rddreg [dreg:$0x15];
	[sflag:s7] =	ssyncadd.s32 $0xFFFFF000  }
0x77: {  	[spmem:s31] =	stream.linear.scatter [tilespmem:s11], [sflag:$0x5], $0x1000, $0x38;
	[tilespmem:$0x1D880] =	vst v63  }
0x78: {  	_ =	swait.ge [sflag:s7], $0x1000  }
0x79: {  	[sflag:s7] =	ssyncset.done $0x0  }
0x7a: {  	s3 =	rddreg [dreg:$0x16];
	[sflag:s7] =	ssyncadd.s32 $0xFFFFF000  }
0x7b: {  	[spmem:s3] =	stream.linear.scatter [tilespmem:s11], [sflag:$0x5], $0x1000, $0x38;
	[tilespmem:$0x1D880] =	vst v63  }
0x7c: {  	_ =	swait.ge [sflag:s7], $0x1000  }
0x7d: {  	[sflag:s7] =	ssyncset.done $0x0  }
0x7e: {  	s4 =	rddreg [dreg:$0x17];
	[sflag:s7] =	ssyncadd.s32 $0xFFFFF000  }
0x7f: {  	[spmem:s4] =	stream.linear.scatter [tilespmem:s11], [sflag:$0x5], $0x1000, $0x38;
	[tilespmem:$0x1D880] =	vst v63  }
0x80: {  	_ =	swait.ge [sflag:s7], $0x1000  }
0x81: {  	[sflag:s7] =	ssyncset.done $0x0  }
0x82: {  	s9 =	rddreg [dreg:$0x18];
	[sflag:s7] =	ssyncadd.s32 $0xFFFFF000  }
0x83: {  	[spmem:s9] =	stream.linear.scatter [tilespmem:s11], [sflag:$0x5], $0x1000, $0x38;
	[tilespmem:$0x1D880] =	vst v63  }
0x84: {  	_ =	swait.ge [sflag:s7], $0x1000  }
0x85: {  	[sflag:s7] =	ssyncset.done $0x0  }
0x86: {  	s25 =	rddreg [dreg:$0x19];
	[sflag:s7] =	ssyncadd.s32 $0xFFFFF000  }
0x87: {  	[spmem:s25] =	stream.linear.scatter [tilespmem:s11], [sflag:$0x5], $0x1000, $0x38;
	[tilespmem:$0x1D880] =	vst v63  }
0x88: {  	_ =	swait.ge [sflag:s7], $0x1000  }
0x89: {  	[sflag:s7] =	ssyncset.done $0x0  }
0x8a: {  	s29 =	rddreg [dreg:$0x1a];
	[sflag:s7] =	ssyncadd.s32 $0xFFFFF000  }
0x8b: {  	[spmem:s29] =	stream.linear.scatter [tilespmem:s11], [sflag:$0x5], $0x1000, $0x38;
	[tilespmem:$0x1D880] =	vst v63  }
0x8c: {  	_ =	swait.ge [sflag:s7], $0x1000  }
0x8d: {  	[sflag:s7] =	ssyncset.done $0x0  }
0x8e: {  	s30 =	rddreg [dreg:$0x1b];
	[sflag:s7] =	ssyncadd.s32 $0xFFFFF000  }
0x8f: {  	[spmem:s30] =	stream.linear.scatter [tilespmem:s11], [sflag:$0x5], $0x1000, $0x38;
	[tilespmem:$0x1D880] =	vst v63  }
0x90: {  	_ =	swait.ge [sflag:s7], $0x1000  }
0x91: {  	[sflag:s7] =	ssyncset.done $0x0  }
0x92: {  	s31 =	rddreg [dreg:$0x1c];
	[sflag:s7] =	ssyncadd.s32 $0xFFFFF000  }
0x93: {  	[spmem:s31] =	stream.linear.scatter [tilespmem:s11], [sflag:$0x5], $0x1000, $0x38;
	[tilespmem:$0x1D880] =	vst v63  }
0x94: {  	_ =	swait.ge [sflag:s7], $0x1000  }
0x95: {  	[sflag:s7] =	ssyncset.done $0x0  }
0x96: {  	[sflag:s7] =	ssyncadd.s32 $0xFFFFF000  }
0x97: {  	s28 =	simm.s32 $0x0;
	[bflag:$0x0] =	sbarrier.arrive $0xFFFF  }
.LBB2_6:
0x98: {  	s0 =	sadd.s32 s10, s28  }
0x99: {  	s0 =	sshll.u32 s0, $0x7  }
0x9a: {  	s3 =	sadd.s32 s5, s0  }
0x9b: {  	[tilespmem:s12], [sflag:$0x5] =	stream.linear.gather [hbm4b:s3+s26], $0x400, $0x38;
	[tilespmem:$0x1D880] =	vst v63  }
0x9c: {  	_ =	swait.ge [sflag:s7], $0x400  }
0x9d: {  	[sflag:s7] =	ssyncset.done $0x0  }
0x9e: {  	s0 =	sadd.s32 s6, s0;
	[sflag:s7] =	ssyncadd.s32 $0xFFFFFC00  }
0x9f: {  	[tilespmem:s13], [sflag:$0x5] =	stream.linear.gather [hbm4b:s0+s26], $0x400, $0x38;
	[tilespmem:$0x1D880] =	vst v63  }
0xa0: {  	_ =	swait.ge [sflag:s7], $0x400  }
0xa1: {  	[sflag:s7] =	ssyncset.done $0x0  }
0xa2: {  	[sflag:s7] =	ssyncadd.s32 $0xFFFFFC00  }
0xa3: {  	[tilespmem:s11], [sflag:$0x1] =	stream.indirect.gather [hbm4b:s1+s14], $0x80, s12, s14, $0xb8;
	[tilespmem:$0x1D880] =	vst v63  }
0xa4: {  	_ = 	snop  }
0xa5: {  	[tilespmem:s16], [sflag:$0x2] =	stream.indirect.gather [hbm4b:s1+s14], $0x80, s15, s14, $0xb8;
	[tilespmem:$0x1D880] =	vst v63  }
0xa6: {  	v1 =	vld [tilespmem:$0x4F00]  }
0xa7: {  	v2 =	vld [tilespmem:$0x5300];
	_ =	sdelay $0x6  }
0xa8: {  	v1 =	vld.idx.msk [tilespmem:v1+s26+$0x0], $0xffff  }
0xa9: {  	v3 =	vld.idx.msk [tilespmem:v2+s8+$0x0], $0xffff;
	_ =	sdelay $0x4  }
0xaa: {  	v1 =	vadd.f32 v3, v1;
	_ =	sdelay $0x1  }
0xab: {  	v3 =	vmul.f32 $2.000000030e-01, v1  }
0xac: {  	vm0 =	vgt.f32 v1, $0.0e+00  }
0xad: {  	v1 =	vsel vm0, v1, v3  }
0xae: {  	v1 =	vmul.f32 $1.442695020e+00, v1;
	_ =	sdelay $0x1  }
0xaf: {  	(erf) = vpow2.f32 v1;
	_ =	sdelay $0x8  }
0xb0: {  	v1 =	vpop (erf)  }
0xb1: {  	[tilespmem:$0x5700] =	vst v1  }
0xb2: {  	[tilespmem:v2+s17+$0x0] =	vst.idx.add.f32.msk $0xffff, v1  }
0xb3: {  	v1 =	vld [tilespmem:$0x4F10]  }
0xb4: {  	v2 =	vld [tilespmem:$0x5310];
	_ =	sdelay $0x6  }
0xb5: {  	v1 =	vld.idx.msk [tilespmem:v1+s26+$0x0], $0xffff  }
0xb6: {  	v3 =	vld.idx.msk [tilespmem:v2+s8+$0x0], $0xffff;
	_ =	sdelay $0x4  }
0xb7: {  	v1 =	vadd.f32 v3, v1;
	_ =	sdelay $0x1  }
0xb8: {  	v3 =	vmul.f32 $2.000000030e-01, v1  }
0xb9: {  	vm15 =	vgt.f32 v1, $0.0e+00  }
0xba: {  	v1 =	vsel vm15, v1, v3  }
0xbb: {  	v1 =	vmul.f32 $1.442695020e+00, v1;
	_ =	sdelay $0x1  }
0xbc: {  	(erf) = vpow2.f32 v1;
	_ =	sdelay $0x8  }
0xbd: {  	v1 =	vpop (erf)  }
0xbe: {  	[tilespmem:$0x5710] =	vst v1  }
0xbf: {  	[tilespmem:v2+s17+$0x0] =	vst.idx.add.f32.msk $0xffff, v1  }
0xc0: {  	_ =	swait.ge [sflag:s18], $0x1000  }
0xc1: {  	v1 =	vmov s26;
	[sflag:s18] =	ssyncset.done $0x0  }
0xc2: {  	s0 =	simm.s32 $0x5840;
	[sflag:s18] =	ssyncadd.s32 $0xFFFFF000  }
0xc3: {  	v5 =	vld [tilespmem:s0+$0x30]  }
0xc4: {  	v8 =	vld [tilespmem:s0+$0x10]  }
0xc5: {  	v6 =	vld [tilespmem:s0+$0xFFFFFFC0]  }
0xc6: {  	v2 =	vld.idx.msk [tilespmem:v1+s19+$0x0], $0xffff  }
0xc7: {  	v10 =	vld [tilespmem:s0+$0xFFFFFFE0]  }
0xc8: {  	v3 =	vld [tilespmem:s0+$0x20]  }
0xc9: {  	v4 =	vld [tilespmem:s0+$0xFFFFFFD0]  }
0xca: {  	v1 =	vld [tilespmem:s0+$0xFFFFFFF0]  }
0xcb: {  	v9 =	vmul.f32 v5, v2;
	v5 =	vld [tilespmem:s0+$0x0]  }
0xcc: {  	v7 =	vmul.f32 v6, v2  }
0xcd: {  	s4 =	simm.s32 $0x5840;
	s3 =	simm.s32 $0x1;
	v6 =	vmul.f32 v10, v2;
	v8 =	vmul.f32 v8, v2  }
.LBB2_7:
0xce: {  	p0 =	sne.s32 s3, $0x1F  }
0xcf: {  	v4 =	vmul.f32 v4, v2;
	v3 =	vmul.f32 v3, v2;
	[tilespmem:s0+$0x30] =	vst v9;
	s4 =	sadd.s32 $0x80, s4;
	s9 =	smov.u32 s3;
	s3 =	sadd.s32 $0x1, s3  }
0xd0: {  	[tilespmem:s0+$0xFFFFFFC0] =	vst v7;
	v7 =	vmul.f32 v1, v2;
	v2 =	vmul.f32 v5, v2  }
0xd1: {  	[tilespmem:s0+$0x10] =	vst v8  }
0xd2: {  	v5 =	vmov s9;
	[tilespmem:s0+$0xFFFFFFE0] =	vst v6  }
0xd3: {  	v1 =	vld [tilespmem:s4+$0xFFFFFFF0];
	[tilespmem:s0+$0xFFFFFFF0] =	vst v7  }
0xd4: {  	v6 =	vld [tilespmem:s4+$0x30];
	[tilespmem:s0+$0x0] =	vst v2  }
0xd5: {  	v8 =	vld [tilespmem:s4+$0x10];
	[tilespmem:s0+$0x20] =	vst v3  }
0xd6: {  	v7 =	vld [tilespmem:s4+$0xFFFFFFC0];
	[tilespmem:s0+$0xFFFFFFD0] =	vst v4;
	s0 =	smov.u32 s4  }
0xd7: {  	v2 =	vld.idx.msk [tilespmem:v5+s19+$0x0], $0xffff  }
0xd8: {  	v10 =	vld [tilespmem:s4+$0xFFFFFFE0]  }
0xd9: {  	v3 =	vld [tilespmem:s4+$0x20]  }
.Ltmp2:
0xda: {  	v4 =	vld [tilespmem:s4+$0xFFFFFFD0];
	(pc) =	sbr.rel @p0 .LBB2_7-.Ltmp2, $3  }
0xdb: {  	v5 =	vld [tilespmem:s4+$0x0];
	_ =	sdelay $0x1  }
0xdc: {  	v7 =	vmul.f32 v7, v2;
	v9 =	vmul.f32 v6, v2  }
0xdd: {  	v8 =	vmul.f32 v8, v2;
	v6 =	vmul.f32 v10, v2  }
0xde: {  	[tilespmem:s0+$0x30] =	vst v9  }
0xdf: {  	[tilespmem:s0+$0xFFFFFFC0] =	vst v7  }
0xe0: {  	v1 =	vmul.f32 v1, v2;
	[tilespmem:s0+$0x10] =	vst v8  }
0xe1: {  	v3 =	vmul.f32 v3, v2;
	[tilespmem:s0+$0xFFFFFFE0] =	vst v6  }
0xe2: {  	v5 =	vmul.f32 v5, v2;
	[tilespmem:s0+$0xFFFFFFF0] =	vst v1  }
0xe3: {  	v1 =	vmul.f32 v4, v2;
	[tilespmem:s0+$0x20] =	vst v3  }
0xe4: {  	[tilespmem:s0+$0x0] =	vst v5  }
0xe5: {  	[tilespmem:s0+$0xFFFFFFD0] =	vst v1  }
0xe6: {  	[spmem:s2] =	stream.indirect.scatter.add.f32 [tilespmem:s11], [sflag:$0x3], $0x80, s13, s14, $0xb8;
	[tilespmem:$0x1D880] =	vst v63  }
0xe7: {  	v1 =	vld [tilespmem:$0x4F80]  }
0xe8: {  	v2 =	vld [tilespmem:$0x5380];
	_ =	sdelay $0x5  }
0xe9: {  	s31 =	simm.s32 $0x0  }
0xea: {  	v1 =	vld.idx.msk [tilespmem:v1+s31+$0x0], $0xffff  }
0xeb: {  	v3 =	vld.idx.msk [tilespmem:v2+s8+$0x0], $0xffff;
	_ =	sdelay $0x4  }
0xec: {  	v1 =	vadd.f32 v3, v1;
	_ =	sdelay $0x1  }
0xed: {  	v3 =	vmul.f32 $2.000000030e-01, v1  }
0xee: {  	vm0 =	vgt.f32 v1, $0.0e+00  }
0xef: {  	v1 =	vsel vm0, v1, v3  }
0xf0: {  	v1 =	vmul.f32 $1.442695020e+00, v1;
	_ =	sdelay $0x1  }
0xf1: {  	(erf) = vpow2.f32 v1;
	_ =	sdelay $0x8  }
0xf2: {  	v1 =	vpop (erf)  }
0xf3: {  	[tilespmem:$0x5780] =	vst v1  }
0xf4: {  	[tilespmem:v2+s17+$0x0] =	vst.idx.add.f32.msk $0xffff, v1  }
0xf5: {  	v1 =	vld [tilespmem:$0x4F90]  }
0xf6: {  	v2 =	vld [tilespmem:$0x5390];
	_ =	sdelay $0x6  }
0xf7: {  	v1 =	vld.idx.msk [tilespmem:v1+s31+$0x0], $0xffff  }
0xf8: {  	v3 =	vld.idx.msk [tilespmem:v2+s8+$0x0], $0xffff;
	_ =	sdelay $0x4  }
0xf9: {  	v1 =	vadd.f32 v3, v1;
	_ =	sdelay $0x1  }
0xfa: {  	v3 =	vmul.f32 $2.000000030e-01, v1  }
0xfb: {  	vm15 =	vgt.f32 v1, $0.0e+00  }
0xfc: {  	v1 =	vsel vm15, v1, v3  }
0xfd: {  	v1 =	vmul.f32 $1.442695020e+00, v1;
	_ =	sdelay $0x1  }
0xfe: {  	(erf) = vpow2.f32 v1;
	_ =	sdelay $0x8  }
0xff: {  	v1 =	vpop (erf)  }
0x100: {  	[tilespmem:$0x5790] =	vst v1  }
0x101: {  	[tilespmem:v2+s17+$0x0] =	vst.idx.add.f32.msk $0xffff, v1  }
0x102: {  	_ =	swait.ge [sflag:s20], $0x1000  }
0x103: {  	v1 =	vmov s31;
	[sflag:s20] =	ssyncset.done $0x0  }
0x104: {  	s0 =	simm.s32 $0x6840;
	[sflag:s20] =	ssyncadd.s32 $0xFFFFF000  }
0x105: {  	v5 =	vld [tilespmem:s0+$0x30]  }
0x106: {  	v8 =	vld [tilespmem:s0+$0x10]  }
0x107: {  	v6 =	vld [tilespmem:s0+$0xFFFFFFC0]  }
0x108: {  	v2 =	vld.idx.msk [tilespmem:v1+s21+$0x0], $0xffff  }
0x109: {  	v10 =	vld [tilespmem:s0+$0xFFFFFFE0]  }
0x10a: {  	v3 =	vld [tilespmem:s0+$0x20]  }
0x10b: {  	v4 =	vld [tilespmem:s0+$0xFFFFFFD0]  }
0x10c: {  	v1 =	vld [tilespmem:s0+$0xFFFFFFF0]  }
0x10d: {  	v9 =	vmul.f32 v5, v2;
	v5 =	vld [tilespmem:s0+$0x0]  }
0x10e: {  	v7 =	vmul.f32 v6, v2  }
0x10f: {  	s3 =	simm.s32 $0x1;
	s4 =	simm.s32 $0x6840;
	v6 =	vmul.f32 v10, v2;
	v8 =	vmul.f32 v8, v2  }
.LBB2_9:
0x110: {  	p0 =	sne.s32 s3, $0x1F  }
0x111: {  	v4 =	vmul.f32 v4, v2;
	v3 =	vmul.f32 v3, v2;
	[tilespmem:s0+$0x30] =	vst v9;
	s4 =	sadd.s32 $0x80, s4;
	s9 =	smov.u32 s3;
	s3 =	sadd.s32 $0x1, s3  }
0x112: {  	[tilespmem:s0+$0xFFFFFFC0] =	vst v7;
	v7 =	vmul.f32 v1, v2;
	v2 =	vmul.f32 v5, v2  }
0x113: {  	[tilespmem:s0+$0x10] =	vst v8  }
0x114: {  	v5 =	vmov s9;
	[tilespmem:s0+$0xFFFFFFE0] =	vst v6  }
0x115: {  	v1 =	vld [tilespmem:s4+$0xFFFFFFF0];
	[tilespmem:s0+$0xFFFFFFF0] =	vst v7  }
0x116: {  	v6 =	vld [tilespmem:s4+$0x30];
	[tilespmem:s0+$0x0] =	vst v2  }
0x117: {  	v8 =	vld [tilespmem:s4+$0x10];
	[tilespmem:s0+$0x20] =	vst v3  }
0x118: {  	v7 =	vld [tilespmem:s4+$0xFFFFFFC0];
	[tilespmem:s0+$0xFFFFFFD0] =	vst v4;
	s0 =	smov.u32 s4  }
0x119: {  	v2 =	vld.idx.msk [tilespmem:v5+s21+$0x0], $0xffff  }
0x11a: {  	v10 =	vld [tilespmem:s4+$0xFFFFFFE0]  }
0x11b: {  	v3 =	vld [tilespmem:s4+$0x20]  }
.Ltmp3:
0x11c: {  	v4 =	vld [tilespmem:s4+$0xFFFFFFD0];
	(pc) =	sbr.rel @p0 .LBB2_9-.Ltmp3, $3  }
0x11d: {  	v5 =	vld [tilespmem:s4+$0x0];
	_ =	sdelay $0x1  }
0x11e: {  	v7 =	vmul.f32 v7, v2;
	v9 =	vmul.f32 v6, v2  }
0x11f: {  	v8 =	vmul.f32 v8, v2;
	v6 =	vmul.f32 v10, v2  }
0x120: {  	[tilespmem:s0+$0x30] =	vst v9  }
0x121: {  	[tilespmem:s0+$0xFFFFFFC0] =	vst v7  }
0x122: {  	v1 =	vmul.f32 v1, v2;
	[tilespmem:s0+$0x10] =	vst v8  }
0x123: {  	v3 =	vmul.f32 v3, v2;
	[tilespmem:s0+$0xFFFFFFE0] =	vst v6  }
0x124: {  	v5 =	vmul.f32 v5, v2;
	[tilespmem:s0+$0xFFFFFFF0] =	vst v1  }
0x125: {  	v1 =	vmul.f32 v4, v2;
	[tilespmem:s0+$0x20] =	vst v3  }
0x126: {  	[tilespmem:s0+$0x0] =	vst v5  }
0x127: {  	s29 =	simm.s32 $0x1;
	[tilespmem:s0+$0xFFFFFFD0] =	vst v1  }
0x128: {  	[spmem:s2] =	stream.indirect.scatter.add.f32 [tilespmem:s16], [sflag:$0x4], $0x80, s22, s14, $0xb8;
	[tilespmem:$0x1D880] =	vst v63  }
.LBB2_11:
0x129: {  	_ =	swait.ge [sflag:s23], $0x1000  }
0x12a: {  	[sflag:s23] =	ssyncset.done $0x0  }
0x12b: {  	[sflag:s23] =	ssyncadd.s32 $0xFFFFF000  }
0x12c: {  	_ =	swait.ge [sflag:s24], $0x1000  }
0x12d: {  	s30 =	sshll.u32 s29, $0x8;
	[sflag:s24] =	ssyncset.done $0x0  }
0x12e: {  	s0 =	sadd.s32 $0x4F00, s30;
	[sflag:s24] =	ssyncadd.s32 $0xFFFFF000  }
0x12f: {  	[tilespmem:s11], [sflag:$0x1] =	stream.indirect.gather [hbm4b:s1+s14], $0x80, s0, s14, $0xb8;
	[tilespmem:$0x1D880] =	vst v63  }
0x130: {  	s9 =	sadd.s32 $0x4F80, s30  }
0x131: {  	[tilespmem:s16], [sflag:$0x2] =	stream.indirect.gather [hbm4b:s1+s14], $0x80, s9, s14, $0xb8;
	[tilespmem:$0x1D880] =	vst v63  }
0x132: {  	v1 =	vld [tilespmem:s30+$0x4F00]  }
0x133: {  	v2 =	vld [tilespmem:s30+$0x5300];
	_ =	sdelay $0x5  }
0x134: {  	s25 =	simm.s32 $0x0  }
0x135: {  	v1 =	vld.idx.msk [tilespmem:v1+s25+$0x0], $0xffff  }
0x136: {  	v3 =	vld.idx.msk [tilespmem:v2+s8+$0x0], $0xffff;
	_ =	sdelay $0x4  }
0x137: {  	v1 =	vadd.f32 v3, v1;
	_ =	sdelay $0x1  }
0x138: {  	v3 =	vmul.f32 $2.000000030e-01, v1  }
0x139: {  	vm0 =	vgt.f32 v1, $0.0e+00  }
0x13a: {  	v1 =	vsel vm0, v1, v3  }
0x13b: {  	v1 =	vmul.f32 $1.442695020e+00, v1;
	_ =	sdelay $0x1  }
0x13c: {  	(erf) = vpow2.f32 v1;
	_ =	sdelay $0x8  }
0x13d: {  	v1 =	vpop (erf)  }
0x13e: {  	[tilespmem:$0x5700] =	vst v1  }
0x13f: {  	[tilespmem:v2+s17+$0x0] =	vst.idx.add.f32.msk $0xffff, v1  }
0x140: {  	v1 =	vld [tilespmem:s30+$0x4F10]  }
0x141: {  	v2 =	vld [tilespmem:s30+$0x5310];
	_ =	sdelay $0x6  }
0x142: {  	v1 =	vld.idx.msk [tilespmem:v1+s25+$0x0], $0xffff  }
0x143: {  	v3 =	vld.idx.msk [tilespmem:v2+s8+$0x0], $0xffff;
	_ =	sdelay $0x4  }
0x144: {  	v1 =	vadd.f32 v3, v1;
	_ =	sdelay $0x1  }
0x145: {  	v3 =	vmul.f32 $2.000000030e-01, v1  }
0x146: {  	vm15 =	vgt.f32 v1, $0.0e+00  }
0x147: {  	v1 =	vsel vm15, v1, v3  }
0x148: {  	v1 =	vmul.f32 $1.442695020e+00, v1;
	_ =	sdelay $0x1  }
0x149: {  	(erf) = vpow2.f32 v1;
	_ =	sdelay $0x8  }
0x14a: {  	v1 =	vpop (erf)  }
0x14b: {  	[tilespmem:$0x5710] =	vst v1  }
0x14c: {  	[tilespmem:v2+s17+$0x0] =	vst.idx.add.f32.msk $0xffff, v1  }
0x14d: {  	_ =	swait.ge [sflag:s18], $0x1000  }
0x14e: {  	v1 =	vmov s25;
	[sflag:s18] =	ssyncset.done $0x0  }
0x14f: {  	s0 =	simm.s32 $0x5840;
	[sflag:s18] =	ssyncadd.s32 $0xFFFFF000  }
0x150: {  	v5 =	vld [tilespmem:s0+$0x30]  }
0x151: {  	v8 =	vld [tilespmem:s0+$0x10]  }
0x152: {  	v6 =	vld [tilespmem:s0+$0xFFFFFFC0]  }
0x153: {  	v2 =	vld.idx.msk [tilespmem:v1+s19+$0x0], $0xffff  }
0x154: {  	v10 =	vld [tilespmem:s0+$0xFFFFFFE0]  }
0x155: {  	v3 =	vld [tilespmem:s0+$0x20]  }
0x156: {  	v4 =	vld [tilespmem:s0+$0xFFFFFFD0]  }
0x157: {  	v1 =	vld [tilespmem:s0+$0xFFFFFFF0]  }
0x158: {  	v9 =	vmul.f32 v5, v2;
	v5 =	vld [tilespmem:s0+$0x0]  }
0x159: {  	s4 =	simm.s32 $0x1;
	v7 =	vmul.f32 v6, v2  }
0x15a: {  	s31 =	sor.u32 $0x80, s30;
	s3 =	sadd.s32 $0x5300, s30;
	s9 =	simm.s32 $0x5840;
	v6 =	vmul.f32 v10, v2;
	v8 =	vmul.f32 v8, v2  }
.LBB2_12:
0x15b: {  	p0 =	sne.s32 s4, $0x1F  }
0x15c: {  	v4 =	vmul.f32 v4, v2;
	v3 =	vmul.f32 v3, v2;
	[tilespmem:s0+$0x30] =	vst v9;
	s9 =	sadd.s32 $0x80, s9;
	s25 =	smov.u32 s4;
	s4 =	sadd.s32 $0x1, s4  }
0x15d: {  	[tilespmem:s0+$0xFFFFFFC0] =	vst v7;
	v7 =	vmul.f32 v1, v2;
	v2 =	vmul.f32 v5, v2  }
0x15e: {  	[tilespmem:s0+$0x10] =	vst v8  }
0x15f: {  	v5 =	vmov s25;
	[tilespmem:s0+$0xFFFFFFE0] =	vst v6  }
0x160: {  	v1 =	vld [tilespmem:s9+$0xFFFFFFF0];
	[tilespmem:s0+$0xFFFFFFF0] =	vst v7  }
0x161: {  	v6 =	vld [tilespmem:s9+$0x30];
	[tilespmem:s0+$0x0] =	vst v2  }
0x162: {  	v8 =	vld [tilespmem:s9+$0x10];
	[tilespmem:s0+$0x20] =	vst v3  }
0x163: {  	v7 =	vld [tilespmem:s9+$0xFFFFFFC0];
	[tilespmem:s0+$0xFFFFFFD0] =	vst v4;
	s0 =	smov.u32 s9  }
0x164: {  	v2 =	vld.idx.msk [tilespmem:v5+s19+$0x0], $0xffff  }
0x165: {  	v10 =	vld [tilespmem:s9+$0xFFFFFFE0]  }
0x166: {  	v3 =	vld [tilespmem:s9+$0x20]  }
.Ltmp4:
0x167: {  	v4 =	vld [tilespmem:s9+$0xFFFFFFD0];
	(pc) =	sbr.rel @p0 .LBB2_12-.Ltmp4, $3  }
0x168: {  	v5 =	vld [tilespmem:s9+$0x0];
	_ =	sdelay $0x1  }
0x169: {  	v7 =	vmul.f32 v7, v2;
	v9 =	vmul.f32 v6, v2  }
0x16a: {  	v8 =	vmul.f32 v8, v2;
	v6 =	vmul.f32 v10, v2  }
0x16b: {  	[tilespmem:s0+$0x30] =	vst v9  }
0x16c: {  	[tilespmem:s0+$0xFFFFFFC0] =	vst v7  }
0x16d: {  	v1 =	vmul.f32 v1, v2;
	[tilespmem:s0+$0x10] =	vst v8  }
0x16e: {  	v3 =	vmul.f32 v3, v2;
	[tilespmem:s0+$0xFFFFFFE0] =	vst v6  }
0x16f: {  	v5 =	vmul.f32 v5, v2;
	[tilespmem:s0+$0xFFFFFFF0] =	vst v1  }
0x170: {  	v1 =	vmul.f32 v4, v2;
	[tilespmem:s0+$0x20] =	vst v3  }
0x171: {  	[tilespmem:s0+$0x0] =	vst v5  }
0x172: {  	[tilespmem:s0+$0xFFFFFFD0] =	vst v1  }
0x173: {  	[spmem:s2] =	stream.indirect.scatter.add.f32 [tilespmem:s11], [sflag:$0x3], $0x80, s3, s14, $0xb8;
	[tilespmem:$0x1D880] =	vst v63  }
0x174: {  	v1 =	vld [tilespmem:s31+$0x4F00]  }
0x175: {  	v2 =	vld [tilespmem:s31+$0x5300];
	_ =	sdelay $0x5  }
0x176: {  	s25 =	simm.s32 $0x0  }
0x177: {  	v1 =	vld.idx.msk [tilespmem:v1+s25+$0x0], $0xffff  }
0x178: {  	v3 =	vld.idx.msk [tilespmem:v2+s8+$0x0], $0xffff;
	_ =	sdelay $0x4  }
0x179: {  	v1 =	vadd.f32 v3, v1;
	_ =	sdelay $0x1  }
0x17a: {  	v3 =	vmul.f32 $2.000000030e-01, v1  }
0x17b: {  	vm0 =	vgt.f32 v1, $0.0e+00  }
0x17c: {  	v1 =	vsel vm0, v1, v3  }
0x17d: {  	v1 =	vmul.f32 $1.442695020e+00, v1;
	_ =	sdelay $0x1  }
0x17e: {  	(erf) = vpow2.f32 v1;
	_ =	sdelay $0x8  }
0x17f: {  	v1 =	vpop (erf)  }
0x180: {  	[tilespmem:$0x5780] =	vst v1  }
0x181: {  	[tilespmem:v2+s17+$0x0] =	vst.idx.add.f32.msk $0xffff, v1  }
0x182: {  	v1 =	vld [tilespmem:s30+$0x4F90]  }
0x183: {  	v2 =	vld [tilespmem:s30+$0x5390];
	_ =	sdelay $0x6  }
0x184: {  	v1 =	vld.idx.msk [tilespmem:v1+s25+$0x0], $0xffff  }
0x185: {  	v3 =	vld.idx.msk [tilespmem:v2+s8+$0x0], $0xffff;
	_ =	sdelay $0x4  }
0x186: {  	v1 =	vadd.f32 v3, v1;
	_ =	sdelay $0x1  }
0x187: {  	v3 =	vmul.f32 $2.000000030e-01, v1  }
0x188: {  	vm15 =	vgt.f32 v1, $0.0e+00  }
0x189: {  	v1 =	vsel vm15, v1, v3  }
0x18a: {  	v1 =	vmul.f32 $1.442695020e+00, v1;
	_ =	sdelay $0x1  }
0x18b: {  	(erf) = vpow2.f32 v1;
	_ =	sdelay $0x8  }
0x18c: {  	v1 =	vpop (erf)  }
0x18d: {  	[tilespmem:$0x5790] =	vst v1  }
0x18e: {  	[tilespmem:v2+s17+$0x0] =	vst.idx.add.f32.msk $0xffff, v1  }
0x18f: {  	_ =	swait.ge [sflag:s20], $0x1000  }
0x190: {  	v1 =	vmov s25;
	[sflag:s20] =	ssyncset.done $0x0  }
0x191: {  	s0 =	simm.s32 $0x6840;
	[sflag:s20] =	ssyncadd.s32 $0xFFFFF000  }
0x192: {  	v5 =	vld [tilespmem:s0+$0x30]  }
0x193: {  	v8 =	vld [tilespmem:s0+$0x10]  }
0x194: {  	v6 =	vld [tilespmem:s0+$0xFFFFFFC0]  }
0x195: {  	v2 =	vld.idx.msk [tilespmem:v1+s21+$0x0], $0xffff  }
0x196: {  	v10 =	vld [tilespmem:s0+$0xFFFFFFE0]  }
0x197: {  	v3 =	vld [tilespmem:s0+$0x20]  }
0x198: {  	v4 =	vld [tilespmem:s0+$0xFFFFFFD0]  }
0x199: {  	v1 =	vld [tilespmem:s0+$0xFFFFFFF0]  }
0x19a: {  	v9 =	vmul.f32 v5, v2;
	v5 =	vld [tilespmem:s0+$0x0]  }
0x19b: {  	v7 =	vmul.f32 v6, v2  }
0x19c: {  	s4 =	simm.s32 $0x1;
	s9 =	simm.s32 $0x6840;
	s3 =	sadd.s32 $0x5300, s31;
	v6 =	vmul.f32 v10, v2;
	v8 =	vmul.f32 v8, v2  }
.LBB2_14:
0x19d: {  	p0 =	sne.s32 s4, $0x1F  }
0x19e: {  	v4 =	vmul.f32 v4, v2;
	v3 =	vmul.f32 v3, v2;
	[tilespmem:s0+$0x30] =	vst v9;
	s9 =	sadd.s32 $0x80, s9;
	s25 =	smov.u32 s4;
	s4 =	sadd.s32 $0x1, s4  }
0x19f: {  	[tilespmem:s0+$0xFFFFFFC0] =	vst v7;
	v7 =	vmul.f32 v1, v2;
	v2 =	vmul.f32 v5, v2  }
0x1a0: {  	[tilespmem:s0+$0x10] =	vst v8  }
0x1a1: {  	v5 =	vmov s25;
	[tilespmem:s0+$0xFFFFFFE0] =	vst v6  }
0x1a2: {  	v1 =	vld [tilespmem:s9+$0xFFFFFFF0];
	[tilespmem:s0+$0xFFFFFFF0] =	vst v7  }
0x1a3: {  	v6 =	vld [tilespmem:s9+$0x30];
	[tilespmem:s0+$0x0] =	vst v2  }
0x1a4: {  	v8 =	vld [tilespmem:s9+$0x10];
	[tilespmem:s0+$0x20] =	vst v3  }
0x1a5: {  	v7 =	vld [tilespmem:s9+$0xFFFFFFC0];
	[tilespmem:s0+$0xFFFFFFD0] =	vst v4;
	s0 =	smov.u32 s9  }
0x1a6: {  	v2 =	vld.idx.msk [tilespmem:v5+s21+$0x0], $0xffff  }
0x1a7: {  	v10 =	vld [tilespmem:s9+$0xFFFFFFE0]  }
0x1a8: {  	v3 =	vld [tilespmem:s9+$0x20]  }
.Ltmp5:
0x1a9: {  	v4 =	vld [tilespmem:s9+$0xFFFFFFD0];
	(pc) =	sbr.rel @p0 .LBB2_14-.Ltmp5, $3  }
0x1aa: {  	v5 =	vld [tilespmem:s9+$0x0];
	_ =	sdelay $0x1  }
0x1ab: {  	v7 =	vmul.f32 v7, v2;
	v9 =	vmul.f32 v6, v2  }
0x1ac: {  	v8 =	vmul.f32 v8, v2;
	v6 =	vmul.f32 v10, v2  }
0x1ad: {  	[tilespmem:s0+$0x30] =	vst v9  }
0x1ae: {  	[tilespmem:s0+$0xFFFFFFC0] =	vst v7  }
0x1af: {  	v1 =	vmul.f32 v1, v2;
	s29 =	sadd.s32 $0x1, s29;
	[tilespmem:s0+$0x10] =	vst v8  }
0x1b0: {  	v3 =	vmul.f32 v3, v2;
	[tilespmem:s0+$0xFFFFFFE0] =	vst v6;
	p0 =	sne.s32 s29, $0x4  }
.Ltmp6:
0x1b1: {  	v5 =	vmul.f32 v5, v2;
	[tilespmem:s0+$0xFFFFFFF0] =	vst v1;
	(pc) =	sbr.rel @p0 .LBB2_11-.Ltmp6, $4  }
0x1b2: {  	v1 =	vmul.f32 v4, v2;
	[tilespmem:s0+$0x20] =	vst v3  }
0x1b3: {  	[tilespmem:s0+$0x0] =	vst v5  }
0x1b4: {  	[tilespmem:s0+$0xFFFFFFD0] =	vst v1  }
0x1b5: {  	[spmem:s2] =	stream.indirect.scatter.add.f32 [tilespmem:s16], [sflag:$0x4], $0x80, s3, s14, $0xb8;
	[tilespmem:$0x1D880] =	vst v63  }
0x1b6: {  	s28 =	sadd.s32 $0x1, s28  }
0x1b7: {  	_ =	swait.ge [sflag:s23], $0x1000;
	p0 =	sne.s32 s28, $0x28  }
.Ltmp7:
0x1b8: {  	[sflag:s23] =	ssyncset.done $0x0;
	(pc) =	sbr.rel @p0 .LBB2_6-.Ltmp7, $4  }
0x1b9: {  	[sflag:s23] =	ssyncadd.s32 $0xFFFFF000  }
0x1ba: {  	_ =	swait.ge [sflag:s24], $0x1000  }
0x1bb: {  	[sflag:s24] =	ssyncset.done $0x0  }
0x1bc: {  	[sflag:s24] =	ssyncadd.s32 $0xFFFFF000  }
0x1bd: {  	s0 =	stileid.u32;
	[bflag:$0x0] =	sbarrier.arrive $0xFFFF  }
0x1be: {  	s0 =	sshll.u32 s0, $0x6;
	s9 =	rddreg [dreg:$0x6]  }
0x1bf: {  	s4 =	rddreg [dreg:$0x7];
	s0 =	sor.u32 $0x1C05, s0;
	s3 =	sshrl.u32 s9, $0x3  }
0x1c0: {  	[hbm:s4], [sflag:s0] =	dma.local [spmem:s3], $0x2800  }
0x1c1: {  	_ =	swait.ge [sflag:s7], $0x2800  }
0x1c2: {  	[sflag:s7] =	ssyncset.done $0x0  }
0x1c3: {  	s25 =	simm.s32 $0x0;
	s29 =	rddreg [dreg:$0x8];
	[sflag:s7] =	ssyncadd.s32 $0xFFFFD800  }
0x1c4: {  	[hbm4b:s29+s25] =	stream.linear.scatter [tilespmem:s17], [sflag:$0x5], $0x2720, $0x38;
	[tilespmem:$0x1D880] =	vst v63  }
0x1c5: {  	_ =	swait.ge [sflag:s7], $0x2720  }
0x1c6: {  	s30 =	rddreg [dreg:$0x1d]  }
0x1c7: {  	s31 =	rddreg [dreg:$0x9];
	s3 =	sadd.s32 $0x1, s30  }
0x1c8: {  	p0 =	sne.s32 s3, s31  }
.Ltmp8:
0x1c9: {  	_ = 	snop;
	(pc) =	sbr.rel @p0 .LBB2_1-.Ltmp8, $3  }
0x1ca: {  	_ =	sdelay $0x1  }
0x1cb: {  	[sflag:s7] =	ssyncset.done $0x0  }
0x1cc: {  	[sflag:s7] =	ssyncadd.s32 $0xFFFFD8E0  }
0x1cd: {  	_ =	sfence.sel $0x180000  }
0x1ce: {  	[bflag:$0x0] =	sbarrier.arrive $0xFFFF  }
0x1cf: {  	_ =	strace $0x90000047  }
0x1d0: {  	s0 =	stileid.u32;
	[bflag:$0x2] =	sbarrier.arrive $0xFFFF  }
0x1d1: {  	p0 =	sne.s32 s0, $0x0;
	s0 =	rddreg [dreg:$0x3]  }
0x1d2: {  	s0 =	sadd.s32 @!p0 $0x100000, s0  }
0x1d3: {  	[sflag:s0] =	ssyncadd.tile.s32 @!p0 $0x1;
	_ =	shalt  }
.Lfunc_end2:
_tile_overlayer_lowered:
.L_overlay_start_2:
0x1d4: {  	(tag) =	ssettag $0x2  }
0x1d5: {  	s0 =	rddreg [dreg:$0x0];
	s2 =	stileid.u32  }
0x1d6: {  	s1 =	rddreg [dreg:$0x1];
	p0 =	sne.s32 s2, $0x0  }
0x1d7: {  	s3 =	rddreg [dreg:$0x2];
	[bflag:$0x3] =	sbarrier.arrive $0xFFFF;
	s2 =	simm.s32 @!p0 $0x1C05  }
0x1d8: {  	[timem:s3], [sflag:s2] =	dma.local @!p0 [hbm:s0], s1  }
0x1d9: {  	s0 =	simm.s32 @!p0 $0x5  }
0x1da: {  	_ =	swait.ge @!p0 [sflag:s0], s1  }
0x1db: {  	s1 =	ssub.s32 @!p0 $0x0, s1;
	[sflag:s0] =	ssyncset.done @!p0 $0x0  }
0x1dc: {  	[sflag:s0] =	ssyncadd.s32 @!p0 s1  }
0x1dd: {  	[bflag:$0x3] =	sbarrier.arrive $0xFFFF  }
0x1de: {  	_ =	shalt  }

</sc_bundles>
